<compile_context>
chip_gen: v7x
topology: tpu7x:2x2x1
jax: 0.10.2.dev20260603
libtpu: 0.0.44.dev20260713+nightly
codegen_flags: <defaults>
</compile_context>

<pallas_src>
import functools

import jax
import jax.numpy as jnp
from jax import lax
from jax.experimental import pallas as pl
from jax.experimental.pallas import tpu as pltpu
from jax.experimental.pallas import tpu_sc as plsc

T = 2048
D = 1024
F = 2048
E = 8
K = 2

BLK = 256
NT = 23
P_CAP = NT * BLK
FC = 512
NFC = F // FC
NSLOT = 2

NC, NS = 2, 16
NW = NC * NS
TPW = T // NW
KC = 32
CH = 128
NCH = (K * T) // CH

_f32 = jnp.float32
_i32 = jnp.int32


def _router_body(x_ref, gw_ref, pos0_ref, pos1_ref, w0_ref, w1_ref,
                 te_ref, tv_ref, fa_ref, sl_ref, ne_ref, ne2_ref,
                 oh_scr, rank_scr):
    x = x_ref[...]
    logits = lax.dot_general(x, gw_ref[...], (((1,), (1,)), ((), ())),
                             preferred_element_type=_f32)
    m = jnp.max(logits, axis=1, keepdims=True)
    p = jnp.exp(logits - m)
    probs = p / jnp.sum(p, axis=1, keepdims=True)

    iota_e = lax.broadcasted_iota(_i32, (T, E), 1)
    v0 = jnp.max(probs, axis=1, keepdims=True)
    i0 = jnp.min(jnp.where(probs == v0, iota_e, E), axis=1, keepdims=True)
    probs2 = jnp.where(iota_e == i0, -1.0, probs)
    v1 = jnp.max(probs2, axis=1, keepdims=True)
    i1 = jnp.min(jnp.where(probs2 == v1, iota_e, E), axis=1, keepdims=True)
    s = v0 + v1
    w0_ref[...] = jnp.broadcast_to(v0 / s, (T, 128))
    w1_ref[...] = jnp.broadcast_to(v1 / s, (T, 128))

    e_pair = jnp.concatenate([i0, i1], axis=0)
    onehot = (jnp.broadcast_to(e_pair, (K * T, E))
              == lax.broadcasted_iota(_i32, (K * T, E), 1)).astype(_f32)
    oh_scr[...] = onehot

    tri = (lax.broadcasted_iota(_i32, (CH, CH), 0)
           >= lax.broadcasted_iota(_i32, (CH, CH), 1)).astype(_f32)

    def step(c, tot):
        off = pl.multiple_of(c * CH, CH)
        ob = oh_scr[pl.ds(off, CH), :]
        inc = lax.dot_general(tri, ob, (((1,), (0,)), ((), ())),
                              preferred_element_type=_f32)
        rank_scr[pl.ds(off, CH), :] = ob * (inc + jnp.broadcast_to(tot, (CH, E)))
        return tot + jnp.sum(ob, axis=0, keepdims=True)

    lax.fori_loop(0, NCH, step, jnp.zeros((1, E), _f32))

    countsT = lax.dot_general(oh_scr[...], jnp.ones((K * T, 1), _f32),
                              (((0,), (0,)), ((), ())))
    ciT = countsT.astype(_i32)
    pcT = ((ciT + (BLK - 1)) // BLK) * BLK
    sl = (lax.broadcasted_iota(_i32, (E, E), 0)
          > lax.broadcasted_iota(_i32, (E, E), 1)).astype(_f32)
    offT = lax.dot_general(sl, pcT.astype(_f32),
                           (((1,), (0,)), ((), ())))

    rank_incl = jnp.sum(rank_scr[...], axis=1, keepdims=True)
    slot_base = lax.dot_general(oh_scr[...], offT,
                                (((1,), (0,)), ((), ())))
    pos = (rank_incl - 1.0 + slot_base).astype(_i32)
    pos0_ref[...] = lax.slice(pos, (0, 0), (T, 1))
    pos1_ref[...] = lax.slice(pos, (T, 0), (K * T, 1))

    cumT = offT + pcT.astype(_f32)
    iota_i = lax.broadcasted_iota(_i32, (1, 128), 1)
    starts = (iota_i * BLK).astype(_f32)

    def tile_expert(st):
        cnt = jnp.zeros((1, 128), _f32)
        for e in range(E):
            ce = jnp.broadcast_to(cumT[e:e + 1, 0:1], (1, 128))
            cnt += (st >= ce).astype(_f32)
        return jnp.minimum(cnt, float(E - 1)).astype(_i32)

    te = tile_expert(starts)
    te_prev = tile_expert(starts - float(BLK))
    total = jnp.broadcast_to(cumT[E - 1:E, 0:1], (1, 128))
    tv = (starts < total).astype(_i32)
    fa = jnp.where((iota_i == 0) | (te != te_prev), 1, 0)
    le = (lax.broadcasted_iota(_i32, (128, 128), 0)
          <= lax.broadcasted_iota(_i32, (128, 128), 1)).astype(_f32)
    cum_fa = lax.dot_general(fa.astype(_f32), le, (((1,), (0,)), ((), ())))
    sl = lax.rem(cum_fa.astype(_i32) - 1, NSLOT)

    def next_run_expert(cur_e):
        bnd = jnp.zeros((1, 128), _f32)
        for e in range(E):
            ce = jnp.broadcast_to(cumT[e:e + 1, 0:1], (1, 128))
            bnd = jnp.where(cur_e == e, ce, bnd)
        cnt = jnp.zeros((1, 128), _f32)
        for e in range(E):
            ce = jnp.broadcast_to(cumT[e:e + 1, 0:1], (1, 128))
            cnt += (bnd >= ce).astype(_f32)
        nxt = jnp.where((bnd < total) & (cur_e >= 0),
                        jnp.minimum(cnt, float(E - 1)).astype(_i32), -1)
        return nxt

    ne = next_run_expert(te)
    ne2 = next_run_expert(ne)
    te_ref[...] = te
    tv_ref[...] = tv
    fa_ref[...] = fa
    sl_ref[...] = sl
    ne_ref[...] = ne
    ne2_ref[...] = ne2


_router = pl.pallas_call(
    _router_body,
    out_shape=(
        jax.ShapeDtypeStruct((T, 1), _i32),
        jax.ShapeDtypeStruct((T, 1), _i32),
        jax.ShapeDtypeStruct((T, 128), _f32),
        jax.ShapeDtypeStruct((T, 128), _f32),
        jax.ShapeDtypeStruct((1, 128), _i32),
        jax.ShapeDtypeStruct((1, 128), _i32),
        jax.ShapeDtypeStruct((1, 128), _i32),
        jax.ShapeDtypeStruct((1, 128), _i32),
        jax.ShapeDtypeStruct((1, 128), _i32),
        jax.ShapeDtypeStruct((1, 128), _i32),
    ),
    scratch_shapes=[
        pltpu.VMEM((K * T, E), _f32),
        pltpu.VMEM((K * T, E), _f32),
    ],
)


def _dispatch_body(x_hbm, pos0_hbm, pos1_hbm, xs_hbm, idx0_v, idx1_v, rows_v,
                   sem, sem2):
    wid = lax.axis_index("s") * NC + lax.axis_index("c")
    base = wid * TPW
    pltpu.sync_copy(pos0_hbm.at[pl.ds(base, TPW)], idx0_v)
    pltpu.sync_copy(pos1_hbm.at[pl.ds(base, TPW)], idx1_v)
    pltpu.sync_copy(x_hbm.at[pl.ds(base, TPW)], rows_v)
    cp0 = pltpu.async_copy(rows_v, xs_hbm.at[idx0_v], sem)
    cp1 = pltpu.async_copy(rows_v, xs_hbm.at[idx1_v], sem2)
    cp0.wait()
    cp1.wait()


@functools.cache
def _make_dispatch():
    return pl.kernel(
        _dispatch_body,
        out_type=jax.ShapeDtypeStruct((P_CAP, D), _f32),
        mesh=plsc.VectorSubcoreMesh(core_axis_name="c", subcore_axis_name="s",
                                    num_cores=NC, num_subcores=NS),
        scratch_types=[
            pltpu.VMEM((TPW,), _i32),
            pltpu.VMEM((TPW,), _i32),
            pltpu.VMEM((TPW, D), _f32),
            pltpu.SemaphoreType.DMA,
            pltpu.SemaphoreType.DMA,
        ],
    )


def _ffn_body(te_ref, tv_ref, fa_ref, sl_ref, ne_ref, ne2_ref,
              xs_ref, wg_hbm, wu_hbm, wd_hbm, out_ref,
              wgv, wuv, wdv, semg, semu, semd):
    i = pl.program_id(0)
    s = sl_ref[0, i]

    def _copies(ei, slot):
        return (
            pltpu.make_async_copy(wg_hbm.at[pl.ds(ei, 1)],
                                  wgv.at[pl.ds(slot, 1)], semg.at[slot]),
            pltpu.make_async_copy(wu_hbm.at[pl.ds(ei, 1)],
                                  wuv.at[pl.ds(slot, 1)], semu.at[slot]),
            pltpu.make_async_copy(wd_hbm.at[pl.ds(ei, 1)],
                                  wdv.at[pl.ds(slot, 1)], semd.at[slot]),
        )

    @pl.when(i == 0)
    def _():
        for cp in _copies(te_ref[0, 0], 0):
            cp.start()

    @pl.when((fa_ref[0, i] == 1) & (tv_ref[0, i] == 1))
    def _():
        for cp in _copies(te_ref[0, i], s):
            cp.wait()
        ne = ne_ref[0, i]

        @pl.when(ne >= 0)
        def _():
            for cp in _copies(ne, 1 - s):
                cp.start()

    @pl.when(tv_ref[0, i] == 1)
    def _():
        x = xs_ref[...]
        for fc in range(NFC):
            wg_c = wgv[s, pl.ds(fc * FC, FC), :]
            wu_c = wuv[s, pl.ds(fc * FC, FC), :]
            wd_c = wdv[s, :, pl.ds(fc * FC, FC)]
            g = lax.dot_general(x, wg_c, (((1,), (1,)), ((), ())),
                                preferred_element_type=_f32)
            u = lax.dot_general(x, wu_c, (((1,), (1,)), ((), ())),
                                preferred_element_type=_f32)
            h = g * u / (1.0 + jnp.exp(-g))
            part = lax.dot_general(h, wd_c, (((1,), (1,)), ((), ())),
                                   preferred_element_type=_f32)
            if fc == 0:
                out_ref[...] = part
            else:
                out_ref[...] += part


_ffn = pl.pallas_call(
    _ffn_body,
    grid_spec=pltpu.PrefetchScalarGridSpec(
        num_scalar_prefetch=6,
        grid=(NT,),
        in_specs=[
            pl.BlockSpec((BLK, D), lambda i, *_: (i, 0)),
            pl.BlockSpec(memory_space=pl.ANY),
            pl.BlockSpec(memory_space=pl.ANY),
            pl.BlockSpec(memory_space=pl.ANY),
        ],
        out_specs=pl.BlockSpec((BLK, D), lambda i, *_: (i, 0)),
        scratch_shapes=[
            pltpu.VMEM((NSLOT, F, D), _f32),
            pltpu.VMEM((NSLOT, F, D), _f32),
            pltpu.VMEM((NSLOT, D, F), _f32),
            pltpu.SemaphoreType.DMA((NSLOT,)),
            pltpu.SemaphoreType.DMA((NSLOT,)),
            pltpu.SemaphoreType.DMA((NSLOT,)),
        ],
    ),
    out_shape=jax.ShapeDtypeStruct((P_CAP, D), _f32),
    compiler_params=pltpu.CompilerParams(vmem_limit_bytes=100 * 1024 * 1024),
)


def _combine_body(buf_hbm, pos0_hbm, pos1_hbm, w0_hbm, w1_hbm, out_hbm,
                  idx0_v, idx1_v, a_v, b_v, o_v, w0_v, w1_v, sem, sem2):
    wid = lax.axis_index("s") * NC + lax.axis_index("c")
    for c in range(TPW // KC):
        base = wid * TPW + c * KC
        pltpu.sync_copy(pos0_hbm.at[pl.ds(base, KC)], idx0_v)
        pltpu.sync_copy(pos1_hbm.at[pl.ds(base, KC)], idx1_v)
        pltpu.sync_copy(w0_hbm.at[pl.ds(base, KC)], w0_v)
        pltpu.sync_copy(w1_hbm.at[pl.ds(base, KC)], w1_v)
        cp0 = pltpu.async_copy(buf_hbm.at[idx0_v], a_v, sem)
        cp1 = pltpu.async_copy(buf_hbm.at[idx1_v], b_v, sem2)
        cp0.wait()
        cp1.wait()

        def row(r, carry):
            wa = w0_v[r, pl.ds(0, 16)]
            wb = w1_v[r, pl.ds(0, 16)]

            def dchunk(j, inner):
                b0 = pl.multiple_of(j * 64, 64)
                for q in range(4):
                    sl = pl.ds(b0 + q * 16, 16)
                    o_v[r, sl] = wa * a_v[r, sl] + wb * b_v[r, sl]
                return inner

            lax.fori_loop(0, D // 64, dchunk, 0)
            return carry

        lax.fori_loop(0, KC, row, 0)
        pltpu.sync_copy(o_v, out_hbm.at[pl.ds(base, KC)])


@functools.cache
def _make_combine():
    return pl.kernel(
        _combine_body,
        out_type=jax.ShapeDtypeStruct((T, D), _f32),
        mesh=plsc.VectorSubcoreMesh(core_axis_name="c", subcore_axis_name="s",
                                    num_cores=NC, num_subcores=NS),
        scratch_types=[
            pltpu.VMEM((KC,), _i32),
            pltpu.VMEM((KC,), _i32),
            pltpu.VMEM((KC, D), _f32),
            pltpu.VMEM((KC, D), _f32),
            pltpu.VMEM((KC, D), _f32),
            pltpu.VMEM((KC, 128), _f32),
            pltpu.VMEM((KC, 128), _f32),
            pltpu.SemaphoreType.DMA,
            pltpu.SemaphoreType.DMA,
        ],
    )


def kernel(hidden_states, gate_w, gate_proj_w, up_proj_w, down_proj_w):
    pos0c, pos1c, w0b, w1b, te, tv, fa, sl, ne, ne2 = _router(
        hidden_states, gate_w)
    pos0, pos1 = pos0c.reshape(T), pos1c.reshape(T)
    xs = _make_dispatch()(hidden_states, pos0, pos1)
    buf = _ffn(te, tv, fa, sl, ne, ne2, xs,
               gate_proj_w, up_proj_w, down_proj_w)
    return _make_combine()(buf, pos0, pos1, w0b, w1b)

# --- scband reference (transcript-rebuilt; emitter-appended) ---
"""Pipeline reference for scband-sparse-moe-block-51539607552742 (READ-ONLY COPY).

The authoritative reference and input builder live on the scoring server;
editing this copy changes nothing except your own understanding.
"""

import jax, jax.numpy as jnp
import numpy as np

T = 2048   # num_tokens
D = 1024   # hidden_size
F = 2048   # intermediate_size
E = 8      # num_experts
K = 2      # num_experts_per_tok


def setup_inputs(seed: int = 0) -> dict:
    key = jax.random.key(seed)
    ks = jax.random.split(key, 5)
    s_d = 1.0 / np.sqrt(D)
    s_f = 1.0 / np.sqrt(F)
    return {
        "hidden_states": jax.random.normal(ks[0], (T, D), dtype=jnp.float32),
        # torch nn.Linear weight layout: [out_features, in_features]
        "gate_w": jax.random.normal(ks[1], (E, D), dtype=jnp.float32) * s_d,      # router gate.weight stacked per-expert? no: router is [E, D]
        "gate_proj_w": jax.random.normal(ks[2], (E, F, D), dtype=jnp.float32) * s_d,
        "up_proj_w": jax.random.normal(ks[3], (E, F, D), dtype=jnp.float32) * s_d,
        "down_proj_w": jax.random.normal(ks[4], (E, D, F), dtype=jnp.float32) * s_f,
    }


def reference(hidden_states, gate_w, gate_proj_w, up_proj_w, down_proj_w):
    # ---- MoEGate ----
    router_logits = hidden_states @ gate_w.T                      # [T, E]
    router_probs = jax.nn.softmax(router_logits, axis=-1)         # [T, E]
    topk_weights, topk_ids = jax.lax.top_k(router_probs, K)       # [T, K]
    topk_weights = topk_weights / jnp.sum(topk_weights, axis=-1, keepdims=True)

    # dense combine weights: zero for unselected experts (identical math to the
    # per-token loop in the torch reference)
    combine = jnp.zeros((T, E), dtype=hidden_states.dtype)
    combine = combine.at[jnp.arange(T)[:, None], topk_ids].add(topk_weights)   # [T, E]

    # ---- Experts (SwiGLU FFN), batched over experts ----
    g = jnp.einsum('td,efd->tef', hidden_states, gate_proj_w)     # [T, E, F]
    u = jnp.einsum('td,efd->tef', hidden_states, up_proj_w)       # [T, E, F]
    h = jax.nn.silu(g) * u                                        # [T, E, F]
    expert_out = jnp.einsum('tef,edf->ted', h, down_proj_w)       # [T, E, D]

    output = jnp.einsum('ted,te->td', expert_out, combine)        # [T, D]
    return output

if __name__ == "__main__":
    import jax
    _d = setup_inputs()
    print(jax.jit(kernel)(*tuple(_d.values())))

</pallas_src>

<mosaic_0001>
#map = affine_map<(d0, d1) -> (0, 0)>
#map1 = affine_map<(d0, d1) -> (0)>
module attributes {stable_mosaic.version = 14 : i64} {
  func.func @_combine_body(%arg0: i32, %arg1: i32, %arg2: memref<5888x1024xf32, #tpu.memory_space<hbm>>, %arg3: memref<2048xi32, #tpu.memory_space<hbm>>, %arg4: memref<2048xi32, #tpu.memory_space<hbm>>, %arg5: memref<2048x128xf32, #tpu.memory_space<hbm>>, %arg6: memref<2048x128xf32, #tpu.memory_space<hbm>>, %arg7: memref<2048x1024xf32, #tpu.memory_space<hbm>>, %arg8: memref<32xi32, #tpu.memory_space<vmem>>, %arg9: memref<32xi32, #tpu.memory_space<vmem>>, %arg10: memref<32x1024xf32, #tpu.memory_space<vmem>>, %arg11: memref<32x1024xf32, #tpu.memory_space<vmem>>, %arg12: memref<32x1024xf32, #tpu.memory_space<vmem>>, %arg13: memref<32x128xf32, #tpu.memory_space<vmem>>, %arg14: memref<32x128xf32, #tpu.memory_space<vmem>>, %arg15: memref<!tpu.dma_semaphore, #tpu.memory_space<semaphore_mem>>, %arg16: memref<!tpu.dma_semaphore, #tpu.memory_space<semaphore_mem>>) attributes {dimension_semantics = [#tpu.dimension_semantics<core_parallel>, #tpu.dimension_semantics<subcore_parallel>], iteration_bounds = array<i64: 2, 16>, scalar_prefetch = 0 : i64, scratch_operands = 9 : i64, tpu.core_type = #tpu.core_type<sc_vector_subcore>, window_params = [{transform_indices = #map}, {transform_indices = #map1}, {transform_indices = #map1}, {transform_indices = #map}, {transform_indices = #map}, {transform_indices = #map}]} {
    %mul3A = arith.constant 2 : i32
    %mul3A_0 = arith.muli %arg1, %mul3A : i32
    %add3A = arith.addi %mul3A_0, %arg0 : i32
    %mul3A_1 = arith.constant 64 : i32
    %mul3A_2 = arith.muli %add3A, %mul3A_1 : i32
    %add3A_3 = arith.constant 0 : i32
    %add3A_4 = arith.addi %mul3A_2, %add3A_3 : i32
    "tpu.region"() ({
      %run_scoped3A = tpu.sem_alloc : memref<!tpu.dma_semaphore, #tpu.memory_space<semaphore_mem>>
      %dma_start3A_42 = tpu.memref_slice %arg3[%add3A_4] : memref<2048xi32, #tpu.memory_space<hbm>> -> memref<32xi32, #tpu.memory_space<hbm>>
      %dma_start3A_43 = tpu.memref_slice %arg3[%add3A_4] : memref<2048xi32, #tpu.memory_space<hbm>> -> memref<32xi32, #tpu.memory_space<hbm>>
      tpu.enqueue_dma source(%dma_start3A_43 : memref<32xi32, #tpu.memory_space<hbm>>) target(%arg8 : memref<32xi32, #tpu.memory_space<vmem>>) target_semaphore(%run_scoped3A : memref<!tpu.dma_semaphore, #tpu.memory_space<semaphore_mem>>)
      %dma_wait3A_44 = tpu.memref_slice %arg3[%add3A_4] : memref<2048xi32, #tpu.memory_space<hbm>> -> memref<32xi32, #tpu.memory_space<hbm>>
      %dma_wait3A_45 = tpu.memref_slice %arg3[%add3A_4] : memref<2048xi32, #tpu.memory_space<hbm>> -> memref<32xi32, #tpu.memory_space<hbm>>
      tpu.wait_dma2 semaphore(%run_scoped3A : memref<!tpu.dma_semaphore, #tpu.memory_space<semaphore_mem>>) src(%dma_wait3A_45 : memref<32xi32, #tpu.memory_space<hbm>>) dst(%arg8 : memref<32xi32, #tpu.memory_space<vmem>>)
      tpu.yield
    }) : () -> ()
    "tpu.region"() ({
      %run_scoped3A = tpu.sem_alloc : memref<!tpu.dma_semaphore, #tpu.memory_space<semaphore_mem>>
      %dma_start3A_42 = tpu.memref_slice %arg4[%add3A_4] : memref<2048xi32, #tpu.memory_space<hbm>> -> memref<32xi32, #tpu.memory_space<hbm>>
      %dma_start3A_43 = tpu.memref_slice %arg4[%add3A_4] : memref<2048xi32, #tpu.memory_space<hbm>> -> memref<32xi32, #tpu.memory_space<hbm>>
      tpu.enqueue_dma source(%dma_start3A_43 : memref<32xi32, #tpu.memory_space<hbm>>) target(%arg9 : memref<32xi32, #tpu.memory_space<vmem>>) target_semaphore(%run_scoped3A : memref<!tpu.dma_semaphore, #tpu.memory_space<semaphore_mem>>)
      %dma_wait3A_44 = tpu.memref_slice %arg4[%add3A_4] : memref<2048xi32, #tpu.memory_space<hbm>> -> memref<32xi32, #tpu.memory_space<hbm>>
      %dma_wait3A_45 = tpu.memref_slice %arg4[%add3A_4] : memref<2048xi32, #tpu.memory_space<hbm>> -> memref<32xi32, #tpu.memory_space<hbm>>
      tpu.wait_dma2 semaphore(%run_scoped3A : memref<!tpu.dma_semaphore, #tpu.memory_space<semaphore_mem>>) src(%dma_wait3A_45 : memref<32xi32, #tpu.memory_space<hbm>>) dst(%arg9 : memref<32xi32, #tpu.memory_space<vmem>>)
      tpu.yield
    }) : () -> ()
    "tpu.region"() ({
      %run_scoped3A = tpu.sem_alloc : memref<!tpu.dma_semaphore, #tpu.memory_space<semaphore_mem>>
      %dma_start3A_42 = arith.constant 0 : i32
      %dma_start3A_43 = tpu.memref_slice %arg5[%add3A_4, %dma_start3A_42] : memref<2048x128xf32, #tpu.memory_space<hbm>> -> memref<32x128xf32, #tpu.memory_space<hbm>>
      %dma_start3A_44 = arith.constant 0 : i32
      %dma_start3A_45 = tpu.memref_slice %arg5[%add3A_4, %dma_start3A_44] : memref<2048x128xf32, #tpu.memory_space<hbm>> -> memref<32x128xf32, #tpu.memory_space<hbm>>
      tpu.enqueue_dma source(%dma_start3A_45 : memref<32x128xf32, #tpu.memory_space<hbm>>) target(%arg13 : memref<32x128xf32, #tpu.memory_space<vmem>>) target_semaphore(%run_scoped3A : memref<!tpu.dma_semaphore, #tpu.memory_space<semaphore_mem>>)
      %dma_wait3A_46 = arith.constant 0 : i32
      %dma_wait3A_47 = tpu.memref_slice %arg5[%add3A_4, %dma_wait3A_46] : memref<2048x128xf32, #tpu.memory_space<hbm>> -> memref<32x128xf32, #tpu.memory_space<hbm>>
      %dma_wait3A_48 = arith.constant 0 : i32
      %dma_wait3A_49 = tpu.memref_slice %arg5[%add3A_4, %dma_wait3A_48] : memref<2048x128xf32, #tpu.memory_space<hbm>> -> memref<32x128xf32, #tpu.memory_space<hbm>>
      tpu.wait_dma2 semaphore(%run_scoped3A : memref<!tpu.dma_semaphore, #tpu.memory_space<semaphore_mem>>) src(%dma_wait3A_49 : memref<32x128xf32, #tpu.memory_space<hbm>>) dst(%arg13 : memref<32x128xf32, #tpu.memory_space<vmem>>)
      tpu.yield
    }) : () -> ()
    "tpu.region"() ({
      %run_scoped3A = tpu.sem_alloc : memref<!tpu.dma_semaphore, #tpu.memory_space<semaphore_mem>>
      %dma_start3A_42 = arith.constant 0 : i32
      %dma_start3A_43 = tpu.memref_slice %arg6[%add3A_4, %dma_start3A_42] : memref<2048x128xf32, #tpu.memory_space<hbm>> -> memref<32x128xf32, #tpu.memory_space<hbm>>
      %dma_start3A_44 = arith.constant 0 : i32
      %dma_start3A_45 = tpu.memref_slice %arg6[%add3A_4, %dma_start3A_44] : memref<2048x128xf32, #tpu.memory_space<hbm>> -> memref<32x128xf32, #tpu.memory_space<hbm>>
      tpu.enqueue_dma source(%dma_start3A_45 : memref<32x128xf32, #tpu.memory_space<hbm>>) target(%arg14 : memref<32x128xf32, #tpu.memory_space<vmem>>) target_semaphore(%run_scoped3A : memref<!tpu.dma_semaphore, #tpu.memory_space<semaphore_mem>>)
      %dma_wait3A_46 = arith.constant 0 : i32
      %dma_wait3A_47 = tpu.memref_slice %arg6[%add3A_4, %dma_wait3A_46] : memref<2048x128xf32, #tpu.memory_space<hbm>> -> memref<32x128xf32, #tpu.memory_space<hbm>>
      %dma_wait3A_48 = arith.constant 0 : i32
      %dma_wait3A_49 = tpu.memref_slice %arg6[%add3A_4, %dma_wait3A_48] : memref<2048x128xf32, #tpu.memory_space<hbm>> -> memref<32x128xf32, #tpu.memory_space<hbm>>
      tpu.wait_dma2 semaphore(%run_scoped3A : memref<!tpu.dma_semaphore, #tpu.memory_space<semaphore_mem>>) src(%dma_wait3A_49 : memref<32x128xf32, #tpu.memory_space<hbm>>) dst(%arg14 : memref<32x128xf32, #tpu.memory_space<vmem>>)
      tpu.yield
    }) : () -> ()
    %dma_start3A = arith.constant 0 : i32
    %dma_start3A_5 = arith.constant 0 : i32
    %dma_start3A_6 = tpu.memref_slice %arg2[%dma_start3A, %dma_start3A_5] : memref<5888x1024xf32, #tpu.memory_space<hbm>> -> memref<5888x1024xf32, #tpu.memory_space<hbm>>
    tpu.enqueue_indirect_dma source(%dma_start3A_6 : memref<5888x1024xf32, #tpu.memory_space<hbm>>) target(%arg10 : memref<32x1024xf32, #tpu.memory_space<vmem>>) offsets(%arg8 : memref<32xi32, #tpu.memory_space<vmem>>) semaphore(%arg15 : memref<!tpu.dma_semaphore, #tpu.memory_space<semaphore_mem>>)
    %dma_start3A_7 = arith.constant 0 : i32
    %dma_start3A_8 = arith.constant 0 : i32
    %dma_start3A_9 = tpu.memref_slice %arg2[%dma_start3A_7, %dma_start3A_8] : memref<5888x1024xf32, #tpu.memory_space<hbm>> -> memref<5888x1024xf32, #tpu.memory_space<hbm>>
    tpu.enqueue_indirect_dma source(%dma_start3A_9 : memref<5888x1024xf32, #tpu.memory_space<hbm>>) target(%arg11 : memref<32x1024xf32, #tpu.memory_space<vmem>>) offsets(%arg9 : memref<32xi32, #tpu.memory_space<vmem>>) semaphore(%arg16 : memref<!tpu.dma_semaphore, #tpu.memory_space<semaphore_mem>>)
    %dma_wait3A = arith.constant 0 : i32
    %dma_wait3A_10 = arith.constant 0 : i32
    %dma_wait3A_11 = tpu.memref_slice %arg2[%dma_wait3A, %dma_wait3A_10] : memref<5888x1024xf32, #tpu.memory_space<hbm>> -> memref<5888x1024xf32, #tpu.memory_space<hbm>>
    tpu.wait_indirect_dma semaphore(%arg15 : memref<!tpu.dma_semaphore, #tpu.memory_space<semaphore_mem>>) src(%dma_wait3A_11 : memref<5888x1024xf32, #tpu.memory_space<hbm>>) dst(%arg10 : memref<32x1024xf32, #tpu.memory_space<vmem>>)
    %dma_wait3A_12 = arith.constant 0 : i32
    %dma_wait3A_13 = arith.constant 0 : i32
    %dma_wait3A_14 = tpu.memref_slice %arg2[%dma_wait3A_12, %dma_wait3A_13] : memref<5888x1024xf32, #tpu.memory_space<hbm>> -> memref<5888x1024xf32, #tpu.memory_space<hbm>>
    tpu.wait_indirect_dma semaphore(%arg16 : memref<!tpu.dma_semaphore, #tpu.memory_space<semaphore_mem>>) src(%dma_wait3A_14 : memref<5888x1024xf32, #tpu.memory_space<hbm>>) dst(%arg11 : memref<32x1024xf32, #tpu.memory_space<vmem>>)
    %scan3A = arith.constant 0 : i32
    %scan3A_15 = arith.constant 0 : i32
    %scan3A_16 = arith.constant 32 : i32
    %scan3A_17 = arith.addi %scan3A_15, %scan3A_16 : i32
    %scan3A_18 = arith.constant 1 : i32
    scf.for %scan3A_42 = %scan3A_15 to %scan3A_17 step %scan3A_18  : i32 {
      %get3A = arith.index_cast %scan3A_42 : i32 to index
      %get3A_43 = arith.constant 0 : index
      %get3A_44 = tpu.vector_load %arg13[%get3A, %get3A_43] {strides = array<i32>} : memref<32x128xf32, #tpu.memory_space<vmem>>, vector<1x16xf32>,
      %get3A_45 = vector.shape_cast %get3A_44 : vector<1x16xf32> to vector<16xf32>
      %get3A_46 = arith.index_cast %scan3A_42 : i32 to index
      %get3A_47 = arith.constant 0 : index
      %get3A_48 = tpu.vector_load %arg14[%get3A_46, %get3A_47] {strides = array<i32>} : memref<32x128xf32, #tpu.memory_space<vmem>>, vector<1x16xf32>,
      %get3A_49 = vector.shape_cast %get3A_48 : vector<1x16xf32> to vector<16xf32>
      %scan3A_50 = arith.constant 0 : i32
      %scan3A_51 = arith.constant 0 : i32
      %scan3A_52 = arith.constant 16 : i32
      %scan3A_53 = arith.addi %scan3A_51, %scan3A_52 : i32
      %scan3A_54 = arith.constant 1 : i32
      scf.for %scan3A_56 = %scan3A_51 to %scan3A_53 step %scan3A_54  : i32 {
        %mul3A_57 = arith.constant 64 : i32
        %mul3A_58 = arith.muli %scan3A_56, %mul3A_57 : i32
        %multiple_of3A = tpu.assume_multiple %mul3A_58, 64 : i32
        %add3A_59 = arith.constant 0 : i32
        %add3A_60 = arith.addi %multiple_of3A, %add3A_59 : i32
        %get3A_61 = arith.index_cast %scan3A_42 : i32 to index
        %get3A_62 = arith.index_cast %add3A_60 : i32 to index
        %get3A_63 = tpu.vector_load %arg10[%get3A_61, %get3A_62] {strides = array<i32>} : memref<32x1024xf32, #tpu.memory_space<vmem>>, vector<1x16xf32>,
        %get3A_64 = vector.shape_cast %get3A_63 : vector<1x16xf32> to vector<16xf32>
        %mul3A_65 = arith.mulf %get3A_45, %get3A_64 : vector<16xf32>
        %get3A_66 = arith.index_cast %scan3A_42 : i32 to index
        %get3A_67 = arith.index_cast %add3A_60 : i32 to index
        %get3A_68 = tpu.vector_load %arg11[%get3A_66, %get3A_67] {strides = array<i32>} : memref<32x1024xf32, #tpu.memory_space<vmem>>, vector<1x16xf32>,
        %get3A_69 = vector.shape_cast %get3A_68 : vector<1x16xf32> to vector<16xf32>
        %mul3A_70 = arith.mulf %get3A_49, %get3A_69 : vector<16xf32>
        %add3A_71 = arith.addf %mul3A_65, %mul3A_70 : vector<16xf32>
        %swap3A = arith.index_cast %scan3A_42 : i32 to index
        %swap3A_72 = arith.index_cast %add3A_60 : i32 to index
        %swap3A_73 = tpu.vector_load %arg12[%swap3A, %swap3A_72] {strides = array<i32>} : memref<32x1024xf32, #tpu.memory_space<vmem>>, vector<1x16xf32>,
        %swap3A_74 = vector.shape_cast %swap3A_73 : vector<1x16xf32> to vector<16xf32>
        %swap3A_75 = vector.shape_cast %add3A_71 : vector<16xf32> to vector<1x16xf32>
        tpu.vector_store %arg12[%swap3A, %swap3A_72], %swap3A_75 {strides = array<i32>} : memref<32x1024xf32, #tpu.memory_space<vmem>>, vector<1x16xf32>,
        %add3A_76 = arith.constant 16 : i32
        %add3A_77 = arith.addi %multiple_of3A, %add3A_76 : i32
        %get3A_78 = arith.index_cast %scan3A_42 : i32 to index
        %get3A_79 = arith.index_cast %add3A_77 : i32 to index
        %get3A_80 = tpu.vector_load %arg10[%get3A_78, %get3A_79] {strides = array<i32>} : memref<32x1024xf32, #tpu.memory_space<vmem>>, vector<1x16xf32>,
        %get3A_81 = vector.shape_cast %get3A_80 : vector<1x16xf32> to vector<16xf32>
        %mul3A_82 = arith.mulf %get3A_45, %get3A_81 : vector<16xf32>
        %get3A_83 = arith.index_cast %scan3A_42 : i32 to index
        %get3A_84 = arith.index_cast %add3A_77 : i32 to index
        %get3A_85 = tpu.vector_load %arg11[%get3A_83, %get3A_84] {strides = array<i32>} : memref<32x1024xf32, #tpu.memory_space<vmem>>, vector<1x16xf32>,
        %get3A_86 = vector.shape_cast %get3A_85 : vector<1x16xf32> to vector<16xf32>
        %mul3A_87 = arith.mulf %get3A_49, %get3A_86 : vector<16xf32>
        %add3A_88 = arith.addf %mul3A_82, %mul3A_87 : vector<16xf32>
        %swap3A_89 = arith.index_cast %scan3A_42 : i32 to index
        %swap3A_90 = arith.index_cast %add3A_77 : i32 to index
        %swap3A_91 = tpu.vector_load %arg12[%swap3A_89, %swap3A_90] {strides = array<i32>} : memref<32x1024xf32, #tpu.memory_space<vmem>>, vector<1x16xf32>,
        %swap3A_92 = vector.shape_cast %swap3A_91 : vector<1x16xf32> to vector<16xf32>
        %swap3A_93 = vector.shape_cast %add3A_88 : vector<16xf32> to vector<1x16xf32>
        tpu.vector_store %arg12[%swap3A_89, %swap3A_90], %swap3A_93 {strides = array<i32>} : memref<32x1024xf32, #tpu.memory_space<vmem>>, vector<1x16xf32>,
        %add3A_94 = arith.constant 32 : i32
        %add3A_95 = arith.addi %multiple_of3A, %add3A_94 : i32
        %get3A_96 = arith.index_cast %scan3A_42 : i32 to index
        %get3A_97 = arith.index_cast %add3A_95 : i32 to index
        %get3A_98 = tpu.vector_load %arg10[%get3A_96, %get3A_97] {strides = array<i32>} : memref<32x1024xf32, #tpu.memory_space<vmem>>, vector<1x16xf32>,
        %get3A_99 = vector.shape_cast %get3A_98 : vector<1x16xf32> to vector<16xf32>
        %mul3A_100 = arith.mulf %get3A_45, %get3A_99 : vector<16xf32>
        %get3A_101 = arith.index_cast %scan3A_42 : i32 to index
        %get3A_102 = arith.index_cast %add3A_95 : i32 to index
        %get3A_103 = tpu.vector_load %arg11[%get3A_101, %get3A_102] {strides = array<i32>} : memref<32x1024xf32, #tpu.memory_space<vmem>>, vector<1x16xf32>,
        %get3A_104 = vector.shape_cast %get3A_103 : vector<1x16xf32> to vector<16xf32>
        %mul3A_105 = arith.mulf %get3A_49, %get3A_104 : vector<16xf32>
        %add3A_106 = arith.addf %mul3A_100, %mul3A_105 : vector<16xf32>
        %swap3A_107 = arith.index_cast %scan3A_42 : i32 to index
        %swap3A_108 = arith.index_cast %add3A_95 : i32 to index
        %swap3A_109 = tpu.vector_load %arg12[%swap3A_107, %swap3A_108] {strides = array<i32>} : memref<32x1024xf32, #tpu.memory_space<vmem>>, vector<1x16xf32>,
        %swap3A_110 = vector.shape_cast %swap3A_109 : vector<1x16xf32> to vector<16xf32>
        %swap3A_111 = vector.shape_cast %add3A_106 : vector<16xf32> to vector<1x16xf32>
        tpu.vector_store %arg12[%swap3A_107, %swap3A_108], %swap3A_111 {strides = array<i32>} : memref<32x1024xf32, #tpu.memory_space<vmem>>, vector<1x16xf32>,
        %add3A_112 = arith.constant 48 : i32
        %add3A_113 = arith.addi %multiple_of3A, %add3A_112 : i32
        %get3A_114 = arith.index_cast %scan3A_42 : i32 to index
        %get3A_115 = arith.index_cast %add3A_113 : i32 to index
        %get3A_116 = tpu.vector_load %arg10[%get3A_114, %get3A_115] {strides = array<i32>} : memref<32x1024xf32, #tpu.memory_space<vmem>>, vector<1x16xf32>,
        %get3A_117 = vector.shape_cast %get3A_116 : vector<1x16xf32> to vector<16xf32>
        %mul3A_118 = arith.mulf %get3A_45, %get3A_117 : vector<16xf32>
        %get3A_119 = arith.index_cast %scan3A_42 : i32 to index
        %get3A_120 = arith.index_cast %add3A_113 : i32 to index
        %get3A_121 = tpu.vector_load %arg11[%get3A_119, %get3A_120] {strides = array<i32>} : memref<32x1024xf32, #tpu.memory_space<vmem>>, vector<1x16xf32>,
        %get3A_122 = vector.shape_cast %get3A_121 : vector<1x16xf32> to vector<16xf32>
        %mul3A_123 = arith.mulf %get3A_49, %get3A_122 : vector<16xf32>
        %add3A_124 = arith.addf %mul3A_118, %mul3A_123 : vector<16xf32>
        %swap3A_125 = arith.index_cast %scan3A_42 : i32 to index
        %swap3A_126 = arith.index_cast %add3A_113 : i32 to index
        %swap3A_127 = tpu.vector_load %arg12[%swap3A_125, %swap3A_126] {strides = array<i32>} : memref<32x1024xf32, #tpu.memory_space<vmem>>, vector<1x16xf32>,
        %swap3A_128 = vector.shape_cast %swap3A_127 : vector<1x16xf32> to vector<16xf32>
        %swap3A_129 = vector.shape_cast %add3A_124 : vector<16xf32> to vector<1x16xf32>
        tpu.vector_store %arg12[%swap3A_125, %swap3A_126], %swap3A_129 {strides = array<i32>} : memref<32x1024xf32, #tpu.memory_space<vmem>>, vector<1x16xf32>,
      }
      %scan3A_55 = arith.constant 16 : i32
    }
    %scan3A_19 = arith.constant 32 : i32
    "tpu.region"() ({
      %run_scoped3A = tpu.sem_alloc : memref<!tpu.dma_semaphore, #tpu.memory_space<semaphore_mem>>
      %dma_start3A_42 = arith.constant 0 : i32
      %dma_start3A_43 = tpu.memref_slice %arg7[%add3A_4, %dma_start3A_42] : memref<2048x1024xf32, #tpu.memory_space<hbm>> -> memref<32x1024xf32, #tpu.memory_space<hbm>>
      %dma_start3A_44 = arith.constant 0 : i32
      %dma_start3A_45 = tpu.memref_slice %arg7[%add3A_4, %dma_start3A_44] : memref<2048x1024xf32, #tpu.memory_space<hbm>> -> memref<32x1024xf32, #tpu.memory_space<hbm>>
      tpu.enqueue_dma source(%arg12 : memref<32x1024xf32, #tpu.memory_space<vmem>>) target(%dma_start3A_45 : memref<32x1024xf32, #tpu.memory_space<hbm>>) target_semaphore(%run_scoped3A : memref<!tpu.dma_semaphore, #tpu.memory_space<semaphore_mem>>)
      %dma_wait3A_46 = arith.constant 0 : i32
      %dma_wait3A_47 = tpu.memref_slice %arg7[%add3A_4, %dma_wait3A_46] : memref<2048x1024xf32, #tpu.memory_space<hbm>> -> memref<32x1024xf32, #tpu.memory_space<hbm>>
      %dma_wait3A_48 = arith.constant 0 : i32
      %dma_wait3A_49 = tpu.memref_slice %arg7[%add3A_4, %dma_wait3A_48] : memref<2048x1024xf32, #tpu.memory_space<hbm>> -> memref<32x1024xf32, #tpu.memory_space<hbm>>
      tpu.wait_dma2 semaphore(%run_scoped3A : memref<!tpu.dma_semaphore, #tpu.memory_space<semaphore_mem>>) src(%arg12 : memref<32x1024xf32, #tpu.memory_space<vmem>>) dst(%dma_wait3A_49 : memref<32x1024xf32, #tpu.memory_space<hbm>>)
      tpu.yield
    }) : () -> ()
    %mul3A_20 = arith.constant 64 : i32
    %mul3A_21 = arith.muli %add3A, %mul3A_20 : i32
    %add3A_22 = arith.constant 32 : i32
    %add3A_23 = arith.addi %mul3A_21, %add3A_22 : i32
    "tpu.region"() ({
      %run_scoped3A = tpu.sem_alloc : memref<!tpu.dma_semaphore, #tpu.memory_space<semaphore_mem>>
      %dma_start3A_42 = tpu.memref_slice %arg3[%add3A_23] : memref<2048xi32, #tpu.memory_space<hbm>> -> memref<32xi32, #tpu.memory_space<hbm>>
      %dma_start3A_43 = tpu.memref_slice %arg3[%add3A_23] : memref<2048xi32, #tpu.memory_space<hbm>> -> memref<32xi32, #tpu.memory_space<hbm>>
      tpu.enqueue_dma source(%dma_start3A_43 : memref<32xi32, #tpu.memory_space<hbm>>) target(%arg8 : memref<32xi32, #tpu.memory_space<vmem>>) target_semaphore(%run_scoped3A : memref<!tpu.dma_semaphore, #tpu.memory_space<semaphore_mem>>)
      %dma_wait3A_44 = tpu.memref_slice %arg3[%add3A_23] : memref<2048xi32, #tpu.memory_space<hbm>> -> memref<32xi32, #tpu.memory_space<hbm>>
      %dma_wait3A_45 = tpu.memref_slice %arg3[%add3A_23] : memref<2048xi32, #tpu.memory_space<hbm>> -> memref<32xi32, #tpu.memory_space<hbm>>
      tpu.wait_dma2 semaphore(%run_scoped3A : memref<!tpu.dma_semaphore, #tpu.memory_space<semaphore_mem>>) src(%dma_wait3A_45 : memref<32xi32, #tpu.memory_space<hbm>>) dst(%arg8 : memref<32xi32, #tpu.memory_space<vmem>>)
      tpu.yield
    }) : () -> ()
    "tpu.region"() ({
      %run_scoped3A = tpu.sem_alloc : memref<!tpu.dma_semaphore, #tpu.memory_space<semaphore_mem>>
      %dma_start3A_42 = tpu.memref_slice %arg4[%add3A_23] : memref<2048xi32, #tpu.memory_space<hbm>> -> memref<32xi32, #tpu.memory_space<hbm>>
      %dma_start3A_43 = tpu.memref_slice %arg4[%add3A_23] : memref<2048xi32, #tpu.memory_space<hbm>> -> memref<32xi32, #tpu.memory_space<hbm>>
      tpu.enqueue_dma source(%dma_start3A_43 : memref<32xi32, #tpu.memory_space<hbm>>) target(%arg9 : memref<32xi32, #tpu.memory_space<vmem>>) target_semaphore(%run_scoped3A : memref<!tpu.dma_semaphore, #tpu.memory_space<semaphore_mem>>)
      %dma_wait3A_44 = tpu.memref_slice %arg4[%add3A_23] : memref<2048xi32, #tpu.memory_space<hbm>> -> memref<32xi32, #tpu.memory_space<hbm>>
      %dma_wait3A_45 = tpu.memref_slice %arg4[%add3A_23] : memref<2048xi32, #tpu.memory_space<hbm>> -> memref<32xi32, #tpu.memory_space<hbm>>
      tpu.wait_dma2 semaphore(%run_scoped3A : memref<!tpu.dma_semaphore, #tpu.memory_space<semaphore_mem>>) src(%dma_wait3A_45 : memref<32xi32, #tpu.memory_space<hbm>>) dst(%arg9 : memref<32xi32, #tpu.memory_space<vmem>>)
      tpu.yield
    }) : () -> ()
    "tpu.region"() ({
      %run_scoped3A = tpu.sem_alloc : memref<!tpu.dma_semaphore, #tpu.memory_space<semaphore_mem>>
      %dma_start3A_42 = arith.constant 0 : i32
      %dma_start3A_43 = tpu.memref_slice %arg5[%add3A_23, %dma_start3A_42] : memref<2048x128xf32, #tpu.memory_space<hbm>> -> memref<32x128xf32, #tpu.memory_space<hbm>>
      %dma_start3A_44 = arith.constant 0 : i32
      %dma_start3A_45 = tpu.memref_slice %arg5[%add3A_23, %dma_start3A_44] : memref<2048x128xf32, #tpu.memory_space<hbm>> -> memref<32x128xf32, #tpu.memory_space<hbm>>
      tpu.enqueue_dma source(%dma_start3A_45 : memref<32x128xf32, #tpu.memory_space<hbm>>) target(%arg13 : memref<32x128xf32, #tpu.memory_space<vmem>>) target_semaphore(%run_scoped3A : memref<!tpu.dma_semaphore, #tpu.memory_space<semaphore_mem>>)
      %dma_wait3A_46 = arith.constant 0 : i32
      %dma_wait3A_47 = tpu.memref_slice %arg5[%add3A_23, %dma_wait3A_46] : memref<2048x128xf32, #tpu.memory_space<hbm>> -> memref<32x128xf32, #tpu.memory_space<hbm>>
      %dma_wait3A_48 = arith.constant 0 : i32
      %dma_wait3A_49 = tpu.memref_slice %arg5[%add3A_23, %dma_wait3A_48] : memref<2048x128xf32, #tpu.memory_space<hbm>> -> memref<32x128xf32, #tpu.memory_space<hbm>>
      tpu.wait_dma2 semaphore(%run_scoped3A : memref<!tpu.dma_semaphore, #tpu.memory_space<semaphore_mem>>) src(%dma_wait3A_49 : memref<32x128xf32, #tpu.memory_space<hbm>>) dst(%arg13 : memref<32x128xf32, #tpu.memory_space<vmem>>)
      tpu.yield
    }) : () -> ()
    "tpu.region"() ({
      %run_scoped3A = tpu.sem_alloc : memref<!tpu.dma_semaphore, #tpu.memory_space<semaphore_mem>>
      %dma_start3A_42 = arith.constant 0 : i32
      %dma_start3A_43 = tpu.memref_slice %arg6[%add3A_23, %dma_start3A_42] : memref<2048x128xf32, #tpu.memory_space<hbm>> -> memref<32x128xf32, #tpu.memory_space<hbm>>
      %dma_start3A_44 = arith.constant 0 : i32
      %dma_start3A_45 = tpu.memref_slice %arg6[%add3A_23, %dma_start3A_44] : memref<2048x128xf32, #tpu.memory_space<hbm>> -> memref<32x128xf32, #tpu.memory_space<hbm>>
      tpu.enqueue_dma source(%dma_start3A_45 : memref<32x128xf32, #tpu.memory_space<hbm>>) target(%arg14 : memref<32x128xf32, #tpu.memory_space<vmem>>) target_semaphore(%run_scoped3A : memref<!tpu.dma_semaphore, #tpu.memory_space<semaphore_mem>>)
      %dma_wait3A_46 = arith.constant 0 : i32
      %dma_wait3A_47 = tpu.memref_slice %arg6[%add3A_23, %dma_wait3A_46] : memref<2048x128xf32, #tpu.memory_space<hbm>> -> memref<32x128xf32, #tpu.memory_space<hbm>>
      %dma_wait3A_48 = arith.constant 0 : i32
      %dma_wait3A_49 = tpu.memref_slice %arg6[%add3A_23, %dma_wait3A_48] : memref<2048x128xf32, #tpu.memory_space<hbm>> -> memref<32x128xf32, #tpu.memory_space<hbm>>
      tpu.wait_dma2 semaphore(%run_scoped3A : memref<!tpu.dma_semaphore, #tpu.memory_space<semaphore_mem>>) src(%dma_wait3A_49 : memref<32x128xf32, #tpu.memory_space<hbm>>) dst(%arg14 : memref<32x128xf32, #tpu.memory_space<vmem>>)
      tpu.yield
    }) : () -> ()
    %dma_start3A_24 = arith.constant 0 : i32
    %dma_start3A_25 = arith.constant 0 : i32
    %dma_start3A_26 = tpu.memref_slice %arg2[%dma_start3A_24, %dma_start3A_25] : memref<5888x1024xf32, #tpu.memory_space<hbm>> -> memref<5888x1024xf32, #tpu.memory_space<hbm>>
    tpu.enqueue_indirect_dma source(%dma_start3A_26 : memref<5888x1024xf32, #tpu.memory_space<hbm>>) target(%arg10 : memref<32x1024xf32, #tpu.memory_space<vmem>>) offsets(%arg8 : memref<32xi32, #tpu.memory_space<vmem>>) semaphore(%arg15 : memref<!tpu.dma_semaphore, #tpu.memory_space<semaphore_mem>>)
    %dma_start3A_27 = arith.constant 0 : i32
    %dma_start3A_28 = arith.constant 0 : i32
    %dma_start3A_29 = tpu.memref_slice %arg2[%dma_start3A_27, %dma_start3A_28] : memref<5888x1024xf32, #tpu.memory_space<hbm>> -> memref<5888x1024xf32, #tpu.memory_space<hbm>>
    tpu.enqueue_indirect_dma source(%dma_start3A_29 : memref<5888x1024xf32, #tpu.memory_space<hbm>>) target(%arg11 : memref<32x1024xf32, #tpu.memory_space<vmem>>) offsets(%arg9 : memref<32xi32, #tpu.memory_space<vmem>>) semaphore(%arg16 : memref<!tpu.dma_semaphore, #tpu.memory_space<semaphore_mem>>)
    %dma_wait3A_30 = arith.constant 0 : i32
    %dma_wait3A_31 = arith.constant 0 : i32
    %dma_wait3A_32 = tpu.memref_slice %arg2[%dma_wait3A_30, %dma_wait3A_31] : memref<5888x1024xf32, #tpu.memory_space<hbm>> -> memref<5888x1024xf32, #tpu.memory_space<hbm>>
    tpu.wait_indirect_dma semaphore(%arg15 : memref<!tpu.dma_semaphore, #tpu.memory_space<semaphore_mem>>) src(%dma_wait3A_32 : memref<5888x1024xf32, #tpu.memory_space<hbm>>) dst(%arg10 : memref<32x1024xf32, #tpu.memory_space<vmem>>)
    %dma_wait3A_33 = arith.constant 0 : i32
    %dma_wait3A_34 = arith.constant 0 : i32
    %dma_wait3A_35 = tpu.memref_slice %arg2[%dma_wait3A_33, %dma_wait3A_34] : memref<5888x1024xf32, #tpu.memory_space<hbm>> -> memref<5888x1024xf32, #tpu.memory_space<hbm>>
    tpu.wait_indirect_dma semaphore(%arg16 : memref<!tpu.dma_semaphore, #tpu.memory_space<semaphore_mem>>) src(%dma_wait3A_35 : memref<5888x1024xf32, #tpu.memory_space<hbm>>) dst(%arg11 : memref<32x1024xf32, #tpu.memory_space<vmem>>)
    %scan3A_36 = arith.constant 0 : i32
    %scan3A_37 = arith.constant 0 : i32
    %scan3A_38 = arith.constant 32 : i32
    %scan3A_39 = arith.addi %scan3A_37, %scan3A_38 : i32
    %scan3A_40 = arith.constant 1 : i32
    scf.for %scan3A_42 = %scan3A_37 to %scan3A_39 step %scan3A_40  : i32 {
      %get3A = arith.index_cast %scan3A_42 : i32 to index
      %get3A_43 = arith.constant 0 : index
      %get3A_44 = tpu.vector_load %arg13[%get3A, %get3A_43] {strides = array<i32>} : memref<32x128xf32, #tpu.memory_space<vmem>>, vector<1x16xf32>,
      %get3A_45 = vector.shape_cast %get3A_44 : vector<1x16xf32> to vector<16xf32>
      %get3A_46 = arith.index_cast %scan3A_42 : i32 to index
      %get3A_47 = arith.constant 0 : index
      %get3A_48 = tpu.vector_load %arg14[%get3A_46, %get3A_47] {strides = array<i32>} : memref<32x128xf32, #tpu.memory_space<vmem>>, vector<1x16xf32>,
      %get3A_49 = vector.shape_cast %get3A_48 : vector<1x16xf32> to vector<16xf32>
      %scan3A_50 = arith.constant 0 : i32
      %scan3A_51 = arith.constant 0 : i32
      %scan3A_52 = arith.constant 16 : i32
      %scan3A_53 = arith.addi %scan3A_51, %scan3A_52 : i32
      %scan3A_54 = arith.constant 1 : i32
      scf.for %scan3A_56 = %scan3A_51 to %scan3A_53 step %scan3A_54  : i32 {
        %mul3A_57 = arith.constant 64 : i32
        %mul3A_58 = arith.muli %scan3A_56, %mul3A_57 : i32
        %multiple_of3A = tpu.assume_multiple %mul3A_58, 64 : i32
        %add3A_59 = arith.constant 0 : i32
        %add3A_60 = arith.addi %multiple_of3A, %add3A_59 : i32
        %get3A_61 = arith.index_cast %scan3A_42 : i32 to index
        %get3A_62 = arith.index_cast %add3A_60 : i32 to index
        %get3A_63 = tpu.vector_load %arg10[%get3A_61, %get3A_62] {strides = array<i32>} : memref<32x1024xf32, #tpu.memory_space<vmem>>, vector<1x16xf32>,
        %get3A_64 = vector.shape_cast %get3A_63 : vector<1x16xf32> to vector<16xf32>
        %mul3A_65 = arith.mulf %get3A_45, %get3A_64 : vector<16xf32>
        %get3A_66 = arith.index_cast %scan3A_42 : i32 to index
        %get3A_67 = arith.index_cast %add3A_60 : i32 to index
        %get3A_68 = tpu.vector_load %arg11[%get3A_66, %get3A_67] {strides = array<i32>} : memref<32x1024xf32, #tpu.memory_space<vmem>>, vector<1x16xf32>,
        %get3A_69 = vector.shape_cast %get3A_68 : vector<1x16xf32> to vector<16xf32>
        %mul3A_70 = arith.mulf %get3A_49, %get3A_69 : vector<16xf32>
        %add3A_71 = arith.addf %mul3A_65, %mul3A_70 : vector<16xf32>
        %swap3A = arith.index_cast %scan3A_42 : i32 to index
        %swap3A_72 = arith.index_cast %add3A_60 : i32 to index
        %swap3A_73 = tpu.vector_load %arg12[%swap3A, %swap3A_72] {strides = array<i32>} : memref<32x1024xf32, #tpu.memory_space<vmem>>, vector<1x16xf32>,
        %swap3A_74 = vector.shape_cast %swap3A_73 : vector<1x16xf32> to vector<16xf32>
        %swap3A_75 = vector.shape_cast %add3A_71 : vector<16xf32> to vector<1x16xf32>
        tpu.vector_store %arg12[%swap3A, %swap3A_72], %swap3A_75 {strides = array<i32>} : memref<32x1024xf32, #tpu.memory_space<vmem>>, vector<1x16xf32>,
        %add3A_76 = arith.constant 16 : i32
        %add3A_77 = arith.addi %multiple_of3A, %add3A_76 : i32
        %get3A_78 = arith.index_cast %scan3A_42 : i32 to index
        %get3A_79 = arith.index_cast %add3A_77 : i32 to index
        %get3A_80 = tpu.vector_load %arg10[%get3A_78, %get3A_79] {strides = array<i32>} : memref<32x1024xf32, #tpu.memory_space<vmem>>, vector<1x16xf32>,
        %get3A_81 = vector.shape_cast %get3A_80 : vector<1x16xf32> to vector<16xf32>
        %mul3A_82 = arith.mulf %get3A_45, %get3A_81 : vector<16xf32>
        %get3A_83 = arith.index_cast %scan3A_42 : i32 to index
        %get3A_84 = arith.index_cast %add3A_77 : i32 to index
        %get3A_85 = tpu.vector_load %arg11[%get3A_83, %get3A_84] {strides = array<i32>} : memref<32x1024xf32, #tpu.memory_space<vmem>>, vector<1x16xf32>,
        %get3A_86 = vector.shape_cast %get3A_85 : vector<1x16xf32> to vector<16xf32>
        %mul3A_87 = arith.mulf %get3A_49, %get3A_86 : vector<16xf32>
        %add3A_88 = arith.addf %mul3A_82, %mul3A_87 : vector<16xf32>
        %swap3A_89 = arith.index_cast %scan3A_42 : i32 to index
        %swap3A_90 = arith.index_cast %add3A_77 : i32 to index
        %swap3A_91 = tpu.vector_load %arg12[%swap3A_89, %swap3A_90] {strides = array<i32>} : memref<32x1024xf32, #tpu.memory_space<vmem>>, vector<1x16xf32>,
        %swap3A_92 = vector.shape_cast %swap3A_91 : vector<1x16xf32> to vector<16xf32>
        %swap3A_93 = vector.shape_cast %add3A_88 : vector<16xf32> to vector<1x16xf32>
        tpu.vector_store %arg12[%swap3A_89, %swap3A_90], %swap3A_93 {strides = array<i32>} : memref<32x1024xf32, #tpu.memory_space<vmem>>, vector<1x16xf32>,
        %add3A_94 = arith.constant 32 : i32
        %add3A_95 = arith.addi %multiple_of3A, %add3A_94 : i32
        %get3A_96 = arith.index_cast %scan3A_42 : i32 to index
        %get3A_97 = arith.index_cast %add3A_95 : i32 to index
        %get3A_98 = tpu.vector_load %arg10[%get3A_96, %get3A_97] {strides = array<i32>} : memref<32x1024xf32, #tpu.memory_space<vmem>>, vector<1x16xf32>,
        %get3A_99 = vector.shape_cast %get3A_98 : vector<1x16xf32> to vector<16xf32>
        %mul3A_100 = arith.mulf %get3A_45, %get3A_99 : vector<16xf32>
        %get3A_101 = arith.index_cast %scan3A_42 : i32 to index
        %get3A_102 = arith.index_cast %add3A_95 : i32 to index
        %get3A_103 = tpu.vector_load %arg11[%get3A_101, %get3A_102] {strides = array<i32>} : memref<32x1024xf32, #tpu.memory_space<vmem>>, vector<1x16xf32>,
        %get3A_104 = vector.shape_cast %get3A_103 : vector<1x16xf32> to vector<16xf32>
        %mul3A_105 = arith.mulf %get3A_49, %get3A_104 : vector<16xf32>
        %add3A_106 = arith.addf %mul3A_100, %mul3A_105 : vector<16xf32>
        %swap3A_107 = arith.index_cast %scan3A_42 : i32 to index
        %swap3A_108 = arith.index_cast %add3A_95 : i32 to index
        %swap3A_109 = tpu.vector_load %arg12[%swap3A_107, %swap3A_108] {strides = array<i32>} : memref<32x1024xf32, #tpu.memory_space<vmem>>, vector<1x16xf32>,
        %swap3A_110 = vector.shape_cast %swap3A_109 : vector<1x16xf32> to vector<16xf32>
        %swap3A_111 = vector.shape_cast %add3A_106 : vector<16xf32> to vector<1x16xf32>
        tpu.vector_store %arg12[%swap3A_107, %swap3A_108], %swap3A_111 {strides = array<i32>} : memref<32x1024xf32, #tpu.memory_space<vmem>>, vector<1x16xf32>,
        %add3A_112 = arith.constant 48 : i32
        %add3A_113 = arith.addi %multiple_of3A, %add3A_112 : i32
        %get3A_114 = arith.index_cast %scan3A_42 : i32 to index
        %get3A_115 = arith.index_cast %add3A_113 : i32 to index
        %get3A_116 = tpu.vector_load %arg10[%get3A_114, %get3A_115] {strides = array<i32>} : memref<32x1024xf32, #tpu.memory_space<vmem>>, vector<1x16xf32>,
        %get3A_117 = vector.shape_cast %get3A_116 : vector<1x16xf32> to vector<16xf32>
        %mul3A_118 = arith.mulf %get3A_45, %get3A_117 : vector<16xf32>
        %get3A_119 = arith.index_cast %scan3A_42 : i32 to index
        %get3A_120 = arith.index_cast %add3A_113 : i32 to index
        %get3A_121 = tpu.vector_load %arg11[%get3A_119, %get3A_120] {strides = array<i32>} : memref<32x1024xf32, #tpu.memory_space<vmem>>, vector<1x16xf32>,
        %get3A_122 = vector.shape_cast %get3A_121 : vector<1x16xf32> to vector<16xf32>
        %mul3A_123 = arith.mulf %get3A_49, %get3A_122 : vector<16xf32>
        %add3A_124 = arith.addf %mul3A_118, %mul3A_123 : vector<16xf32>
        %swap3A_125 = arith.index_cast %scan3A_42 : i32 to index
        %swap3A_126 = arith.index_cast %add3A_113 : i32 to index
        %swap3A_127 = tpu.vector_load %arg12[%swap3A_125, %swap3A_126] {strides = array<i32>} : memref<32x1024xf32, #tpu.memory_space<vmem>>, vector<1x16xf32>,
        %swap3A_128 = vector.shape_cast %swap3A_127 : vector<1x16xf32> to vector<16xf32>
        %swap3A_129 = vector.shape_cast %add3A_124 : vector<16xf32> to vector<1x16xf32>
        tpu.vector_store %arg12[%swap3A_125, %swap3A_126], %swap3A_129 {strides = array<i32>} : memref<32x1024xf32, #tpu.memory_space<vmem>>, vector<1x16xf32>,
      }
      %scan3A_55 = arith.constant 16 : i32
    }
    %scan3A_41 = arith.constant 32 : i32
    "tpu.region"() ({
      %run_scoped3A = tpu.sem_alloc : memref<!tpu.dma_semaphore, #tpu.memory_space<semaphore_mem>>
      %dma_start3A_42 = arith.constant 0 : i32
      %dma_start3A_43 = tpu.memref_slice %arg7[%add3A_23, %dma_start3A_42] : memref<2048x1024xf32, #tpu.memory_space<hbm>> -> memref<32x1024xf32, #tpu.memory_space<hbm>>
      %dma_start3A_44 = arith.constant 0 : i32
      %dma_start3A_45 = tpu.memref_slice %arg7[%add3A_23, %dma_start3A_44] : memref<2048x1024xf32, #tpu.memory_space<hbm>> -> memref<32x1024xf32, #tpu.memory_space<hbm>>
      tpu.enqueue_dma source(%arg12 : memref<32x1024xf32, #tpu.memory_space<vmem>>) target(%dma_start3A_45 : memref<32x1024xf32, #tpu.memory_space<hbm>>) target_semaphore(%run_scoped3A : memref<!tpu.dma_semaphore, #tpu.memory_space<semaphore_mem>>)
      %dma_wait3A_46 = arith.constant 0 : i32
      %dma_wait3A_47 = tpu.memref_slice %arg7[%add3A_23, %dma_wait3A_46] : memref<2048x1024xf32, #tpu.memory_space<hbm>> -> memref<32x1024xf32, #tpu.memory_space<hbm>>
      %dma_wait3A_48 = arith.constant 0 : i32
      %dma_wait3A_49 = tpu.memref_slice %arg7[%add3A_23, %dma_wait3A_48] : memref<2048x1024xf32, #tpu.memory_space<hbm>> -> memref<32x1024xf32, #tpu.memory_space<hbm>>
      tpu.wait_dma2 semaphore(%run_scoped3A : memref<!tpu.dma_semaphore, #tpu.memory_space<semaphore_mem>>) src(%arg12 : memref<32x1024xf32, #tpu.memory_space<vmem>>) dst(%dma_wait3A_49 : memref<32x1024xf32, #tpu.memory_space<hbm>>)
      tpu.yield
    }) : () -> ()
    return
  }
}

#map = affine_map<(d0, d1) -> (0, 0)>
#map1 = affine_map<(d0, d1) -> (0)>
module attributes {stable_mosaic.version = 14 : i64} {
  func.func @_dispatch_body(%arg0: i32, %arg1: i32, %arg2: memref<2048x1024xf32, #tpu.memory_space<hbm>>, %arg3: memref<2048xi32, #tpu.memory_space<hbm>>, %arg4: memref<2048xi32, #tpu.memory_space<hbm>>, %arg5: memref<5888x1024xf32, #tpu.memory_space<hbm>>, %arg6: memref<64xi32, #tpu.memory_space<vmem>>, %arg7: memref<64xi32, #tpu.memory_space<vmem>>, %arg8: memref<64x1024xf32, #tpu.memory_space<vmem>>, %arg9: memref<!tpu.dma_semaphore, #tpu.memory_space<semaphore_mem>>, %arg10: memref<!tpu.dma_semaphore, #tpu.memory_space<semaphore_mem>>) attributes {dimension_semantics = [#tpu.dimension_semantics<core_parallel>, #tpu.dimension_semantics<subcore_parallel>], iteration_bounds = array<i64: 2, 16>, scalar_prefetch = 0 : i64, scratch_operands = 5 : i64, tpu.core_type = #tpu.core_type<sc_vector_subcore>, window_params = [{transform_indices = #map}, {transform_indices = #map1}, {transform_indices = #map1}, {transform_indices = #map}]} {
    %mul3A = arith.constant 2 : i32
    %mul3A_0 = arith.muli %arg1, %mul3A : i32
    %add3A = arith.addi %mul3A_0, %arg0 : i32
    %mul3A_1 = arith.constant 64 : i32
    %mul3A_2 = arith.muli %add3A, %mul3A_1 : i32
    "tpu.region"() ({
      %run_scoped3A = tpu.sem_alloc : memref<!tpu.dma_semaphore, #tpu.memory_space<semaphore_mem>>
      %dma_start3A_13 = tpu.memref_slice %arg3[%mul3A_2] : memref<2048xi32, #tpu.memory_space<hbm>> -> memref<64xi32, #tpu.memory_space<hbm>>
      %dma_start3A_14 = tpu.memref_slice %arg3[%mul3A_2] : memref<2048xi32, #tpu.memory_space<hbm>> -> memref<64xi32, #tpu.memory_space<hbm>>
      tpu.enqueue_dma source(%dma_start3A_14 : memref<64xi32, #tpu.memory_space<hbm>>) target(%arg6 : memref<64xi32, #tpu.memory_space<vmem>>) target_semaphore(%run_scoped3A : memref<!tpu.dma_semaphore, #tpu.memory_space<semaphore_mem>>)
      %dma_wait3A_15 = tpu.memref_slice %arg3[%mul3A_2] : memref<2048xi32, #tpu.memory_space<hbm>> -> memref<64xi32, #tpu.memory_space<hbm>>
      %dma_wait3A_16 = tpu.memref_slice %arg3[%mul3A_2] : memref<2048xi32, #tpu.memory_space<hbm>> -> memref<64xi32, #tpu.memory_space<hbm>>
      tpu.wait_dma2 semaphore(%run_scoped3A : memref<!tpu.dma_semaphore, #tpu.memory_space<semaphore_mem>>) src(%dma_wait3A_16 : memref<64xi32, #tpu.memory_space<hbm>>) dst(%arg6 : memref<64xi32, #tpu.memory_space<vmem>>)
      tpu.yield
    }) : () -> ()
    "tpu.region"() ({
      %run_scoped3A = tpu.sem_alloc : memref<!tpu.dma_semaphore, #tpu.memory_space<semaphore_mem>>
      %dma_start3A_13 = tpu.memref_slice %arg4[%mul3A_2] : memref<2048xi32, #tpu.memory_space<hbm>> -> memref<64xi32, #tpu.memory_space<hbm>>
      %dma_start3A_14 = tpu.memref_slice %arg4[%mul3A_2] : memref<2048xi32, #tpu.memory_space<hbm>> -> memref<64xi32, #tpu.memory_space<hbm>>
      tpu.enqueue_dma source(%dma_start3A_14 : memref<64xi32, #tpu.memory_space<hbm>>) target(%arg7 : memref<64xi32, #tpu.memory_space<vmem>>) target_semaphore(%run_scoped3A : memref<!tpu.dma_semaphore, #tpu.memory_space<semaphore_mem>>)
      %dma_wait3A_15 = tpu.memref_slice %arg4[%mul3A_2] : memref<2048xi32, #tpu.memory_space<hbm>> -> memref<64xi32, #tpu.memory_space<hbm>>
      %dma_wait3A_16 = tpu.memref_slice %arg4[%mul3A_2] : memref<2048xi32, #tpu.memory_space<hbm>> -> memref<64xi32, #tpu.memory_space<hbm>>
      tpu.wait_dma2 semaphore(%run_scoped3A : memref<!tpu.dma_semaphore, #tpu.memory_space<semaphore_mem>>) src(%dma_wait3A_16 : memref<64xi32, #tpu.memory_space<hbm>>) dst(%arg7 : memref<64xi32, #tpu.memory_space<vmem>>)
      tpu.yield
    }) : () -> ()
    "tpu.region"() ({
      %run_scoped3A = tpu.sem_alloc : memref<!tpu.dma_semaphore, #tpu.memory_space<semaphore_mem>>
      %dma_start3A_13 = arith.constant 0 : i32
      %dma_start3A_14 = tpu.memref_slice %arg2[%mul3A_2, %dma_start3A_13] : memref<2048x1024xf32, #tpu.memory_space<hbm>> -> memref<64x1024xf32, #tpu.memory_space<hbm>>
      %dma_start3A_15 = arith.constant 0 : i32
      %dma_start3A_16 = tpu.memref_slice %arg2[%mul3A_2, %dma_start3A_15] : memref<2048x1024xf32, #tpu.memory_space<hbm>> -> memref<64x1024xf32, #tpu.memory_space<hbm>>
      tpu.enqueue_dma source(%dma_start3A_16 : memref<64x1024xf32, #tpu.memory_space<hbm>>) target(%arg8 : memref<64x1024xf32, #tpu.memory_space<vmem>>) target_semaphore(%run_scoped3A : memref<!tpu.dma_semaphore, #tpu.memory_space<semaphore_mem>>)
      %dma_wait3A_17 = arith.constant 0 : i32
      %dma_wait3A_18 = tpu.memref_slice %arg2[%mul3A_2, %dma_wait3A_17] : memref<2048x1024xf32, #tpu.memory_space<hbm>> -> memref<64x1024xf32, #tpu.memory_space<hbm>>
      %dma_wait3A_19 = arith.constant 0 : i32
      %dma_wait3A_20 = tpu.memref_slice %arg2[%mul3A_2, %dma_wait3A_19] : memref<2048x1024xf32, #tpu.memory_space<hbm>> -> memref<64x1024xf32, #tpu.memory_space<hbm>>
      tpu.wait_dma2 semaphore(%run_scoped3A : memref<!tpu.dma_semaphore, #tpu.memory_space<semaphore_mem>>) src(%dma_wait3A_20 : memref<64x1024xf32, #tpu.memory_space<hbm>>) dst(%arg8 : memref<64x1024xf32, #tpu.memory_space<vmem>>)
      tpu.yield
    }) : () -> ()
    %dma_start3A = arith.constant 0 : i32
    %dma_start3A_3 = arith.constant 0 : i32
    %dma_start3A_4 = tpu.memref_slice %arg5[%dma_start3A, %dma_start3A_3] : memref<5888x1024xf32, #tpu.memory_space<hbm>> -> memref<5888x1024xf32, #tpu.memory_space<hbm>>
    tpu.enqueue_indirect_dma source(%arg8 : memref<64x1024xf32, #tpu.memory_space<vmem>>) target(%dma_start3A_4 : memref<5888x1024xf32, #tpu.memory_space<hbm>>) offsets(%arg6 : memref<64xi32, #tpu.memory_space<vmem>>) semaphore(%arg9 : memref<!tpu.dma_semaphore, #tpu.memory_space<semaphore_mem>>)
    %dma_start3A_5 = arith.constant 0 : i32
    %dma_start3A_6 = arith.constant 0 : i32
    %dma_start3A_7 = tpu.memref_slice %arg5[%dma_start3A_5, %dma_start3A_6] : memref<5888x1024xf32, #tpu.memory_space<hbm>> -> memref<5888x1024xf32, #tpu.memory_space<hbm>>
    tpu.enqueue_indirect_dma source(%arg8 : memref<64x1024xf32, #tpu.memory_space<vmem>>) target(%dma_start3A_7 : memref<5888x1024xf32, #tpu.memory_space<hbm>>) offsets(%arg7 : memref<64xi32, #tpu.memory_space<vmem>>) semaphore(%arg10 : memref<!tpu.dma_semaphore, #tpu.memory_space<semaphore_mem>>)
    %dma_wait3A = arith.constant 0 : i32
    %dma_wait3A_8 = arith.constant 0 : i32
    %dma_wait3A_9 = tpu.memref_slice %arg5[%dma_wait3A, %dma_wait3A_8] : memref<5888x1024xf32, #tpu.memory_space<hbm>> -> memref<5888x1024xf32, #tpu.memory_space<hbm>>
    tpu.wait_indirect_dma semaphore(%arg9 : memref<!tpu.dma_semaphore, #tpu.memory_space<semaphore_mem>>) src(%arg8 : memref<64x1024xf32, #tpu.memory_space<vmem>>) dst(%dma_wait3A_9 : memref<5888x1024xf32, #tpu.memory_space<hbm>>)
    %dma_wait3A_10 = arith.constant 0 : i32
    %dma_wait3A_11 = arith.constant 0 : i32
    %dma_wait3A_12 = tpu.memref_slice %arg5[%dma_wait3A_10, %dma_wait3A_11] : memref<5888x1024xf32, #tpu.memory_space<hbm>> -> memref<5888x1024xf32, #tpu.memory_space<hbm>>
    tpu.wait_indirect_dma semaphore(%arg10 : memref<!tpu.dma_semaphore, #tpu.memory_space<semaphore_mem>>) src(%arg8 : memref<64x1024xf32, #tpu.memory_space<vmem>>) dst(%dma_wait3A_12 : memref<5888x1024xf32, #tpu.memory_space<hbm>>)
    return
  }
}

module attributes {stable_mosaic.version = 14 : i64} {
  func.func @_ffn_body(%arg0: i32, %arg1: memref<1x128xi32, #tpu.memory_space<smem>>, %arg2: memref<1x128xi32, #tpu.memory_space<smem>>, %arg3: memref<1x128xi32, #tpu.memory_space<smem>>, %arg4: memref<1x128xi32, #tpu.memory_space<smem>>, %arg5: memref<1x128xi32, #tpu.memory_space<smem>>, %arg6: memref<1x128xi32, #tpu.memory_space<smem>>, %arg7: memref<256x1024xf32, #tpu.memory_space<vmem>>, %arg8: memref<8x2048x1024xf32, #tpu.memory_space<any>>, %arg9: memref<8x2048x1024xf32, #tpu.memory_space<any>>, %arg10: memref<8x1024x2048xf32, #tpu.memory_space<any>>, %arg11: memref<256x1024xf32, #tpu.memory_space<vmem>>, %arg12: memref<2x2048x1024xf32, #tpu.memory_space<vmem>>, %arg13: memref<2x2048x1024xf32, #tpu.memory_space<vmem>>, %arg14: memref<2x1024x2048xf32, #tpu.memory_space<vmem>>, %arg15: memref<2x!tpu.dma_semaphore, #tpu.memory_space<semaphore_mem>>, %arg16: memref<2x!tpu.dma_semaphore, #tpu.memory_space<semaphore_mem>>, %arg17: memref<2x!tpu.dma_semaphore, #tpu.memory_space<semaphore_mem>>) attributes {dimension_semantics = [#tpu.dimension_semantics<arbitrary>], iteration_bounds = array<i64: 23>, scalar_prefetch = 6 : i64, scratch_operands = 6 : i64, tpu.core_type = #tpu.core_type<tc>, window_params = [{transform_indices = @transform_0, window_bounds = array<i64: 256, 1024>}, {}, {}, {}, {transform_indices = @transform_4, window_bounds = array<i64: 256, 1024>}]} {
    %get3A = arith.constant 0 : index
    %get3A_0 = arith.index_cast %arg0 : i32 to index
    %get3A_1 = memref.load %arg4[%get3A, %get3A_0] : memref<1x128xi32, #tpu.memory_space<smem>>
    %eq3A = arith.constant 0 : i32
    %eq3A_2 = arith.cmpi eq, %arg0, %eq3A : i32
    %convert_element_type3A = arith.extui %eq3A_2 : i1 to i32
    %cond3A = arith.constant 0 : i32
    %cond3A_3 = arith.cmpi ne, %convert_element_type3A, %cond3A : i32
    scf.if %cond3A_3 {
      %get3A_25 = arith.constant 0 : index
      %get3A_26 = arith.constant 0 : index
      %get3A_27 = memref.load %arg1[%get3A_25, %get3A_26] : memref<1x128xi32, #tpu.memory_space<smem>>
      %dma_start3A = arith.constant 0 : i32
      %dma_start3A_28 = tpu.memref_slice %arg15[%dma_start3A] : memref<2x!tpu.dma_semaphore, #tpu.memory_space<semaphore_mem>> -> memref<1x!tpu.dma_semaphore, #tpu.memory_space<semaphore_mem>>
      %dma_start3A_29 = tpu.memref_squeeze %dma_start3A_28 : memref<1x!tpu.dma_semaphore, #tpu.memory_space<semaphore_mem>> -> memref<!tpu.dma_semaphore, #tpu.memory_space<semaphore_mem>>
      %dma_start3A_30 = arith.constant 0 : i32
      %dma_start3A_31 = arith.constant 0 : i32
      %dma_start3A_32 = arith.constant 0 : i32
      %dma_start3A_33 = tpu.memref_slice %arg12[%dma_start3A_30, %dma_start3A_31, %dma_start3A_32] : memref<2x2048x1024xf32, #tpu.memory_space<vmem>> -> memref<1x2048x1024xf32, #tpu.memory_space<vmem>>
      %dma_start3A_34 = arith.constant 0 : i32
      %dma_start3A_35 = arith.constant 0 : i32
      %dma_start3A_36 = tpu.memref_slice %arg8[%get3A_27, %dma_start3A_34, %dma_start3A_35] : memref<8x2048x1024xf32, #tpu.memory_space<any>> -> memref<1x2048x1024xf32, #tpu.memory_space<any>>
      tpu.enqueue_dma source(%dma_start3A_36 : memref<1x2048x1024xf32, #tpu.memory_space<any>>) target(%dma_start3A_33 : memref<1x2048x1024xf32, #tpu.memory_space<vmem>>) target_semaphore(%dma_start3A_29 : memref<!tpu.dma_semaphore, #tpu.memory_space<semaphore_mem>>)
      %dma_start3A_37 = arith.constant 0 : i32
      %dma_start3A_38 = tpu.memref_slice %arg16[%dma_start3A_37] : memref<2x!tpu.dma_semaphore, #tpu.memory_space<semaphore_mem>> -> memref<1x!tpu.dma_semaphore, #tpu.memory_space<semaphore_mem>>
      %dma_start3A_39 = tpu.memref_squeeze %dma_start3A_38 : memref<1x!tpu.dma_semaphore, #tpu.memory_space<semaphore_mem>> -> memref<!tpu.dma_semaphore, #tpu.memory_space<semaphore_mem>>
      %dma_start3A_40 = arith.constant 0 : i32
      %dma_start3A_41 = arith.constant 0 : i32
      %dma_start3A_42 = arith.constant 0 : i32
      %dma_start3A_43 = tpu.memref_slice %arg13[%dma_start3A_40, %dma_start3A_41, %dma_start3A_42] : memref<2x2048x1024xf32, #tpu.memory_space<vmem>> -> memref<1x2048x1024xf32, #tpu.memory_space<vmem>>
      %dma_start3A_44 = arith.constant 0 : i32
      %dma_start3A_45 = arith.constant 0 : i32
      %dma_start3A_46 = tpu.memref_slice %arg9[%get3A_27, %dma_start3A_44, %dma_start3A_45] : memref<8x2048x1024xf32, #tpu.memory_space<any>> -> memref<1x2048x1024xf32, #tpu.memory_space<any>>
      tpu.enqueue_dma source(%dma_start3A_46 : memref<1x2048x1024xf32, #tpu.memory_space<any>>) target(%dma_start3A_43 : memref<1x2048x1024xf32, #tpu.memory_space<vmem>>) target_semaphore(%dma_start3A_39 : memref<!tpu.dma_semaphore, #tpu.memory_space<semaphore_mem>>)
      %dma_start3A_47 = arith.constant 0 : i32
      %dma_start3A_48 = tpu.memref_slice %arg17[%dma_start3A_47] : memref<2x!tpu.dma_semaphore, #tpu.memory_space<semaphore_mem>> -> memref<1x!tpu.dma_semaphore, #tpu.memory_space<semaphore_mem>>
      %dma_start3A_49 = tpu.memref_squeeze %dma_start3A_48 : memref<1x!tpu.dma_semaphore, #tpu.memory_space<semaphore_mem>> -> memref<!tpu.dma_semaphore, #tpu.memory_space<semaphore_mem>>
      %dma_start3A_50 = arith.constant 0 : i32
      %dma_start3A_51 = arith.constant 0 : i32
      %dma_start3A_52 = arith.constant 0 : i32
      %dma_start3A_53 = tpu.memref_slice %arg14[%dma_start3A_50, %dma_start3A_51, %dma_start3A_52] : memref<2x1024x2048xf32, #tpu.memory_space<vmem>> -> memref<1x1024x2048xf32, #tpu.memory_space<vmem>>
      %dma_start3A_54 = arith.constant 0 : i32
      %dma_start3A_55 = arith.constant 0 : i32
      %dma_start3A_56 = tpu.memref_slice %arg10[%get3A_27, %dma_start3A_54, %dma_start3A_55] : memref<8x1024x2048xf32, #tpu.memory_space<any>> -> memref<1x1024x2048xf32, #tpu.memory_space<any>>
      tpu.enqueue_dma source(%dma_start3A_56 : memref<1x1024x2048xf32, #tpu.memory_space<any>>) target(%dma_start3A_53 : memref<1x1024x2048xf32, #tpu.memory_space<vmem>>) target_semaphore(%dma_start3A_49 : memref<!tpu.dma_semaphore, #tpu.memory_space<semaphore_mem>>)
    } else {
    }
    %get3A_4 = arith.constant 0 : index
    %get3A_5 = arith.index_cast %arg0 : i32 to index
    %get3A_6 = memref.load %arg3[%get3A_4, %get3A_5] : memref<1x128xi32, #tpu.memory_space<smem>>
    %eq3A_7 = arith.constant 1 : i32
    %eq3A_8 = arith.cmpi eq, %get3A_6, %eq3A_7 : i32
    %get3A_9 = arith.constant 0 : index
    %get3A_10 = arith.index_cast %arg0 : i32 to index
    %get3A_11 = memref.load %arg2[%get3A_9, %get3A_10] : memref<1x128xi32, #tpu.memory_space<smem>>
    %eq3A_12 = arith.constant 1 : i32
    %eq3A_13 = arith.cmpi eq, %get3A_11, %eq3A_12 : i32
    %and3A = arith.andi %eq3A_8, %eq3A_13 : i1
    %convert_element_type3A_14 = arith.extui %and3A : i1 to i32
    %cond3A_15 = arith.constant 0 : i32
    %cond3A_16 = arith.cmpi ne, %convert_element_type3A_14, %cond3A_15 : i32
    scf.if %cond3A_16 {
      %get3A_25 = arith.constant 0 : index
      %get3A_26 = arith.index_cast %arg0 : i32 to index
      %get3A_27 = memref.load %arg1[%get3A_25, %get3A_26] : memref<1x128xi32, #tpu.memory_space<smem>>
      %dma_wait3A = tpu.memref_slice %arg15[%get3A_1] : memref<2x!tpu.dma_semaphore, #tpu.memory_space<semaphore_mem>> -> memref<1x!tpu.dma_semaphore, #tpu.memory_space<semaphore_mem>>
      %dma_wait3A_28 = tpu.memref_squeeze %dma_wait3A : memref<1x!tpu.dma_semaphore, #tpu.memory_space<semaphore_mem>> -> memref<!tpu.dma_semaphore, #tpu.memory_space<semaphore_mem>>
      %dma_wait3A_29 = arith.constant 0 : i32
      %dma_wait3A_30 = arith.constant 0 : i32
      %dma_wait3A_31 = tpu.memref_slice %arg12[%get3A_1, %dma_wait3A_29, %dma_wait3A_30] : memref<2x2048x1024xf32, #tpu.memory_space<vmem>> -> memref<1x2048x1024xf32, #tpu.memory_space<vmem>>
      %dma_wait3A_32 = arith.constant 0 : i32
      %dma_wait3A_33 = arith.constant 0 : i32
      %dma_wait3A_34 = tpu.memref_slice %arg8[%get3A_27, %dma_wait3A_32, %dma_wait3A_33] : memref<8x2048x1024xf32, #tpu.memory_space<any>> -> memref<1x2048x1024xf32, #tpu.memory_space<any>>
      tpu.wait_dma2 semaphore(%dma_wait3A_28 : memref<!tpu.dma_semaphore, #tpu.memory_space<semaphore_mem>>) src(%dma_wait3A_34 : memref<1x2048x1024xf32, #tpu.memory_space<any>>) dst(%dma_wait3A_31 : memref<1x2048x1024xf32, #tpu.memory_space<vmem>>)
      %dma_wait3A_35 = tpu.memref_slice %arg16[%get3A_1] : memref<2x!tpu.dma_semaphore, #tpu.memory_space<semaphore_mem>> -> memref<1x!tpu.dma_semaphore, #tpu.memory_space<semaphore_mem>>
      %dma_wait3A_36 = tpu.memref_squeeze %dma_wait3A_35 : memref<1x!tpu.dma_semaphore, #tpu.memory_space<semaphore_mem>> -> memref<!tpu.dma_semaphore, #tpu.memory_space<semaphore_mem>>
      %dma_wait3A_37 = arith.constant 0 : i32
      %dma_wait3A_38 = arith.constant 0 : i32
      %dma_wait3A_39 = tpu.memref_slice %arg13[%get3A_1, %dma_wait3A_37, %dma_wait3A_38] : memref<2x2048x1024xf32, #tpu.memory_space<vmem>> -> memref<1x2048x1024xf32, #tpu.memory_space<vmem>>
      %dma_wait3A_40 = arith.constant 0 : i32
      %dma_wait3A_41 = arith.constant 0 : i32
      %dma_wait3A_42 = tpu.memref_slice %arg9[%get3A_27, %dma_wait3A_40, %dma_wait3A_41] : memref<8x2048x1024xf32, #tpu.memory_space<any>> -> memref<1x2048x1024xf32, #tpu.memory_space<any>>
      tpu.wait_dma2 semaphore(%dma_wait3A_36 : memref<!tpu.dma_semaphore, #tpu.memory_space<semaphore_mem>>) src(%dma_wait3A_42 : memref<1x2048x1024xf32, #tpu.memory_space<any>>) dst(%dma_wait3A_39 : memref<1x2048x1024xf32, #tpu.memory_space<vmem>>)
      %dma_wait3A_43 = tpu.memref_slice %arg17[%get3A_1] : memref<2x!tpu.dma_semaphore, #tpu.memory_space<semaphore_mem>> -> memref<1x!tpu.dma_semaphore, #tpu.memory_space<semaphore_mem>>
      %dma_wait3A_44 = tpu.memref_squeeze %dma_wait3A_43 : memref<1x!tpu.dma_semaphore, #tpu.memory_space<semaphore_mem>> -> memref<!tpu.dma_semaphore, #tpu.memory_space<semaphore_mem>>
      %dma_wait3A_45 = arith.constant 0 : i32
      %dma_wait3A_46 = arith.constant 0 : i32
      %dma_wait3A_47 = tpu.memref_slice %arg14[%get3A_1, %dma_wait3A_45, %dma_wait3A_46] : memref<2x1024x2048xf32, #tpu.memory_space<vmem>> -> memref<1x1024x2048xf32, #tpu.memory_space<vmem>>
      %dma_wait3A_48 = arith.constant 0 : i32
      %dma_wait3A_49 = arith.constant 0 : i32
      %dma_wait3A_50 = tpu.memref_slice %arg10[%get3A_27, %dma_wait3A_48, %dma_wait3A_49] : memref<8x1024x2048xf32, #tpu.memory_space<any>> -> memref<1x1024x2048xf32, #tpu.memory_space<any>>
      tpu.wait_dma2 semaphore(%dma_wait3A_44 : memref<!tpu.dma_semaphore, #tpu.memory_space<semaphore_mem>>) src(%dma_wait3A_50 : memref<1x1024x2048xf32, #tpu.memory_space<any>>) dst(%dma_wait3A_47 : memref<1x1024x2048xf32, #tpu.memory_space<vmem>>)
      %get3A_51 = arith.constant 0 : index
      %get3A_52 = arith.index_cast %arg0 : i32 to index
      %get3A_53 = memref.load %arg5[%get3A_51, %get3A_52] : memref<1x128xi32, #tpu.memory_space<smem>>
      %ge3A = arith.constant 0 : i32
      %ge3A_54 = arith.cmpi sge, %get3A_53, %ge3A : i32
      %convert_element_type3A_55 = arith.extui %ge3A_54 : i1 to i32
      %cond3A_56 = arith.constant 0 : i32
      %cond3A_57 = arith.cmpi ne, %convert_element_type3A_55, %cond3A_56 : i32
      scf.if %cond3A_57 {
        %sub3A = arith.constant 1 : i32
        %sub3A_58 = arith.subi %sub3A, %get3A_1 : i32
        %dma_start3A = tpu.memref_slice %arg15[%sub3A_58] : memref<2x!tpu.dma_semaphore, #tpu.memory_space<semaphore_mem>> -> memref<1x!tpu.dma_semaphore, #tpu.memory_space<semaphore_mem>>
        %dma_start3A_59 = tpu.memref_squeeze %dma_start3A : memref<1x!tpu.dma_semaphore, #tpu.memory_space<semaphore_mem>> -> memref<!tpu.dma_semaphore, #tpu.memory_space<semaphore_mem>>
        %dma_start3A_60 = arith.constant 0 : i32
        %dma_start3A_61 = arith.constant 0 : i32
        %dma_start3A_62 = tpu.memref_slice %arg12[%sub3A_58, %dma_start3A_60, %dma_start3A_61] : memref<2x2048x1024xf32, #tpu.memory_space<vmem>> -> memref<1x2048x1024xf32, #tpu.memory_space<vmem>>
        %dma_start3A_63 = arith.constant 0 : i32
        %dma_start3A_64 = arith.constant 0 : i32
        %dma_start3A_65 = tpu.memref_slice %arg8[%get3A_53, %dma_start3A_63, %dma_start3A_64] : memref<8x2048x1024xf32, #tpu.memory_space<any>> -> memref<1x2048x1024xf32, #tpu.memory_space<any>>
        tpu.enqueue_dma source(%dma_start3A_65 : memref<1x2048x1024xf32, #tpu.memory_space<any>>) target(%dma_start3A_62 : memref<1x2048x1024xf32, #tpu.memory_space<vmem>>) target_semaphore(%dma_start3A_59 : memref<!tpu.dma_semaphore, #tpu.memory_space<semaphore_mem>>)
        %dma_start3A_66 = tpu.memref_slice %arg16[%sub3A_58] : memref<2x!tpu.dma_semaphore, #tpu.memory_space<semaphore_mem>> -> memref<1x!tpu.dma_semaphore, #tpu.memory_space<semaphore_mem>>
        %dma_start3A_67 = tpu.memref_squeeze %dma_start3A_66 : memref<1x!tpu.dma_semaphore, #tpu.memory_space<semaphore_mem>> -> memref<!tpu.dma_semaphore, #tpu.memory_space<semaphore_mem>>
        %dma_start3A_68 = arith.constant 0 : i32
        %dma_start3A_69 = arith.constant 0 : i32
        %dma_start3A_70 = tpu.memref_slice %arg13[%sub3A_58, %dma_start3A_68, %dma_start3A_69] : memref<2x2048x1024xf32, #tpu.memory_space<vmem>> -> memref<1x2048x1024xf32, #tpu.memory_space<vmem>>
        %dma_start3A_71 = arith.constant 0 : i32
        %dma_start3A_72 = arith.constant 0 : i32
        %dma_start3A_73 = tpu.memref_slice %arg9[%get3A_53, %dma_start3A_71, %dma_start3A_72] : memref<8x2048x1024xf32, #tpu.memory_space<any>> -> memref<1x2048x1024xf32, #tpu.memory_space<any>>
        tpu.enqueue_dma source(%dma_start3A_73 : memref<1x2048x1024xf32, #tpu.memory_space<any>>) target(%dma_start3A_70 : memref<1x2048x1024xf32, #tpu.memory_space<vmem>>) target_semaphore(%dma_start3A_67 : memref<!tpu.dma_semaphore, #tpu.memory_space<semaphore_mem>>)
        %dma_start3A_74 = tpu.memref_slice %arg17[%sub3A_58] : memref<2x!tpu.dma_semaphore, #tpu.memory_space<semaphore_mem>> -> memref<1x!tpu.dma_semaphore, #tpu.memory_space<semaphore_mem>>
        %dma_start3A_75 = tpu.memref_squeeze %dma_start3A_74 : memref<1x!tpu.dma_semaphore, #tpu.memory_space<semaphore_mem>> -> memref<!tpu.dma_semaphore, #tpu.memory_space<semaphore_mem>>
        %dma_start3A_76 = arith.constant 0 : i32
        %dma_start3A_77 = arith.constant 0 : i32
        %dma_start3A_78 = tpu.memref_slice %arg14[%sub3A_58, %dma_start3A_76, %dma_start3A_77] : memref<2x1024x2048xf32, #tpu.memory_space<vmem>> -> memref<1x1024x2048xf32, #tpu.memory_space<vmem>>
        %dma_start3A_79 = arith.constant 0 : i32
        %dma_start3A_80 = arith.constant 0 : i32
        %dma_start3A_81 = tpu.memref_slice %arg10[%get3A_53, %dma_start3A_79, %dma_start3A_80] : memref<8x1024x2048xf32, #tpu.memory_space<any>> -> memref<1x1024x2048xf32, #tpu.memory_space<any>>
        tpu.enqueue_dma source(%dma_start3A_81 : memref<1x1024x2048xf32, #tpu.memory_space<any>>) target(%dma_start3A_78 : memref<1x1024x2048xf32, #tpu.memory_space<vmem>>) target_semaphore(%dma_start3A_75 : memref<!tpu.dma_semaphore, #tpu.memory_space<semaphore_mem>>)
      } else {
      }
    } else {
    }
    %get3A_17 = arith.constant 0 : index
    %get3A_18 = arith.index_cast %arg0 : i32 to index
    %get3A_19 = memref.load %arg2[%get3A_17, %get3A_18] : memref<1x128xi32, #tpu.memory_space<smem>>
    %eq3A_20 = arith.constant 1 : i32
    %eq3A_21 = arith.cmpi eq, %get3A_19, %eq3A_20 : i32
    %convert_element_type3A_22 = arith.extui %eq3A_21 : i1 to i32
    %cond3A_23 = arith.constant 0 : i32
    %cond3A_24 = arith.cmpi ne, %convert_element_type3A_22, %cond3A_23 : i32
    scf.if %cond3A_24 {
      %get3A_25 = arith.constant 0 : index
      %get3A_26 = arith.constant 0 : index
      %get3A_27 = vector.load %arg7[%get3A_25, %get3A_26] : memref<256x1024xf32, #tpu.memory_space<vmem>>, vector<256x1024xf32>
      %get3A_28 = arith.index_cast %get3A_1 : i32 to index
      %get3A_29 = arith.constant 0 : index
      %get3A_30 = arith.constant 0 : index
      %get3A_31 = vector.load %arg12[%get3A_28, %get3A_29, %get3A_30] : memref<2x2048x1024xf32, #tpu.memory_space<vmem>>, vector<1x512x1024xf32>
      %get3A_32 = vector.shape_cast %get3A_31 : vector<1x512x1024xf32> to vector<512x1024xf32>
      %get3A_33 = arith.index_cast %get3A_1 : i32 to index
      %get3A_34 = arith.constant 0 : index
      %get3A_35 = arith.constant 0 : index
      %get3A_36 = vector.load %arg13[%get3A_33, %get3A_34, %get3A_35] : memref<2x2048x1024xf32, #tpu.memory_space<vmem>>, vector<1x512x1024xf32>
      %get3A_37 = vector.shape_cast %get3A_36 : vector<1x512x1024xf32> to vector<512x1024xf32>
      %get3A_38 = arith.index_cast %get3A_1 : i32 to index
      %get3A_39 = arith.constant 0 : index
      %get3A_40 = arith.constant 0 : index
      %get3A_41 = vector.load %arg14[%get3A_38, %get3A_39, %get3A_40] : memref<2x1024x2048xf32, #tpu.memory_space<vmem>>, vector<1x1024x512xf32>
      %get3A_42 = vector.shape_cast %get3A_41 : vector<1x1024x512xf32> to vector<1024x512xf32>
      %dot_general3A = arith.constant dense<0.000000e+00> : vector<256x512xf32>
      %dot_general3A_43 = tpu.matmul %get3A_27, %get3A_32, %dot_general3A {dimension_numbers = #tpu.dot_dimension_numbers<[1], [1], [0], [0], [0, 0, 1, 0], [], []>, transpose_lhs_hint = false} : vector<256x1024xf32>, vector<512x1024xf32>, vector<256x512xf32> -> vector<256x512xf32>
      %dot_general3A_44 = arith.constant dense<0.000000e+00> : vector<256x512xf32>
      %dot_general3A_45 = tpu.matmul %get3A_27, %get3A_37, %dot_general3A_44 {dimension_numbers = #tpu.dot_dimension_numbers<[1], [1], [0], [0], [0, 0, 1, 0], [], []>, transpose_lhs_hint = false} : vector<256x1024xf32>, vector<512x1024xf32>, vector<256x512xf32> -> vector<256x512xf32>
      %mul3A = arith.mulf %dot_general3A_43, %dot_general3A_45 : vector<256x512xf32>
      %neg3A = arith.constant 0.000000e+00 : f32
      %neg3A_46 = vector.broadcast %neg3A : f32 to vector<256x512xf32>
      %neg3A_47 = arith.subf %neg3A_46, %dot_general3A_43 : vector<256x512xf32>
      %exp3A = math.exp %neg3A_47 : vector<256x512xf32>
      %add3A = arith.constant 1.000000e+00 : f32
      %add3A_48 = vector.broadcast %add3A : f32 to vector<256x512xf32>
      %add3A_49 = arith.addf %add3A_48, %exp3A : vector<256x512xf32>
      %div3A = arith.divf %mul3A, %add3A_49 : vector<256x512xf32>
      %dot_general3A_50 = arith.constant dense<0.000000e+00> : vector<256x1024xf32>
      %dot_general3A_51 = tpu.matmul %div3A, %get3A_42, %dot_general3A_50 {dimension_numbers = #tpu.dot_dimension_numbers<[1], [1], [0], [0], [0, 0, 1, 0], [], []>, transpose_lhs_hint = false} : vector<256x512xf32>, vector<1024x512xf32>, vector<256x1024xf32> -> vector<256x1024xf32>
      %swap3A = arith.constant 0 : index
      %swap3A_52 = arith.constant 0 : index
      %swap3A_53 = vector.load %arg11[%swap3A, %swap3A_52] : memref<256x1024xf32, #tpu.memory_space<vmem>>, vector<256x1024xf32>
      tpu.vector_store %arg11[%swap3A, %swap3A_52], %dot_general3A_51 {strides = array<i32>} : memref<256x1024xf32, #tpu.memory_space<vmem>>, vector<256x1024xf32>,
      %get3A_54 = arith.index_cast %get3A_1 : i32 to index
      %get3A_55 = arith.constant 512 : index
      %get3A_56 = arith.constant 0 : index
      %get3A_57 = vector.load %arg12[%get3A_54, %get3A_55, %get3A_56] : memref<2x2048x1024xf32, #tpu.memory_space<vmem>>, vector<1x512x1024xf32>
      %get3A_58 = vector.shape_cast %get3A_57 : vector<1x512x1024xf32> to vector<512x1024xf32>
      %get3A_59 = arith.index_cast %get3A_1 : i32 to index
      %get3A_60 = arith.constant 512 : index
      %get3A_61 = arith.constant 0 : index
      %get3A_62 = vector.load %arg13[%get3A_59, %get3A_60, %get3A_61] : memref<2x2048x1024xf32, #tpu.memory_space<vmem>>, vector<1x512x1024xf32>
      %get3A_63 = vector.shape_cast %get3A_62 : vector<1x512x1024xf32> to vector<512x1024xf32>
      %get3A_64 = arith.index_cast %get3A_1 : i32 to index
      %get3A_65 = arith.constant 0 : index
      %get3A_66 = arith.constant 512 : index
      %get3A_67 = vector.load %arg14[%get3A_64, %get3A_65, %get3A_66] : memref<2x1024x2048xf32, #tpu.memory_space<vmem>>, vector<1x1024x512xf32>
      %get3A_68 = vector.shape_cast %get3A_67 : vector<1x1024x512xf32> to vector<1024x512xf32>
      %dot_general3A_69 = arith.constant dense<0.000000e+00> : vector<256x512xf32>
      %dot_general3A_70 = tpu.matmul %get3A_27, %get3A_58, %dot_general3A_69 {dimension_numbers = #tpu.dot_dimension_numbers<[1], [1], [0], [0], [0, 0, 1, 0], [], []>, transpose_lhs_hint = false} : vector<256x1024xf32>, vector<512x1024xf32>, vector<256x512xf32> -> vector<256x512xf32>
      %dot_general3A_71 = arith.constant dense<0.000000e+00> : vector<256x512xf32>
      %dot_general3A_72 = tpu.matmul %get3A_27, %get3A_63, %dot_general3A_71 {dimension_numbers = #tpu.dot_dimension_numbers<[1], [1], [0], [0], [0, 0, 1, 0], [], []>, transpose_lhs_hint = false} : vector<256x1024xf32>, vector<512x1024xf32>, vector<256x512xf32> -> vector<256x512xf32>
      %mul3A_73 = arith.mulf %dot_general3A_70, %dot_general3A_72 : vector<256x512xf32>
      %neg3A_74 = arith.constant 0.000000e+00 : f32
      %neg3A_75 = vector.broadcast %neg3A_74 : f32 to vector<256x512xf32>
      %neg3A_76 = arith.subf %neg3A_75, %dot_general3A_70 : vector<256x512xf32>
      %exp3A_77 = math.exp %neg3A_76 : vector<256x512xf32>
      %add3A_78 = arith.constant 1.000000e+00 : f32
      %add3A_79 = vector.broadcast %add3A_78 : f32 to vector<256x512xf32>
      %add3A_80 = arith.addf %add3A_79, %exp3A_77 : vector<256x512xf32>
      %div3A_81 = arith.divf %mul3A_73, %add3A_80 : vector<256x512xf32>
      %dot_general3A_82 = arith.constant dense<0.000000e+00> : vector<256x1024xf32>
      %dot_general3A_83 = tpu.matmul %div3A_81, %get3A_68, %dot_general3A_82 {dimension_numbers = #tpu.dot_dimension_numbers<[1], [1], [0], [0], [0, 0, 1, 0], [], []>, transpose_lhs_hint = false} : vector<256x512xf32>, vector<1024x512xf32>, vector<256x1024xf32> -> vector<256x1024xf32>
      %get3A_84 = arith.constant 0 : index
      %get3A_85 = arith.constant 0 : index
      %get3A_86 = vector.load %arg11[%get3A_84, %get3A_85] : memref<256x1024xf32, #tpu.memory_space<vmem>>, vector<256x1024xf32>
      %add3A_87 = arith.addf %get3A_86, %dot_general3A_83 : vector<256x1024xf32>
      %swap3A_88 = arith.constant 0 : index
      %swap3A_89 = arith.constant 0 : index
      %swap3A_90 = vector.load %arg11[%swap3A_88, %swap3A_89] : memref<256x1024xf32, #tpu.memory_space<vmem>>, vector<256x1024xf32>
      tpu.vector_store %arg11[%swap3A_88, %swap3A_89], %add3A_87 {strides = array<i32>} : memref<256x1024xf32, #tpu.memory_space<vmem>>, vector<256x1024xf32>,
      %get3A_91 = arith.index_cast %get3A_1 : i32 to index
      %get3A_92 = arith.constant 1024 : index
      %get3A_93 = arith.constant 0 : index
      %get3A_94 = vector.load %arg12[%get3A_91, %get3A_92, %get3A_93] : memref<2x2048x1024xf32, #tpu.memory_space<vmem>>, vector<1x512x1024xf32>
      %get3A_95 = vector.shape_cast %get3A_94 : vector<1x512x1024xf32> to vector<512x1024xf32>
      %get3A_96 = arith.index_cast %get3A_1 : i32 to index
      %get3A_97 = arith.constant 1024 : index
      %get3A_98 = arith.constant 0 : index
      %get3A_99 = vector.load %arg13[%get3A_96, %get3A_97, %get3A_98] : memref<2x2048x1024xf32, #tpu.memory_space<vmem>>, vector<1x512x1024xf32>
      %get3A_100 = vector.shape_cast %get3A_99 : vector<1x512x1024xf32> to vector<512x1024xf32>
      %get3A_101 = arith.index_cast %get3A_1 : i32 to index
      %get3A_102 = arith.constant 0 : index
      %get3A_103 = arith.constant 1024 : index
      %get3A_104 = vector.load %arg14[%get3A_101, %get3A_102, %get3A_103] : memref<2x1024x2048xf32, #tpu.memory_space<vmem>>, vector<1x1024x512xf32>
      %get3A_105 = vector.shape_cast %get3A_104 : vector<1x1024x512xf32> to vector<1024x512xf32>
      %dot_general3A_106 = arith.constant dense<0.000000e+00> : vector<256x512xf32>
      %dot_general3A_107 = tpu.matmul %get3A_27, %get3A_95, %dot_general3A_106 {dimension_numbers = #tpu.dot_dimension_numbers<[1], [1], [0], [0], [0, 0, 1, 0], [], []>, transpose_lhs_hint = false} : vector<256x1024xf32>, vector<512x1024xf32>, vector<256x512xf32> -> vector<256x512xf32>
      %dot_general3A_108 = arith.constant dense<0.000000e+00> : vector<256x512xf32>
      %dot_general3A_109 = tpu.matmul %get3A_27, %get3A_100, %dot_general3A_108 {dimension_numbers = #tpu.dot_dimension_numbers<[1], [1], [0], [0], [0, 0, 1, 0], [], []>, transpose_lhs_hint = false} : vector<256x1024xf32>, vector<512x1024xf32>, vector<256x512xf32> -> vector<256x512xf32>
      %mul3A_110 = arith.mulf %dot_general3A_107, %dot_general3A_109 : vector<256x512xf32>
      %neg3A_111 = arith.constant 0.000000e+00 : f32
      %neg3A_112 = vector.broadcast %neg3A_111 : f32 to vector<256x512xf32>
      %neg3A_113 = arith.subf %neg3A_112, %dot_general3A_107 : vector<256x512xf32>
      %exp3A_114 = math.exp %neg3A_113 : vector<256x512xf32>
      %add3A_115 = arith.constant 1.000000e+00 : f32
      %add3A_116 = vector.broadcast %add3A_115 : f32 to vector<256x512xf32>
      %add3A_117 = arith.addf %add3A_116, %exp3A_114 : vector<256x512xf32>
      %div3A_118 = arith.divf %mul3A_110, %add3A_117 : vector<256x512xf32>
      %dot_general3A_119 = arith.constant dense<0.000000e+00> : vector<256x1024xf32>
      %dot_general3A_120 = tpu.matmul %div3A_118, %get3A_105, %dot_general3A_119 {dimension_numbers = #tpu.dot_dimension_numbers<[1], [1], [0], [0], [0, 0, 1, 0], [], []>, transpose_lhs_hint = false} : vector<256x512xf32>, vector<1024x512xf32>, vector<256x1024xf32> -> vector<256x1024xf32>
      %get3A_121 = arith.constant 0 : index
      %get3A_122 = arith.constant 0 : index
      %get3A_123 = vector.load %arg11[%get3A_121, %get3A_122] : memref<256x1024xf32, #tpu.memory_space<vmem>>, vector<256x1024xf32>
      %add3A_124 = arith.addf %get3A_123, %dot_general3A_120 : vector<256x1024xf32>
      %swap3A_125 = arith.constant 0 : index
      %swap3A_126 = arith.constant 0 : index
      %swap3A_127 = vector.load %arg11[%swap3A_125, %swap3A_126] : memref<256x1024xf32, #tpu.memory_space<vmem>>, vector<256x1024xf32>
      tpu.vector_store %arg11[%swap3A_125, %swap3A_126], %add3A_124 {strides = array<i32>} : memref<256x1024xf32, #tpu.memory_space<vmem>>, vector<256x1024xf32>,
      %get3A_128 = arith.index_cast %get3A_1 : i32 to index
      %get3A_129 = arith.constant 1536 : index
      %get3A_130 = arith.constant 0 : index
      %get3A_131 = vector.load %arg12[%get3A_128, %get3A_129, %get3A_130] : memref<2x2048x1024xf32, #tpu.memory_space<vmem>>, vector<1x512x1024xf32>
      %get3A_132 = vector.shape_cast %get3A_131 : vector<1x512x1024xf32> to vector<512x1024xf32>
      %get3A_133 = arith.index_cast %get3A_1 : i32 to index
      %get3A_134 = arith.constant 1536 : index
      %get3A_135 = arith.constant 0 : index
      %get3A_136 = vector.load %arg13[%get3A_133, %get3A_134, %get3A_135] : memref<2x2048x1024xf32, #tpu.memory_space<vmem>>, vector<1x512x1024xf32>
      %get3A_137 = vector.shape_cast %get3A_136 : vector<1x512x1024xf32> to vector<512x1024xf32>
      %get3A_138 = arith.index_cast %get3A_1 : i32 to index
      %get3A_139 = arith.constant 0 : index
      %get3A_140 = arith.constant 1536 : index
      %get3A_141 = vector.load %arg14[%get3A_138, %get3A_139, %get3A_140] : memref<2x1024x2048xf32, #tpu.memory_space<vmem>>, vector<1x1024x512xf32>
      %get3A_142 = vector.shape_cast %get3A_141 : vector<1x1024x512xf32> to vector<1024x512xf32>
      %dot_general3A_143 = arith.constant dense<0.000000e+00> : vector<256x512xf32>
      %dot_general3A_144 = tpu.matmul %get3A_27, %get3A_132, %dot_general3A_143 {dimension_numbers = #tpu.dot_dimension_numbers<[1], [1], [0], [0], [0, 0, 1, 0], [], []>, transpose_lhs_hint = false} : vector<256x1024xf32>, vector<512x1024xf32>, vector<256x512xf32> -> vector<256x512xf32>
      %dot_general3A_145 = arith.constant dense<0.000000e+00> : vector<256x512xf32>
      %dot_general3A_146 = tpu.matmul %get3A_27, %get3A_137, %dot_general3A_145 {dimension_numbers = #tpu.dot_dimension_numbers<[1], [1], [0], [0], [0, 0, 1, 0], [], []>, transpose_lhs_hint = false} : vector<256x1024xf32>, vector<512x1024xf32>, vector<256x512xf32> -> vector<256x512xf32>
      %mul3A_147 = arith.mulf %dot_general3A_144, %dot_general3A_146 : vector<256x512xf32>
      %neg3A_148 = arith.constant 0.000000e+00 : f32
      %neg3A_149 = vector.broadcast %neg3A_148 : f32 to vector<256x512xf32>
      %neg3A_150 = arith.subf %neg3A_149, %dot_general3A_144 : vector<256x512xf32>
      %exp3A_151 = math.exp %neg3A_150 : vector<256x512xf32>
      %add3A_152 = arith.constant 1.000000e+00 : f32
      %add3A_153 = vector.broadcast %add3A_152 : f32 to vector<256x512xf32>
      %add3A_154 = arith.addf %add3A_153, %exp3A_151 : vector<256x512xf32>
      %div3A_155 = arith.divf %mul3A_147, %add3A_154 : vector<256x512xf32>
      %dot_general3A_156 = arith.constant dense<0.000000e+00> : vector<256x1024xf32>
      %dot_general3A_157 = tpu.matmul %div3A_155, %get3A_142, %dot_general3A_156 {dimension_numbers = #tpu.dot_dimension_numbers<[1], [1], [0], [0], [0, 0, 1, 0], [], []>, transpose_lhs_hint = false} : vector<256x512xf32>, vector<1024x512xf32>, vector<256x1024xf32> -> vector<256x1024xf32>
      %get3A_158 = arith.constant 0 : index
      %get3A_159 = arith.constant 0 : index
      %get3A_160 = vector.load %arg11[%get3A_158, %get3A_159] : memref<256x1024xf32, #tpu.memory_space<vmem>>, vector<256x1024xf32>
      %add3A_161 = arith.addf %get3A_160, %dot_general3A_157 : vector<256x1024xf32>
      %swap3A_162 = arith.constant 0 : index
      %swap3A_163 = arith.constant 0 : index
      %swap3A_164 = vector.load %arg11[%swap3A_162, %swap3A_163] : memref<256x1024xf32, #tpu.memory_space<vmem>>, vector<256x1024xf32>
      tpu.vector_store %arg11[%swap3A_162, %swap3A_163], %add3A_161 {strides = array<i32>} : memref<256x1024xf32, #tpu.memory_space<vmem>>, vector<256x1024xf32>,
    } else {
    }
    return
  }
  func.func @transform_0(%arg0: i32, %arg1: memref<1x128xi32, #tpu.memory_space<smem>>, %arg2: memref<1x128xi32, #tpu.memory_space<smem>>, %arg3: memref<1x128xi32, #tpu.memory_space<smem>>, %arg4: memref<1x128xi32, #tpu.memory_space<smem>>, %arg5: memref<1x128xi32, #tpu.memory_space<smem>>, %arg6: memref<1x128xi32, #tpu.memory_space<smem>>) -> (i32, i32) {
    %c0_i32 = arith.constant 0 : i32
    %c0_i32_0 = arith.constant 0 : i32
    return %arg0, %c0_i32 : i32, i32
  }
  func.func @transform_4(%arg0: i32, %arg1: memref<1x128xi32, #tpu.memory_space<smem>>, %arg2: memref<1x128xi32, #tpu.memory_space<smem>>, %arg3: memref<1x128xi32, #tpu.memory_space<smem>>, %arg4: memref<1x128xi32, #tpu.memory_space<smem>>, %arg5: memref<1x128xi32, #tpu.memory_space<smem>>, %arg6: memref<1x128xi32, #tpu.memory_space<smem>>) -> (i32, i32) {
    %c0_i32 = arith.constant 0 : i32
    %c0_i32_0 = arith.constant 0 : i32
    return %arg0, %c0_i32 : i32, i32
  }
}

module attributes {stable_mosaic.version = 14 : i64} {
  func.func @_router_body(%arg0: memref<2048x1024xf32, #tpu.memory_space<vmem>>, %arg1: memref<8x1024xf32, #tpu.memory_space<vmem>>, %arg2: memref<2048x1xi32, #tpu.memory_space<vmem>>, %arg3: memref<2048x1xi32, #tpu.memory_space<vmem>>, %arg4: memref<2048x128xf32, #tpu.memory_space<vmem>>, %arg5: memref<2048x128xf32, #tpu.memory_space<vmem>>, %arg6: memref<1x128xi32, #tpu.memory_space<vmem>>, %arg7: memref<1x128xi32, #tpu.memory_space<vmem>>, %arg8: memref<1x128xi32, #tpu.memory_space<vmem>>, %arg9: memref<1x128xi32, #tpu.memory_space<vmem>>, %arg10: memref<1x128xi32, #tpu.memory_space<vmem>>, %arg11: memref<1x128xi32, #tpu.memory_space<vmem>>, %arg12: memref<4096x8xf32, #tpu.memory_space<vmem>>, %arg13: memref<4096x8xf32, #tpu.memory_space<vmem>>) attributes {dimension_semantics = [], scalar_prefetch = 0 : i64, scratch_operands = 2 : i64, tpu.core_type = #tpu.core_type<tc>} {
    %get3A = arith.constant 0 : index
    %get3A_0 = arith.constant 0 : index
    %get3A_1 = vector.load %arg0[%get3A, %get3A_0] : memref<2048x1024xf32, #tpu.memory_space<vmem>>, vector<2048x1024xf32>
    %get3A_2 = arith.constant 0 : index
    %get3A_3 = arith.constant 0 : index
    %get3A_4 = vector.load %arg1[%get3A_2, %get3A_3] : memref<8x1024xf32, #tpu.memory_space<vmem>>, vector<8x1024xf32>
    %dot_general3A = arith.constant dense<0.000000e+00> : vector<2048x8xf32>
    %dot_general3A_5 = tpu.matmul %get3A_1, %get3A_4, %dot_general3A {dimension_numbers = #tpu.dot_dimension_numbers<[1], [1], [0], [0], [0, 0, 1, 0], [], []>, transpose_lhs_hint = false} : vector<2048x1024xf32>, vector<8x1024xf32>, vector<2048x8xf32> -> vector<2048x8xf32>
    %reduce_max3A = arith.constant dense<0xFF800000> : vector<2048xf32>
    %reduce_max3A_6 = vector.multi_reduction <maximumf>, %dot_general3A_5, %reduce_max3A [1] : vector<2048x8xf32> to vector<2048xf32>
    %broadcast_in_dim3A = vector.shape_cast %reduce_max3A_6 : vector<2048xf32> to vector<2048x1xf32>
    %sub3A = vector.broadcast %broadcast_in_dim3A : vector<2048x1xf32> to vector<2048x8xf32>
    %sub3A_7 = arith.subf %dot_general3A_5, %sub3A : vector<2048x8xf32>
    %exp3A = math.exp %sub3A_7 : vector<2048x8xf32>
    %reduce_sum3A = arith.constant dense<0.000000e+00> : vector<2048xf32>
    %reduce_sum3A_8 = vector.multi_reduction <add>, %exp3A, %reduce_sum3A [1] : vector<2048x8xf32> to vector<2048xf32>
    %broadcast_in_dim3A_9 = vector.shape_cast %reduce_sum3A_8 : vector<2048xf32> to vector<2048x1xf32>
    %div3A = vector.broadcast %broadcast_in_dim3A_9 : vector<2048x1xf32> to vector<2048x8xf32>
    %div3A_10 = arith.divf %exp3A, %div3A : vector<2048x8xf32>
    %iota3A = tpu.iota {dimensions = array<i32: 1>} : vector<2048x8xi32>
    %reduce_max3A_11 = arith.constant dense<0xFF800000> : vector<2048xf32>
    %reduce_max3A_12 = vector.multi_reduction <maximumf>, %div3A_10, %reduce_max3A_11 [1] : vector<2048x8xf32> to vector<2048xf32>
    %broadcast_in_dim3A_13 = vector.shape_cast %reduce_max3A_12 : vector<2048xf32> to vector<2048x1xf32>
    %eq3A = vector.broadcast %broadcast_in_dim3A_13 : vector<2048x1xf32> to vector<2048x8xf32>
    %eq3A_14 = arith.cmpf oeq, %div3A_10, %eq3A : vector<2048x8xf32>
    %jit3A = arith.constant 8 : i32
    %broadcast_in_dim3A_15 = vector.broadcast %jit3A : i32 to vector<2048x8xi32>
    %select_n3A = arith.select %eq3A_14, %iota3A, %broadcast_in_dim3A_15 : vector<2048x8xi1>, vector<2048x8xi32>
    %reduce_min3A = arith.constant dense<2147483647> : vector<2048xi32>
    %reduce_min3A_16 = vector.multi_reduction <minsi>, %select_n3A, %reduce_min3A [1] : vector<2048x8xi32> to vector<2048xi32>
    %broadcast_in_dim3A_17 = vector.shape_cast %reduce_min3A_16 : vector<2048xi32> to vector<2048x1xi32>
    %eq3A_18 = vector.broadcast %broadcast_in_dim3A_17 : vector<2048x1xi32> to vector<2048x8xi32>
    %eq3A_19 = arith.cmpi eq, %iota3A, %eq3A_18 : vector<2048x8xi32>
    %jit3A_20 = arith.constant -1.000000e+00 : f32
    %broadcast_in_dim3A_21 = vector.broadcast %jit3A_20 : f32 to vector<2048x8xf32>
    %select_n3A_22 = arith.select %eq3A_19, %broadcast_in_dim3A_21, %div3A_10 : vector<2048x8xi1>, vector<2048x8xf32>
    %reduce_max3A_23 = arith.constant dense<0xFF800000> : vector<2048xf32>
    %reduce_max3A_24 = vector.multi_reduction <maximumf>, %select_n3A_22, %reduce_max3A_23 [1] : vector<2048x8xf32> to vector<2048xf32>
    %broadcast_in_dim3A_25 = vector.shape_cast %reduce_max3A_24 : vector<2048xf32> to vector<2048x1xf32>
    %eq3A_26 = vector.broadcast %broadcast_in_dim3A_25 : vector<2048x1xf32> to vector<2048x8xf32>
    %eq3A_27 = arith.cmpf oeq, %select_n3A_22, %eq3A_26 : vector<2048x8xf32>
    %jit3A_28 = arith.constant 8 : i32
    %broadcast_in_dim3A_29 = vector.broadcast %jit3A_28 : i32 to vector<2048x8xi32>
    %select_n3A_30 = arith.select %eq3A_27, %iota3A, %broadcast_in_dim3A_29 : vector<2048x8xi1>, vector<2048x8xi32>
    %reduce_min3A_31 = arith.constant dense<2147483647> : vector<2048xi32>
    %reduce_min3A_32 = vector.multi_reduction <minsi>, %select_n3A_30, %reduce_min3A_31 [1] : vector<2048x8xi32> to vector<2048xi32>
    %broadcast_in_dim3A_33 = vector.shape_cast %reduce_min3A_32 : vector<2048xi32> to vector<2048x1xi32>
    %add3A = arith.addf %broadcast_in_dim3A_13, %broadcast_in_dim3A_25 : vector<2048x1xf32>
    %div3A_34 = arith.divf %broadcast_in_dim3A_13, %add3A : vector<2048x1xf32>
    %broadcast_in_dim3A_35 = vector.shape_cast %div3A_34 : vector<2048x1xf32> to vector<2048x1xf32>
    %broadcast_in_dim3A_36 = vector.broadcast %broadcast_in_dim3A_35 : vector<2048x1xf32> to vector<2048x128xf32>
    %swap3A = arith.constant 0 : index
    %swap3A_37 = arith.constant 0 : index
    %swap3A_38 = vector.load %arg4[%swap3A, %swap3A_37] : memref<2048x128xf32, #tpu.memory_space<vmem>>, vector<2048x128xf32>
    tpu.vector_store %arg4[%swap3A, %swap3A_37], %broadcast_in_dim3A_36 {strides = array<i32>} : memref<2048x128xf32, #tpu.memory_space<vmem>>, vector<2048x128xf32>,
    %div3A_39 = arith.divf %broadcast_in_dim3A_25, %add3A : vector<2048x1xf32>
    %broadcast_in_dim3A_40 = vector.shape_cast %div3A_39 : vector<2048x1xf32> to vector<2048x1xf32>
    %broadcast_in_dim3A_41 = vector.broadcast %broadcast_in_dim3A_40 : vector<2048x1xf32> to vector<2048x128xf32>
    %swap3A_42 = arith.constant 0 : index
    %swap3A_43 = arith.constant 0 : index
    %swap3A_44 = vector.load %arg5[%swap3A_42, %swap3A_43] : memref<2048x128xf32, #tpu.memory_space<vmem>>, vector<2048x128xf32>
    tpu.vector_store %arg5[%swap3A_42, %swap3A_43], %broadcast_in_dim3A_41 {strides = array<i32>} : memref<2048x128xf32, #tpu.memory_space<vmem>>, vector<2048x128xf32>,
    %concatenate3A = tpu.concatenate %broadcast_in_dim3A_17, %broadcast_in_dim3A_33 in 0 : vector<2048x1xi32>, vector<2048x1xi32> -> vector<4096x1xi32>
    %broadcast_in_dim3A_45 = vector.shape_cast %concatenate3A : vector<4096x1xi32> to vector<4096x1xi32>
    %broadcast_in_dim3A_46 = vector.broadcast %broadcast_in_dim3A_45 : vector<4096x1xi32> to vector<4096x8xi32>
    %iota3A_47 = tpu.iota {dimensions = array<i32: 1>} : vector<4096x8xi32>
    %eq3A_48 = arith.cmpi eq, %broadcast_in_dim3A_46, %iota3A_47 : vector<4096x8xi32>
    %convert_element_type3A = arith.extui %eq3A_48 : vector<4096x8xi1> to vector<4096x8xi32>
    %convert_element_type3A_49 = arith.sitofp %convert_element_type3A : vector<4096x8xi32> to vector<4096x8xf32>
    %swap3A_50 = arith.constant 0 : index
    %swap3A_51 = arith.constant 0 : index
    %swap3A_52 = vector.load %arg12[%swap3A_50, %swap3A_51] : memref<4096x8xf32, #tpu.memory_space<vmem>>, vector<4096x8xf32>
    tpu.vector_store %arg12[%swap3A_50, %swap3A_51], %convert_element_type3A_49 {strides = array<i32>} : memref<4096x8xf32, #tpu.memory_space<vmem>>, vector<4096x8xf32>,
    %iota3A_53 = tpu.iota {dimensions = array<i32: 0>} : vector<128x128xi32>
    %iota3A_54 = tpu.iota {dimensions = array<i32: 1>} : vector<128x128xi32>
    %ge3A = arith.cmpi sge, %iota3A_53, %iota3A_54 : vector<128x128xi32>
    %convert_element_type3A_55 = arith.extui %ge3A : vector<128x128xi1> to vector<128x128xi32>
    %convert_element_type3A_56 = arith.sitofp %convert_element_type3A_55 : vector<128x128xi32> to vector<128x128xf32>
    %broadcast_in_dim3A_57 = arith.constant 0.000000e+00 : f32
    %broadcast_in_dim3A_58 = vector.broadcast %broadcast_in_dim3A_57 : f32 to vector<1x8xf32>
    %scan3A = arith.constant 0 : i32
    %scan3A_59 = arith.constant 32 : i32
    %scan3A_60 = arith.addi %scan3A, %scan3A_59 : i32
    %scan3A_61 = arith.constant 1 : i32
    %scan3A_62 = scf.for %scan3A_568 = %scan3A to %scan3A_60 step %scan3A_61 iter_args(%scan3A_569 = %broadcast_in_dim3A_58) -> (vector<1x8xf32>)  : i32 {
      %mul3A_570 = arith.constant 128 : i32
      %mul3A_571 = arith.muli %scan3A_568, %mul3A_570 : i32
      %multiple_of3A = tpu.assume_multiple %mul3A_571, 128 : i32
      %get3A_572 = arith.index_cast %multiple_of3A : i32 to index
      %get3A_573 = arith.constant 0 : index
      %get3A_574 = vector.load %arg12[%get3A_572, %get3A_573] : memref<4096x8xf32, #tpu.memory_space<vmem>>, vector<128x8xf32>
      %dot_general3A_575 = arith.constant dense<0.000000e+00> : vector<128x8xf32>
      %dot_general3A_576 = tpu.matmul %convert_element_type3A_56, %get3A_574, %dot_general3A_575 {dimension_numbers = #tpu.dot_dimension_numbers<[1], [0], [0], [1], [0, 0, 1, 1], [], []>, transpose_lhs_hint = false} : vector<128x128xf32>, vector<128x8xf32>, vector<128x8xf32> -> vector<128x8xf32>
      %broadcast_in_dim3A_577 = vector.shape_cast %scan3A_569 : vector<1x8xf32> to vector<1x8xf32>
      %broadcast_in_dim3A_578 = vector.broadcast %broadcast_in_dim3A_577 : vector<1x8xf32> to vector<128x8xf32>
      %add3A_579 = arith.addf %dot_general3A_576, %broadcast_in_dim3A_578 : vector<128x8xf32>
      %mul3A_580 = arith.mulf %get3A_574, %add3A_579 : vector<128x8xf32>
      %swap3A_581 = arith.index_cast %multiple_of3A : i32 to index
      %swap3A_582 = arith.constant 0 : index
      %swap3A_583 = vector.load %arg13[%swap3A_581, %swap3A_582] : memref<4096x8xf32, #tpu.memory_space<vmem>>, vector<128x8xf32>
      tpu.vector_store %arg13[%swap3A_581, %swap3A_582], %mul3A_580 {strides = array<i32>} : memref<4096x8xf32, #tpu.memory_space<vmem>>, vector<128x8xf32>,
      %reduce_sum3A_584 = arith.constant dense<0.000000e+00> : vector<8xf32>
      %reduce_sum3A_585 = vector.multi_reduction <add>, %get3A_574, %reduce_sum3A_584 [0] : vector<128x8xf32> to vector<8xf32>
      %broadcast_in_dim3A_586 = vector.shape_cast %reduce_sum3A_585 : vector<8xf32> to vector<1x8xf32>
      %add3A_587 = arith.addf %scan3A_569, %broadcast_in_dim3A_586 : vector<1x8xf32>
      scf.yield %add3A_587 : vector<1x8xf32>
    }
    %scan3A_63 = arith.constant 32 : i32
    %get3A_64 = arith.constant 0 : index
    %get3A_65 = arith.constant 0 : index
    %get3A_66 = vector.load %arg12[%get3A_64, %get3A_65] : memref<4096x8xf32, #tpu.memory_space<vmem>>, vector<4096x8xf32>
    %broadcast_in_dim3A_67 = arith.constant 1.000000e+00 : f32
    %broadcast_in_dim3A_68 = vector.broadcast %broadcast_in_dim3A_67 : f32 to vector<4096x1xf32>
    %dot_general3A_69 = arith.constant dense<0.000000e+00> : vector<8x1xf32>
    %dot_general3A_70 = tpu.matmul %get3A_66, %broadcast_in_dim3A_68, %dot_general3A_69 {dimension_numbers = #tpu.dot_dimension_numbers<[0], [0], [1], [1], [0, 1, 1, 1], [], []>, transpose_lhs_hint = false} : vector<4096x8xf32>, vector<4096x1xf32>, vector<8x1xf32> -> vector<8x1xf32>
    %convert_element_type3A_71 = arith.fptosi %dot_general3A_70 : vector<8x1xf32> to vector<8x1xi32>
    %add3A_72 = arith.constant 255 : i32
    %add3A_73 = vector.broadcast %add3A_72 : i32 to vector<8x1xi32>
    %add3A_74 = arith.addi %convert_element_type3A_71, %add3A_73 : vector<8x1xi32>
    %jit3A_75 = arith.constant 256 : i32
    %div3A_76 = vector.broadcast %jit3A_75 : i32 to vector<8x1xi32>
    %div3A_77 = arith.divsi %add3A_74, %div3A_76 : vector<8x1xi32>
    %sign3A = arith.constant 0 : i32
    %sign3A_78 = vector.broadcast %sign3A : i32 to vector<8x1xi32>
    %sign3A_79 = arith.cmpi sgt, %add3A_74, %sign3A_78 : vector<8x1xi32>
    %sign3A_80 = arith.extui %sign3A_79 : vector<8x1xi1> to vector<8x1xi32>
    %sign3A_81 = arith.constant 0 : i32
    %sign3A_82 = vector.broadcast %sign3A_81 : i32 to vector<8x1xi32>
    %sign3A_83 = arith.cmpi slt, %add3A_74, %sign3A_82 : vector<8x1xi32>
    %sign3A_84 = arith.extui %sign3A_83 : vector<8x1xi1> to vector<8x1xi32>
    %sign3A_85 = arith.subi %sign3A_80, %sign3A_84 : vector<8x1xi32>
    %sign3A_86 = arith.constant 0 : i32
    %sign3A_87 = arith.cmpi sgt, %jit3A_75, %sign3A_86 : i32
    %sign3A_88 = arith.extui %sign3A_87 : i1 to i32
    %sign3A_89 = arith.constant 0 : i32
    %sign3A_90 = arith.cmpi slt, %jit3A_75, %sign3A_89 : i32
    %sign3A_91 = arith.extui %sign3A_90 : i1 to i32
    %sign3A_92 = arith.subi %sign3A_88, %sign3A_91 : i32
    %ne3A = vector.broadcast %sign3A_92 : i32 to vector<8x1xi32>
    %ne3A_93 = arith.cmpi ne, %sign3A_85, %ne3A : vector<8x1xi32>
    %rem3A = vector.broadcast %jit3A_75 : i32 to vector<8x1xi32>
    %rem3A_94 = arith.remsi %add3A_74, %rem3A : vector<8x1xi32>
    %ne3A_95 = arith.constant 0 : i32
    %ne3A_96 = vector.broadcast %ne3A_95 : i32 to vector<8x1xi32>
    %ne3A_97 = arith.cmpi ne, %rem3A_94, %ne3A_96 : vector<8x1xi32>
    %and3A = arith.andi %ne3A_93, %ne3A_97 : vector<8x1xi1>
    %sub3A_98 = arith.constant 1 : i32
    %sub3A_99 = vector.broadcast %sub3A_98 : i32 to vector<8x1xi32>
    %sub3A_100 = arith.subi %div3A_77, %sub3A_99 : vector<8x1xi32>
    %select_n3A_101 = arith.select %and3A, %sub3A_100, %div3A_77 : vector<8x1xi1>, vector<8x1xi32>
    %mul3A = arith.constant 256 : i32
    %mul3A_102 = vector.broadcast %mul3A : i32 to vector<8x1xi32>
    %mul3A_103 = arith.muli %select_n3A_101, %mul3A_102 : vector<8x1xi32>
    %iota3A_104 = tpu.iota {dimensions = array<i32: 0>} : vector<8x8xi32>
    %iota3A_105 = tpu.iota {dimensions = array<i32: 1>} : vector<8x8xi32>
    %gt3A = arith.cmpi sgt, %iota3A_104, %iota3A_105 : vector<8x8xi32>
    %convert_element_type3A_106 = arith.extui %gt3A : vector<8x8xi1> to vector<8x8xi32>
    %convert_element_type3A_107 = arith.sitofp %convert_element_type3A_106 : vector<8x8xi32> to vector<8x8xf32>
    %convert_element_type3A_108 = arith.sitofp %mul3A_103 : vector<8x1xi32> to vector<8x1xf32>
    %dot_general3A_109 = arith.constant dense<0.000000e+00> : vector<8x1xf32>
    %dot_general3A_110 = tpu.matmul %convert_element_type3A_107, %convert_element_type3A_108, %dot_general3A_109 {dimension_numbers = #tpu.dot_dimension_numbers<[1], [0], [0], [1], [0, 0, 1, 1], [], []>, transpose_lhs_hint = false} : vector<8x8xf32>, vector<8x1xf32>, vector<8x1xf32> -> vector<8x1xf32>
    %get3A_111 = arith.constant 0 : index
    %get3A_112 = arith.constant 0 : index
    %get3A_113 = vector.load %arg13[%get3A_111, %get3A_112] : memref<4096x8xf32, #tpu.memory_space<vmem>>, vector<4096x8xf32>
    %reduce_sum3A_114 = arith.constant dense<0.000000e+00> : vector<4096xf32>
    %reduce_sum3A_115 = vector.multi_reduction <add>, %get3A_113, %reduce_sum3A_114 [1] : vector<4096x8xf32> to vector<4096xf32>
    %broadcast_in_dim3A_116 = vector.shape_cast %reduce_sum3A_115 : vector<4096xf32> to vector<4096x1xf32>
    %get3A_117 = arith.constant 0 : index
    %get3A_118 = arith.constant 0 : index
    %get3A_119 = vector.load %arg12[%get3A_117, %get3A_118] : memref<4096x8xf32, #tpu.memory_space<vmem>>, vector<4096x8xf32>
    %dot_general3A_120 = arith.constant dense<0.000000e+00> : vector<4096x1xf32>
    %dot_general3A_121 = tpu.matmul %get3A_119, %dot_general3A_110, %dot_general3A_120 {dimension_numbers = #tpu.dot_dimension_numbers<[1], [0], [0], [1], [0, 0, 1, 1], [], []>, transpose_lhs_hint = false} : vector<4096x8xf32>, vector<8x1xf32>, vector<4096x1xf32> -> vector<4096x1xf32>
    %sub3A_122 = arith.constant 1.000000e+00 : f32
    %sub3A_123 = vector.broadcast %sub3A_122 : f32 to vector<4096x1xf32>
    %sub3A_124 = arith.subf %broadcast_in_dim3A_116, %sub3A_123 : vector<4096x1xf32>
    %add3A_125 = arith.addf %sub3A_124, %dot_general3A_121 : vector<4096x1xf32>
    %convert_element_type3A_126 = arith.fptosi %add3A_125 : vector<4096x1xf32> to vector<4096x1xi32>
    %slice3A = vector.extract_strided_slice %convert_element_type3A_126 {offsets = [0, 0], sizes = [2048, 1], strides = [1, 1]} : vector<4096x1xi32> to vector<2048x1xi32>
    %swap3A_127 = arith.constant 0 : index
    %swap3A_128 = arith.constant 0 : index
    %swap3A_129 = vector.load %arg2[%swap3A_127, %swap3A_128] : memref<2048x1xi32, #tpu.memory_space<vmem>>, vector<2048x1xi32>
    tpu.vector_store %arg2[%swap3A_127, %swap3A_128], %slice3A {strides = array<i32>} : memref<2048x1xi32, #tpu.memory_space<vmem>>, vector<2048x1xi32>,
    %slice3A_130 = vector.extract_strided_slice %convert_element_type3A_126 {offsets = [2048, 0], sizes = [2048, 1], strides = [1, 1]} : vector<4096x1xi32> to vector<2048x1xi32>
    %swap3A_131 = arith.constant 0 : index
    %swap3A_132 = arith.constant 0 : index
    %swap3A_133 = vector.load %arg3[%swap3A_131, %swap3A_132] : memref<2048x1xi32, #tpu.memory_space<vmem>>, vector<2048x1xi32>
    tpu.vector_store %arg3[%swap3A_131, %swap3A_132], %slice3A_130 {strides = array<i32>} : memref<2048x1xi32, #tpu.memory_space<vmem>>, vector<2048x1xi32>,
    %convert_element_type3A_134 = arith.sitofp %mul3A_103 : vector<8x1xi32> to vector<8x1xf32>
    %add3A_135 = arith.addf %dot_general3A_110, %convert_element_type3A_134 : vector<8x1xf32>
    %iota3A_136 = tpu.iota {dimensions = array<i32: 1>} : vector<1x128xi32>
    %mul3A_137 = arith.constant 256 : i32
    %mul3A_138 = vector.broadcast %mul3A_137 : i32 to vector<1x128xi32>
    %mul3A_139 = arith.muli %iota3A_136, %mul3A_138 : vector<1x128xi32>
    %convert_element_type3A_140 = arith.sitofp %mul3A_139 : vector<1x128xi32> to vector<1x128xf32>
    %broadcast_in_dim3A_141 = arith.constant 0.000000e+00 : f32
    %broadcast_in_dim3A_142 = vector.broadcast %broadcast_in_dim3A_141 : f32 to vector<1x128xf32>
    %slice3A_143 = vector.extract_strided_slice %add3A_135 {offsets = [0, 0], sizes = [1, 1], strides = [1, 1]} : vector<8x1xf32> to vector<1x1xf32>
    %broadcast_in_dim3A_144 = vector.shape_cast %slice3A_143 : vector<1x1xf32> to vector<1x1xf32>
    %broadcast_in_dim3A_145 = vector.broadcast %broadcast_in_dim3A_144 : vector<1x1xf32> to vector<1x128xf32>
    %ge3A_146 = arith.cmpf oge, %convert_element_type3A_140, %broadcast_in_dim3A_145 : vector<1x128xf32>
    %convert_element_type3A_147 = arith.extui %ge3A_146 : vector<1x128xi1> to vector<1x128xi32>
    %convert_element_type3A_148 = arith.sitofp %convert_element_type3A_147 : vector<1x128xi32> to vector<1x128xf32>
    %add3A_149 = arith.addf %broadcast_in_dim3A_142, %convert_element_type3A_148 : vector<1x128xf32>
    %slice3A_150 = vector.extract_strided_slice %add3A_135 {offsets = [1, 0], sizes = [1, 1], strides = [1, 1]} : vector<8x1xf32> to vector<1x1xf32>
    %broadcast_in_dim3A_151 = vector.shape_cast %slice3A_150 : vector<1x1xf32> to vector<1x1xf32>
    %broadcast_in_dim3A_152 = vector.broadcast %broadcast_in_dim3A_151 : vector<1x1xf32> to vector<1x128xf32>
    %ge3A_153 = arith.cmpf oge, %convert_element_type3A_140, %broadcast_in_dim3A_152 : vector<1x128xf32>
    %convert_element_type3A_154 = arith.extui %ge3A_153 : vector<1x128xi1> to vector<1x128xi32>
    %convert_element_type3A_155 = arith.sitofp %convert_element_type3A_154 : vector<1x128xi32> to vector<1x128xf32>
    %add3A_156 = arith.addf %add3A_149, %convert_element_type3A_155 : vector<1x128xf32>
    %slice3A_157 = vector.extract_strided_slice %add3A_135 {offsets = [2, 0], sizes = [1, 1], strides = [1, 1]} : vector<8x1xf32> to vector<1x1xf32>
    %broadcast_in_dim3A_158 = vector.shape_cast %slice3A_157 : vector<1x1xf32> to vector<1x1xf32>
    %broadcast_in_dim3A_159 = vector.broadcast %broadcast_in_dim3A_158 : vector<1x1xf32> to vector<1x128xf32>
    %ge3A_160 = arith.cmpf oge, %convert_element_type3A_140, %broadcast_in_dim3A_159 : vector<1x128xf32>
    %convert_element_type3A_161 = arith.extui %ge3A_160 : vector<1x128xi1> to vector<1x128xi32>
    %convert_element_type3A_162 = arith.sitofp %convert_element_type3A_161 : vector<1x128xi32> to vector<1x128xf32>
    %add3A_163 = arith.addf %add3A_156, %convert_element_type3A_162 : vector<1x128xf32>
    %slice3A_164 = vector.extract_strided_slice %add3A_135 {offsets = [3, 0], sizes = [1, 1], strides = [1, 1]} : vector<8x1xf32> to vector<1x1xf32>
    %broadcast_in_dim3A_165 = vector.shape_cast %slice3A_164 : vector<1x1xf32> to vector<1x1xf32>
    %broadcast_in_dim3A_166 = vector.broadcast %broadcast_in_dim3A_165 : vector<1x1xf32> to vector<1x128xf32>
    %ge3A_167 = arith.cmpf oge, %convert_element_type3A_140, %broadcast_in_dim3A_166 : vector<1x128xf32>
    %convert_element_type3A_168 = arith.extui %ge3A_167 : vector<1x128xi1> to vector<1x128xi32>
    %convert_element_type3A_169 = arith.sitofp %convert_element_type3A_168 : vector<1x128xi32> to vector<1x128xf32>
    %add3A_170 = arith.addf %add3A_163, %convert_element_type3A_169 : vector<1x128xf32>
    %slice3A_171 = vector.extract_strided_slice %add3A_135 {offsets = [4, 0], sizes = [1, 1], strides = [1, 1]} : vector<8x1xf32> to vector<1x1xf32>
    %broadcast_in_dim3A_172 = vector.shape_cast %slice3A_171 : vector<1x1xf32> to vector<1x1xf32>
    %broadcast_in_dim3A_173 = vector.broadcast %broadcast_in_dim3A_172 : vector<1x1xf32> to vector<1x128xf32>
    %ge3A_174 = arith.cmpf oge, %convert_element_type3A_140, %broadcast_in_dim3A_173 : vector<1x128xf32>
    %convert_element_type3A_175 = arith.extui %ge3A_174 : vector<1x128xi1> to vector<1x128xi32>
    %convert_element_type3A_176 = arith.sitofp %convert_element_type3A_175 : vector<1x128xi32> to vector<1x128xf32>
    %add3A_177 = arith.addf %add3A_170, %convert_element_type3A_176 : vector<1x128xf32>
    %slice3A_178 = vector.extract_strided_slice %add3A_135 {offsets = [5, 0], sizes = [1, 1], strides = [1, 1]} : vector<8x1xf32> to vector<1x1xf32>
    %broadcast_in_dim3A_179 = vector.shape_cast %slice3A_178 : vector<1x1xf32> to vector<1x1xf32>
    %broadcast_in_dim3A_180 = vector.broadcast %broadcast_in_dim3A_179 : vector<1x1xf32> to vector<1x128xf32>
    %ge3A_181 = arith.cmpf oge, %convert_element_type3A_140, %broadcast_in_dim3A_180 : vector<1x128xf32>
    %convert_element_type3A_182 = arith.extui %ge3A_181 : vector<1x128xi1> to vector<1x128xi32>
    %convert_element_type3A_183 = arith.sitofp %convert_element_type3A_182 : vector<1x128xi32> to vector<1x128xf32>
    %add3A_184 = arith.addf %add3A_177, %convert_element_type3A_183 : vector<1x128xf32>
    %slice3A_185 = vector.extract_strided_slice %add3A_135 {offsets = [6, 0], sizes = [1, 1], strides = [1, 1]} : vector<8x1xf32> to vector<1x1xf32>
    %broadcast_in_dim3A_186 = vector.shape_cast %slice3A_185 : vector<1x1xf32> to vector<1x1xf32>
    %broadcast_in_dim3A_187 = vector.broadcast %broadcast_in_dim3A_186 : vector<1x1xf32> to vector<1x128xf32>
    %ge3A_188 = arith.cmpf oge, %convert_element_type3A_140, %broadcast_in_dim3A_187 : vector<1x128xf32>
    %convert_element_type3A_189 = arith.extui %ge3A_188 : vector<1x128xi1> to vector<1x128xi32>
    %convert_element_type3A_190 = arith.sitofp %convert_element_type3A_189 : vector<1x128xi32> to vector<1x128xf32>
    %add3A_191 = arith.addf %add3A_184, %convert_element_type3A_190 : vector<1x128xf32>
    %slice3A_192 = vector.extract_strided_slice %add3A_135 {offsets = [7, 0], sizes = [1, 1], strides = [1, 1]} : vector<8x1xf32> to vector<1x1xf32>
    %broadcast_in_dim3A_193 = vector.shape_cast %slice3A_192 : vector<1x1xf32> to vector<1x1xf32>
    %broadcast_in_dim3A_194 = vector.broadcast %broadcast_in_dim3A_193 : vector<1x1xf32> to vector<1x128xf32>
    %ge3A_195 = arith.cmpf oge, %convert_element_type3A_140, %broadcast_in_dim3A_194 : vector<1x128xf32>
    %convert_element_type3A_196 = arith.extui %ge3A_195 : vector<1x128xi1> to vector<1x128xi32>
    %convert_element_type3A_197 = arith.sitofp %convert_element_type3A_196 : vector<1x128xi32> to vector<1x128xf32>
    %add3A_198 = arith.addf %add3A_191, %convert_element_type3A_197 : vector<1x128xf32>
    %min3A = arith.constant 7.000000e+00 : f32
    %min3A_199 = vector.broadcast %min3A : f32 to vector<1x128xf32>
    %min3A_200 = arith.minimumf %add3A_198, %min3A_199 : vector<1x128xf32>
    %convert_element_type3A_201 = arith.fptosi %min3A_200 : vector<1x128xf32> to vector<1x128xi32>
    %sub3A_202 = arith.constant 2.560000e+02 : f32
    %sub3A_203 = vector.broadcast %sub3A_202 : f32 to vector<1x128xf32>
    %sub3A_204 = arith.subf %convert_element_type3A_140, %sub3A_203 : vector<1x128xf32>
    %broadcast_in_dim3A_205 = arith.constant 0.000000e+00 : f32
    %broadcast_in_dim3A_206 = vector.broadcast %broadcast_in_dim3A_205 : f32 to vector<1x128xf32>
    %slice3A_207 = vector.extract_strided_slice %add3A_135 {offsets = [0, 0], sizes = [1, 1], strides = [1, 1]} : vector<8x1xf32> to vector<1x1xf32>
    %broadcast_in_dim3A_208 = vector.shape_cast %slice3A_207 : vector<1x1xf32> to vector<1x1xf32>
    %broadcast_in_dim3A_209 = vector.broadcast %broadcast_in_dim3A_208 : vector<1x1xf32> to vector<1x128xf32>
    %ge3A_210 = arith.cmpf oge, %sub3A_204, %broadcast_in_dim3A_209 : vector<1x128xf32>
    %convert_element_type3A_211 = arith.extui %ge3A_210 : vector<1x128xi1> to vector<1x128xi32>
    %convert_element_type3A_212 = arith.sitofp %convert_element_type3A_211 : vector<1x128xi32> to vector<1x128xf32>
    %add3A_213 = arith.addf %broadcast_in_dim3A_206, %convert_element_type3A_212 : vector<1x128xf32>
    %slice3A_214 = vector.extract_strided_slice %add3A_135 {offsets = [1, 0], sizes = [1, 1], strides = [1, 1]} : vector<8x1xf32> to vector<1x1xf32>
    %broadcast_in_dim3A_215 = vector.shape_cast %slice3A_214 : vector<1x1xf32> to vector<1x1xf32>
    %broadcast_in_dim3A_216 = vector.broadcast %broadcast_in_dim3A_215 : vector<1x1xf32> to vector<1x128xf32>
    %ge3A_217 = arith.cmpf oge, %sub3A_204, %broadcast_in_dim3A_216 : vector<1x128xf32>
    %convert_element_type3A_218 = arith.extui %ge3A_217 : vector<1x128xi1> to vector<1x128xi32>
    %convert_element_type3A_219 = arith.sitofp %convert_element_type3A_218 : vector<1x128xi32> to vector<1x128xf32>
    %add3A_220 = arith.addf %add3A_213, %convert_element_type3A_219 : vector<1x128xf32>
    %slice3A_221 = vector.extract_strided_slice %add3A_135 {offsets = [2, 0], sizes = [1, 1], strides = [1, 1]} : vector<8x1xf32> to vector<1x1xf32>
    %broadcast_in_dim3A_222 = vector.shape_cast %slice3A_221 : vector<1x1xf32> to vector<1x1xf32>
    %broadcast_in_dim3A_223 = vector.broadcast %broadcast_in_dim3A_222 : vector<1x1xf32> to vector<1x128xf32>
    %ge3A_224 = arith.cmpf oge, %sub3A_204, %broadcast_in_dim3A_223 : vector<1x128xf32>
    %convert_element_type3A_225 = arith.extui %ge3A_224 : vector<1x128xi1> to vector<1x128xi32>
    %convert_element_type3A_226 = arith.sitofp %convert_element_type3A_225 : vector<1x128xi32> to vector<1x128xf32>
    %add3A_227 = arith.addf %add3A_220, %convert_element_type3A_226 : vector<1x128xf32>
    %slice3A_228 = vector.extract_strided_slice %add3A_135 {offsets = [3, 0], sizes = [1, 1], strides = [1, 1]} : vector<8x1xf32> to vector<1x1xf32>
    %broadcast_in_dim3A_229 = vector.shape_cast %slice3A_228 : vector<1x1xf32> to vector<1x1xf32>
    %broadcast_in_dim3A_230 = vector.broadcast %broadcast_in_dim3A_229 : vector<1x1xf32> to vector<1x128xf32>
    %ge3A_231 = arith.cmpf oge, %sub3A_204, %broadcast_in_dim3A_230 : vector<1x128xf32>
    %convert_element_type3A_232 = arith.extui %ge3A_231 : vector<1x128xi1> to vector<1x128xi32>
    %convert_element_type3A_233 = arith.sitofp %convert_element_type3A_232 : vector<1x128xi32> to vector<1x128xf32>
    %add3A_234 = arith.addf %add3A_227, %convert_element_type3A_233 : vector<1x128xf32>
    %slice3A_235 = vector.extract_strided_slice %add3A_135 {offsets = [4, 0], sizes = [1, 1], strides = [1, 1]} : vector<8x1xf32> to vector<1x1xf32>
    %broadcast_in_dim3A_236 = vector.shape_cast %slice3A_235 : vector<1x1xf32> to vector<1x1xf32>
    %broadcast_in_dim3A_237 = vector.broadcast %broadcast_in_dim3A_236 : vector<1x1xf32> to vector<1x128xf32>
    %ge3A_238 = arith.cmpf oge, %sub3A_204, %broadcast_in_dim3A_237 : vector<1x128xf32>
    %convert_element_type3A_239 = arith.extui %ge3A_238 : vector<1x128xi1> to vector<1x128xi32>
    %convert_element_type3A_240 = arith.sitofp %convert_element_type3A_239 : vector<1x128xi32> to vector<1x128xf32>
    %add3A_241 = arith.addf %add3A_234, %convert_element_type3A_240 : vector<1x128xf32>
    %slice3A_242 = vector.extract_strided_slice %add3A_135 {offsets = [5, 0], sizes = [1, 1], strides = [1, 1]} : vector<8x1xf32> to vector<1x1xf32>
    %broadcast_in_dim3A_243 = vector.shape_cast %slice3A_242 : vector<1x1xf32> to vector<1x1xf32>
    %broadcast_in_dim3A_244 = vector.broadcast %broadcast_in_dim3A_243 : vector<1x1xf32> to vector<1x128xf32>
    %ge3A_245 = arith.cmpf oge, %sub3A_204, %broadcast_in_dim3A_244 : vector<1x128xf32>
    %convert_element_type3A_246 = arith.extui %ge3A_245 : vector<1x128xi1> to vector<1x128xi32>
    %convert_element_type3A_247 = arith.sitofp %convert_element_type3A_246 : vector<1x128xi32> to vector<1x128xf32>
    %add3A_248 = arith.addf %add3A_241, %convert_element_type3A_247 : vector<1x128xf32>
    %slice3A_249 = vector.extract_strided_slice %add3A_135 {offsets = [6, 0], sizes = [1, 1], strides = [1, 1]} : vector<8x1xf32> to vector<1x1xf32>
    %broadcast_in_dim3A_250 = vector.shape_cast %slice3A_249 : vector<1x1xf32> to vector<1x1xf32>
    %broadcast_in_dim3A_251 = vector.broadcast %broadcast_in_dim3A_250 : vector<1x1xf32> to vector<1x128xf32>
    %ge3A_252 = arith.cmpf oge, %sub3A_204, %broadcast_in_dim3A_251 : vector<1x128xf32>
    %convert_element_type3A_253 = arith.extui %ge3A_252 : vector<1x128xi1> to vector<1x128xi32>
    %convert_element_type3A_254 = arith.sitofp %convert_element_type3A_253 : vector<1x128xi32> to vector<1x128xf32>
    %add3A_255 = arith.addf %add3A_248, %convert_element_type3A_254 : vector<1x128xf32>
    %slice3A_256 = vector.extract_strided_slice %add3A_135 {offsets = [7, 0], sizes = [1, 1], strides = [1, 1]} : vector<8x1xf32> to vector<1x1xf32>
    %broadcast_in_dim3A_257 = vector.shape_cast %slice3A_256 : vector<1x1xf32> to vector<1x1xf32>
    %broadcast_in_dim3A_258 = vector.broadcast %broadcast_in_dim3A_257 : vector<1x1xf32> to vector<1x128xf32>
    %ge3A_259 = arith.cmpf oge, %sub3A_204, %broadcast_in_dim3A_258 : vector<1x128xf32>
    %convert_element_type3A_260 = arith.extui %ge3A_259 : vector<1x128xi1> to vector<1x128xi32>
    %convert_element_type3A_261 = arith.sitofp %convert_element_type3A_260 : vector<1x128xi32> to vector<1x128xf32>
    %add3A_262 = arith.addf %add3A_255, %convert_element_type3A_261 : vector<1x128xf32>
    %min3A_263 = arith.constant 7.000000e+00 : f32
    %min3A_264 = vector.broadcast %min3A_263 : f32 to vector<1x128xf32>
    %min3A_265 = arith.minimumf %add3A_262, %min3A_264 : vector<1x128xf32>
    %convert_element_type3A_266 = arith.fptosi %min3A_265 : vector<1x128xf32> to vector<1x128xi32>
    %slice3A_267 = vector.extract_strided_slice %add3A_135 {offsets = [7, 0], sizes = [1, 1], strides = [1, 1]} : vector<8x1xf32> to vector<1x1xf32>
    %broadcast_in_dim3A_268 = vector.shape_cast %slice3A_267 : vector<1x1xf32> to vector<1x1xf32>
    %broadcast_in_dim3A_269 = vector.broadcast %broadcast_in_dim3A_268 : vector<1x1xf32> to vector<1x128xf32>
    %lt3A = arith.cmpf olt, %convert_element_type3A_140, %broadcast_in_dim3A_269 : vector<1x128xf32>
    %convert_element_type3A_270 = arith.extui %lt3A : vector<1x128xi1> to vector<1x128xi32>
    %eq3A_271 = arith.constant 0 : i32
    %eq3A_272 = vector.broadcast %eq3A_271 : i32 to vector<1x128xi32>
    %eq3A_273 = arith.cmpi eq, %iota3A_136, %eq3A_272 : vector<1x128xi32>
    %ne3A_274 = arith.cmpi ne, %convert_element_type3A_201, %convert_element_type3A_266 : vector<1x128xi32>
    %or3A = arith.ori %eq3A_273, %ne3A_274 : vector<1x128xi1>
    %jit3A_275 = arith.constant 1 : i32
    %jit3A_276 = arith.constant 0 : i32
    %broadcast_in_dim3A_277 = vector.broadcast %jit3A_275 : i32 to vector<1x128xi32>
    %broadcast_in_dim3A_278 = vector.broadcast %jit3A_276 : i32 to vector<1x128xi32>
    %select_n3A_279 = arith.select %or3A, %broadcast_in_dim3A_277, %broadcast_in_dim3A_278 : vector<1x128xi1>, vector<1x128xi32>
    %iota3A_280 = tpu.iota {dimensions = array<i32: 0>} : vector<128x128xi32>
    %iota3A_281 = tpu.iota {dimensions = array<i32: 1>} : vector<128x128xi32>
    %le3A = arith.cmpi sle, %iota3A_280, %iota3A_281 : vector<128x128xi32>
    %convert_element_type3A_282 = arith.extui %le3A : vector<128x128xi1> to vector<128x128xi32>
    %convert_element_type3A_283 = arith.sitofp %convert_element_type3A_282 : vector<128x128xi32> to vector<128x128xf32>
    %convert_element_type3A_284 = arith.sitofp %select_n3A_279 : vector<1x128xi32> to vector<1x128xf32>
    %dot_general3A_285 = arith.constant dense<0.000000e+00> : vector<1x128xf32>
    %dot_general3A_286 = tpu.matmul %convert_element_type3A_284, %convert_element_type3A_283, %dot_general3A_285 {dimension_numbers = #tpu.dot_dimension_numbers<[1], [0], [0], [1], [0, 0, 1, 1], [], []>, transpose_lhs_hint = false} : vector<1x128xf32>, vector<128x128xf32>, vector<1x128xf32> -> vector<1x128xf32>
    %convert_element_type3A_287 = arith.fptosi %dot_general3A_286 : vector<1x128xf32> to vector<1x128xi32>
    %sub3A_288 = arith.constant 1 : i32
    %sub3A_289 = vector.broadcast %sub3A_288 : i32 to vector<1x128xi32>
    %sub3A_290 = arith.subi %convert_element_type3A_287, %sub3A_289 : vector<1x128xi32>
    %rem3A_291 = arith.constant 2 : i32
    %rem3A_292 = vector.broadcast %rem3A_291 : i32 to vector<1x128xi32>
    %rem3A_293 = arith.remsi %sub3A_290, %rem3A_292 : vector<1x128xi32>
    %broadcast_in_dim3A_294 = arith.constant 0.000000e+00 : f32
    %broadcast_in_dim3A_295 = vector.broadcast %broadcast_in_dim3A_294 : f32 to vector<1x128xf32>
    %slice3A_296 = vector.extract_strided_slice %add3A_135 {offsets = [0, 0], sizes = [1, 1], strides = [1, 1]} : vector<8x1xf32> to vector<1x1xf32>
    %broadcast_in_dim3A_297 = vector.shape_cast %slice3A_296 : vector<1x1xf32> to vector<1x1xf32>
    %broadcast_in_dim3A_298 = vector.broadcast %broadcast_in_dim3A_297 : vector<1x1xf32> to vector<1x128xf32>
    %eq3A_299 = arith.constant 0 : i32
    %eq3A_300 = vector.broadcast %eq3A_299 : i32 to vector<1x128xi32>
    %eq3A_301 = arith.cmpi eq, %convert_element_type3A_201, %eq3A_300 : vector<1x128xi32>
    %select_n3A_302 = arith.select %eq3A_301, %broadcast_in_dim3A_298, %broadcast_in_dim3A_295 : vector<1x128xi1>, vector<1x128xf32>
    %slice3A_303 = vector.extract_strided_slice %add3A_135 {offsets = [1, 0], sizes = [1, 1], strides = [1, 1]} : vector<8x1xf32> to vector<1x1xf32>
    %broadcast_in_dim3A_304 = vector.shape_cast %slice3A_303 : vector<1x1xf32> to vector<1x1xf32>
    %broadcast_in_dim3A_305 = vector.broadcast %broadcast_in_dim3A_304 : vector<1x1xf32> to vector<1x128xf32>
    %eq3A_306 = arith.constant 1 : i32
    %eq3A_307 = vector.broadcast %eq3A_306 : i32 to vector<1x128xi32>
    %eq3A_308 = arith.cmpi eq, %convert_element_type3A_201, %eq3A_307 : vector<1x128xi32>
    %select_n3A_309 = arith.select %eq3A_308, %broadcast_in_dim3A_305, %select_n3A_302 : vector<1x128xi1>, vector<1x128xf32>
    %slice3A_310 = vector.extract_strided_slice %add3A_135 {offsets = [2, 0], sizes = [1, 1], strides = [1, 1]} : vector<8x1xf32> to vector<1x1xf32>
    %broadcast_in_dim3A_311 = vector.shape_cast %slice3A_310 : vector<1x1xf32> to vector<1x1xf32>
    %broadcast_in_dim3A_312 = vector.broadcast %broadcast_in_dim3A_311 : vector<1x1xf32> to vector<1x128xf32>
    %eq3A_313 = arith.constant 2 : i32
    %eq3A_314 = vector.broadcast %eq3A_313 : i32 to vector<1x128xi32>
    %eq3A_315 = arith.cmpi eq, %convert_element_type3A_201, %eq3A_314 : vector<1x128xi32>
    %select_n3A_316 = arith.select %eq3A_315, %broadcast_in_dim3A_312, %select_n3A_309 : vector<1x128xi1>, vector<1x128xf32>
    %slice3A_317 = vector.extract_strided_slice %add3A_135 {offsets = [3, 0], sizes = [1, 1], strides = [1, 1]} : vector<8x1xf32> to vector<1x1xf32>
    %broadcast_in_dim3A_318 = vector.shape_cast %slice3A_317 : vector<1x1xf32> to vector<1x1xf32>
    %broadcast_in_dim3A_319 = vector.broadcast %broadcast_in_dim3A_318 : vector<1x1xf32> to vector<1x128xf32>
    %eq3A_320 = arith.constant 3 : i32
    %eq3A_321 = vector.broadcast %eq3A_320 : i32 to vector<1x128xi32>
    %eq3A_322 = arith.cmpi eq, %convert_element_type3A_201, %eq3A_321 : vector<1x128xi32>
    %select_n3A_323 = arith.select %eq3A_322, %broadcast_in_dim3A_319, %select_n3A_316 : vector<1x128xi1>, vector<1x128xf32>
    %slice3A_324 = vector.extract_strided_slice %add3A_135 {offsets = [4, 0], sizes = [1, 1], strides = [1, 1]} : vector<8x1xf32> to vector<1x1xf32>
    %broadcast_in_dim3A_325 = vector.shape_cast %slice3A_324 : vector<1x1xf32> to vector<1x1xf32>
    %broadcast_in_dim3A_326 = vector.broadcast %broadcast_in_dim3A_325 : vector<1x1xf32> to vector<1x128xf32>
    %eq3A_327 = arith.constant 4 : i32
    %eq3A_328 = vector.broadcast %eq3A_327 : i32 to vector<1x128xi32>
    %eq3A_329 = arith.cmpi eq, %convert_element_type3A_201, %eq3A_328 : vector<1x128xi32>
    %select_n3A_330 = arith.select %eq3A_329, %broadcast_in_dim3A_326, %select_n3A_323 : vector<1x128xi1>, vector<1x128xf32>
    %slice3A_331 = vector.extract_strided_slice %add3A_135 {offsets = [5, 0], sizes = [1, 1], strides = [1, 1]} : vector<8x1xf32> to vector<1x1xf32>
    %broadcast_in_dim3A_332 = vector.shape_cast %slice3A_331 : vector<1x1xf32> to vector<1x1xf32>
    %broadcast_in_dim3A_333 = vector.broadcast %broadcast_in_dim3A_332 : vector<1x1xf32> to vector<1x128xf32>
    %eq3A_334 = arith.constant 5 : i32
    %eq3A_335 = vector.broadcast %eq3A_334 : i32 to vector<1x128xi32>
    %eq3A_336 = arith.cmpi eq, %convert_element_type3A_201, %eq3A_335 : vector<1x128xi32>
    %select_n3A_337 = arith.select %eq3A_336, %broadcast_in_dim3A_333, %select_n3A_330 : vector<1x128xi1>, vector<1x128xf32>
    %slice3A_338 = vector.extract_strided_slice %add3A_135 {offsets = [6, 0], sizes = [1, 1], strides = [1, 1]} : vector<8x1xf32> to vector<1x1xf32>
    %broadcast_in_dim3A_339 = vector.shape_cast %slice3A_338 : vector<1x1xf32> to vector<1x1xf32>
    %broadcast_in_dim3A_340 = vector.broadcast %broadcast_in_dim3A_339 : vector<1x1xf32> to vector<1x128xf32>
    %eq3A_341 = arith.constant 6 : i32
    %eq3A_342 = vector.broadcast %eq3A_341 : i32 to vector<1x128xi32>
    %eq3A_343 = arith.cmpi eq, %convert_element_type3A_201, %eq3A_342 : vector<1x128xi32>
    %select_n3A_344 = arith.select %eq3A_343, %broadcast_in_dim3A_340, %select_n3A_337 : vector<1x128xi1>, vector<1x128xf32>
    %slice3A_345 = vector.extract_strided_slice %add3A_135 {offsets = [7, 0], sizes = [1, 1], strides = [1, 1]} : vector<8x1xf32> to vector<1x1xf32>
    %broadcast_in_dim3A_346 = vector.shape_cast %slice3A_345 : vector<1x1xf32> to vector<1x1xf32>
    %broadcast_in_dim3A_347 = vector.broadcast %broadcast_in_dim3A_346 : vector<1x1xf32> to vector<1x128xf32>
    %eq3A_348 = arith.constant 7 : i32
    %eq3A_349 = vector.broadcast %eq3A_348 : i32 to vector<1x128xi32>
    %eq3A_350 = arith.cmpi eq, %convert_element_type3A_201, %eq3A_349 : vector<1x128xi32>
    %select_n3A_351 = arith.select %eq3A_350, %broadcast_in_dim3A_347, %select_n3A_344 : vector<1x128xi1>, vector<1x128xf32>
    %broadcast_in_dim3A_352 = arith.constant 0.000000e+00 : f32
    %broadcast_in_dim3A_353 = vector.broadcast %broadcast_in_dim3A_352 : f32 to vector<1x128xf32>
    %slice3A_354 = vector.extract_strided_slice %add3A_135 {offsets = [0, 0], sizes = [1, 1], strides = [1, 1]} : vector<8x1xf32> to vector<1x1xf32>
    %broadcast_in_dim3A_355 = vector.shape_cast %slice3A_354 : vector<1x1xf32> to vector<1x1xf32>
    %broadcast_in_dim3A_356 = vector.broadcast %broadcast_in_dim3A_355 : vector<1x1xf32> to vector<1x128xf32>
    %ge3A_357 = arith.cmpf oge, %select_n3A_351, %broadcast_in_dim3A_356 : vector<1x128xf32>
    %convert_element_type3A_358 = arith.extui %ge3A_357 : vector<1x128xi1> to vector<1x128xi32>
    %convert_element_type3A_359 = arith.sitofp %convert_element_type3A_358 : vector<1x128xi32> to vector<1x128xf32>
    %add3A_360 = arith.addf %broadcast_in_dim3A_353, %convert_element_type3A_359 : vector<1x128xf32>
    %slice3A_361 = vector.extract_strided_slice %add3A_135 {offsets = [1, 0], sizes = [1, 1], strides = [1, 1]} : vector<8x1xf32> to vector<1x1xf32>
    %broadcast_in_dim3A_362 = vector.shape_cast %slice3A_361 : vector<1x1xf32> to vector<1x1xf32>
    %broadcast_in_dim3A_363 = vector.broadcast %broadcast_in_dim3A_362 : vector<1x1xf32> to vector<1x128xf32>
    %ge3A_364 = arith.cmpf oge, %select_n3A_351, %broadcast_in_dim3A_363 : vector<1x128xf32>
    %convert_element_type3A_365 = arith.extui %ge3A_364 : vector<1x128xi1> to vector<1x128xi32>
    %convert_element_type3A_366 = arith.sitofp %convert_element_type3A_365 : vector<1x128xi32> to vector<1x128xf32>
    %add3A_367 = arith.addf %add3A_360, %convert_element_type3A_366 : vector<1x128xf32>
    %slice3A_368 = vector.extract_strided_slice %add3A_135 {offsets = [2, 0], sizes = [1, 1], strides = [1, 1]} : vector<8x1xf32> to vector<1x1xf32>
    %broadcast_in_dim3A_369 = vector.shape_cast %slice3A_368 : vector<1x1xf32> to vector<1x1xf32>
    %broadcast_in_dim3A_370 = vector.broadcast %broadcast_in_dim3A_369 : vector<1x1xf32> to vector<1x128xf32>
    %ge3A_371 = arith.cmpf oge, %select_n3A_351, %broadcast_in_dim3A_370 : vector<1x128xf32>
    %convert_element_type3A_372 = arith.extui %ge3A_371 : vector<1x128xi1> to vector<1x128xi32>
    %convert_element_type3A_373 = arith.sitofp %convert_element_type3A_372 : vector<1x128xi32> to vector<1x128xf32>
    %add3A_374 = arith.addf %add3A_367, %convert_element_type3A_373 : vector<1x128xf32>
    %slice3A_375 = vector.extract_strided_slice %add3A_135 {offsets = [3, 0], sizes = [1, 1], strides = [1, 1]} : vector<8x1xf32> to vector<1x1xf32>
    %broadcast_in_dim3A_376 = vector.shape_cast %slice3A_375 : vector<1x1xf32> to vector<1x1xf32>
    %broadcast_in_dim3A_377 = vector.broadcast %broadcast_in_dim3A_376 : vector<1x1xf32> to vector<1x128xf32>
    %ge3A_378 = arith.cmpf oge, %select_n3A_351, %broadcast_in_dim3A_377 : vector<1x128xf32>
    %convert_element_type3A_379 = arith.extui %ge3A_378 : vector<1x128xi1> to vector<1x128xi32>
    %convert_element_type3A_380 = arith.sitofp %convert_element_type3A_379 : vector<1x128xi32> to vector<1x128xf32>
    %add3A_381 = arith.addf %add3A_374, %convert_element_type3A_380 : vector<1x128xf32>
    %slice3A_382 = vector.extract_strided_slice %add3A_135 {offsets = [4, 0], sizes = [1, 1], strides = [1, 1]} : vector<8x1xf32> to vector<1x1xf32>
    %broadcast_in_dim3A_383 = vector.shape_cast %slice3A_382 : vector<1x1xf32> to vector<1x1xf32>
    %broadcast_in_dim3A_384 = vector.broadcast %broadcast_in_dim3A_383 : vector<1x1xf32> to vector<1x128xf32>
    %ge3A_385 = arith.cmpf oge, %select_n3A_351, %broadcast_in_dim3A_384 : vector<1x128xf32>
    %convert_element_type3A_386 = arith.extui %ge3A_385 : vector<1x128xi1> to vector<1x128xi32>
    %convert_element_type3A_387 = arith.sitofp %convert_element_type3A_386 : vector<1x128xi32> to vector<1x128xf32>
    %add3A_388 = arith.addf %add3A_381, %convert_element_type3A_387 : vector<1x128xf32>
    %slice3A_389 = vector.extract_strided_slice %add3A_135 {offsets = [5, 0], sizes = [1, 1], strides = [1, 1]} : vector<8x1xf32> to vector<1x1xf32>
    %broadcast_in_dim3A_390 = vector.shape_cast %slice3A_389 : vector<1x1xf32> to vector<1x1xf32>
    %broadcast_in_dim3A_391 = vector.broadcast %broadcast_in_dim3A_390 : vector<1x1xf32> to vector<1x128xf32>
    %ge3A_392 = arith.cmpf oge, %select_n3A_351, %broadcast_in_dim3A_391 : vector<1x128xf32>
    %convert_element_type3A_393 = arith.extui %ge3A_392 : vector<1x128xi1> to vector<1x128xi32>
    %convert_element_type3A_394 = arith.sitofp %convert_element_type3A_393 : vector<1x128xi32> to vector<1x128xf32>
    %add3A_395 = arith.addf %add3A_388, %convert_element_type3A_394 : vector<1x128xf32>
    %slice3A_396 = vector.extract_strided_slice %add3A_135 {offsets = [6, 0], sizes = [1, 1], strides = [1, 1]} : vector<8x1xf32> to vector<1x1xf32>
    %broadcast_in_dim3A_397 = vector.shape_cast %slice3A_396 : vector<1x1xf32> to vector<1x1xf32>
    %broadcast_in_dim3A_398 = vector.broadcast %broadcast_in_dim3A_397 : vector<1x1xf32> to vector<1x128xf32>
    %ge3A_399 = arith.cmpf oge, %select_n3A_351, %broadcast_in_dim3A_398 : vector<1x128xf32>
    %convert_element_type3A_400 = arith.extui %ge3A_399 : vector<1x128xi1> to vector<1x128xi32>
    %convert_element_type3A_401 = arith.sitofp %convert_element_type3A_400 : vector<1x128xi32> to vector<1x128xf32>
    %add3A_402 = arith.addf %add3A_395, %convert_element_type3A_401 : vector<1x128xf32>
    %slice3A_403 = vector.extract_strided_slice %add3A_135 {offsets = [7, 0], sizes = [1, 1], strides = [1, 1]} : vector<8x1xf32> to vector<1x1xf32>
    %broadcast_in_dim3A_404 = vector.shape_cast %slice3A_403 : vector<1x1xf32> to vector<1x1xf32>
    %broadcast_in_dim3A_405 = vector.broadcast %broadcast_in_dim3A_404 : vector<1x1xf32> to vector<1x128xf32>
    %ge3A_406 = arith.cmpf oge, %select_n3A_351, %broadcast_in_dim3A_405 : vector<1x128xf32>
    %convert_element_type3A_407 = arith.extui %ge3A_406 : vector<1x128xi1> to vector<1x128xi32>
    %convert_element_type3A_408 = arith.sitofp %convert_element_type3A_407 : vector<1x128xi32> to vector<1x128xf32>
    %add3A_409 = arith.addf %add3A_402, %convert_element_type3A_408 : vector<1x128xf32>
    %lt3A_410 = arith.cmpf olt, %select_n3A_351, %broadcast_in_dim3A_269 : vector<1x128xf32>
    %ge3A_411 = arith.constant 0 : i32
    %ge3A_412 = vector.broadcast %ge3A_411 : i32 to vector<1x128xi32>
    %ge3A_413 = arith.cmpi sge, %convert_element_type3A_201, %ge3A_412 : vector<1x128xi32>
    %and3A_414 = arith.andi %lt3A_410, %ge3A_413 : vector<1x128xi1>
    %min3A_415 = arith.constant 7.000000e+00 : f32
    %min3A_416 = vector.broadcast %min3A_415 : f32 to vector<1x128xf32>
    %min3A_417 = arith.minimumf %add3A_409, %min3A_416 : vector<1x128xf32>
    %convert_element_type3A_418 = arith.fptosi %min3A_417 : vector<1x128xf32> to vector<1x128xi32>
    %jit3A_419 = arith.constant -1 : i32
    %broadcast_in_dim3A_420 = vector.broadcast %jit3A_419 : i32 to vector<1x128xi32>
    %select_n3A_421 = arith.select %and3A_414, %convert_element_type3A_418, %broadcast_in_dim3A_420 : vector<1x128xi1>, vector<1x128xi32>
    %broadcast_in_dim3A_422 = arith.constant 0.000000e+00 : f32
    %broadcast_in_dim3A_423 = vector.broadcast %broadcast_in_dim3A_422 : f32 to vector<1x128xf32>
    %slice3A_424 = vector.extract_strided_slice %add3A_135 {offsets = [0, 0], sizes = [1, 1], strides = [1, 1]} : vector<8x1xf32> to vector<1x1xf32>
    %broadcast_in_dim3A_425 = vector.shape_cast %slice3A_424 : vector<1x1xf32> to vector<1x1xf32>
    %broadcast_in_dim3A_426 = vector.broadcast %broadcast_in_dim3A_425 : vector<1x1xf32> to vector<1x128xf32>
    %eq3A_427 = arith.constant 0 : i32
    %eq3A_428 = vector.broadcast %eq3A_427 : i32 to vector<1x128xi32>
    %eq3A_429 = arith.cmpi eq, %select_n3A_421, %eq3A_428 : vector<1x128xi32>
    %select_n3A_430 = arith.select %eq3A_429, %broadcast_in_dim3A_426, %broadcast_in_dim3A_423 : vector<1x128xi1>, vector<1x128xf32>
    %slice3A_431 = vector.extract_strided_slice %add3A_135 {offsets = [1, 0], sizes = [1, 1], strides = [1, 1]} : vector<8x1xf32> to vector<1x1xf32>
    %broadcast_in_dim3A_432 = vector.shape_cast %slice3A_431 : vector<1x1xf32> to vector<1x1xf32>
    %broadcast_in_dim3A_433 = vector.broadcast %broadcast_in_dim3A_432 : vector<1x1xf32> to vector<1x128xf32>
    %eq3A_434 = arith.constant 1 : i32
    %eq3A_435 = vector.broadcast %eq3A_434 : i32 to vector<1x128xi32>
    %eq3A_436 = arith.cmpi eq, %select_n3A_421, %eq3A_435 : vector<1x128xi32>
    %select_n3A_437 = arith.select %eq3A_436, %broadcast_in_dim3A_433, %select_n3A_430 : vector<1x128xi1>, vector<1x128xf32>
    %slice3A_438 = vector.extract_strided_slice %add3A_135 {offsets = [2, 0], sizes = [1, 1], strides = [1, 1]} : vector<8x1xf32> to vector<1x1xf32>
    %broadcast_in_dim3A_439 = vector.shape_cast %slice3A_438 : vector<1x1xf32> to vector<1x1xf32>
    %broadcast_in_dim3A_440 = vector.broadcast %broadcast_in_dim3A_439 : vector<1x1xf32> to vector<1x128xf32>
    %eq3A_441 = arith.constant 2 : i32
    %eq3A_442 = vector.broadcast %eq3A_441 : i32 to vector<1x128xi32>
    %eq3A_443 = arith.cmpi eq, %select_n3A_421, %eq3A_442 : vector<1x128xi32>
    %select_n3A_444 = arith.select %eq3A_443, %broadcast_in_dim3A_440, %select_n3A_437 : vector<1x128xi1>, vector<1x128xf32>
    %slice3A_445 = vector.extract_strided_slice %add3A_135 {offsets = [3, 0], sizes = [1, 1], strides = [1, 1]} : vector<8x1xf32> to vector<1x1xf32>
    %broadcast_in_dim3A_446 = vector.shape_cast %slice3A_445 : vector<1x1xf32> to vector<1x1xf32>
    %broadcast_in_dim3A_447 = vector.broadcast %broadcast_in_dim3A_446 : vector<1x1xf32> to vector<1x128xf32>
    %eq3A_448 = arith.constant 3 : i32
    %eq3A_449 = vector.broadcast %eq3A_448 : i32 to vector<1x128xi32>
    %eq3A_450 = arith.cmpi eq, %select_n3A_421, %eq3A_449 : vector<1x128xi32>
    %select_n3A_451 = arith.select %eq3A_450, %broadcast_in_dim3A_447, %select_n3A_444 : vector<1x128xi1>, vector<1x128xf32>
    %slice3A_452 = vector.extract_strided_slice %add3A_135 {offsets = [4, 0], sizes = [1, 1], strides = [1, 1]} : vector<8x1xf32> to vector<1x1xf32>
    %broadcast_in_dim3A_453 = vector.shape_cast %slice3A_452 : vector<1x1xf32> to vector<1x1xf32>
    %broadcast_in_dim3A_454 = vector.broadcast %broadcast_in_dim3A_453 : vector<1x1xf32> to vector<1x128xf32>
    %eq3A_455 = arith.constant 4 : i32
    %eq3A_456 = vector.broadcast %eq3A_455 : i32 to vector<1x128xi32>
    %eq3A_457 = arith.cmpi eq, %select_n3A_421, %eq3A_456 : vector<1x128xi32>
    %select_n3A_458 = arith.select %eq3A_457, %broadcast_in_dim3A_454, %select_n3A_451 : vector<1x128xi1>, vector<1x128xf32>
    %slice3A_459 = vector.extract_strided_slice %add3A_135 {offsets = [5, 0], sizes = [1, 1], strides = [1, 1]} : vector<8x1xf32> to vector<1x1xf32>
    %broadcast_in_dim3A_460 = vector.shape_cast %slice3A_459 : vector<1x1xf32> to vector<1x1xf32>
    %broadcast_in_dim3A_461 = vector.broadcast %broadcast_in_dim3A_460 : vector<1x1xf32> to vector<1x128xf32>
    %eq3A_462 = arith.constant 5 : i32
    %eq3A_463 = vector.broadcast %eq3A_462 : i32 to vector<1x128xi32>
    %eq3A_464 = arith.cmpi eq, %select_n3A_421, %eq3A_463 : vector<1x128xi32>
    %select_n3A_465 = arith.select %eq3A_464, %broadcast_in_dim3A_461, %select_n3A_458 : vector<1x128xi1>, vector<1x128xf32>
    %slice3A_466 = vector.extract_strided_slice %add3A_135 {offsets = [6, 0], sizes = [1, 1], strides = [1, 1]} : vector<8x1xf32> to vector<1x1xf32>
    %broadcast_in_dim3A_467 = vector.shape_cast %slice3A_466 : vector<1x1xf32> to vector<1x1xf32>
    %broadcast_in_dim3A_468 = vector.broadcast %broadcast_in_dim3A_467 : vector<1x1xf32> to vector<1x128xf32>
    %eq3A_469 = arith.constant 6 : i32
    %eq3A_470 = vector.broadcast %eq3A_469 : i32 to vector<1x128xi32>
    %eq3A_471 = arith.cmpi eq, %select_n3A_421, %eq3A_470 : vector<1x128xi32>
    %select_n3A_472 = arith.select %eq3A_471, %broadcast_in_dim3A_468, %select_n3A_465 : vector<1x128xi1>, vector<1x128xf32>
    %slice3A_473 = vector.extract_strided_slice %add3A_135 {offsets = [7, 0], sizes = [1, 1], strides = [1, 1]} : vector<8x1xf32> to vector<1x1xf32>
    %broadcast_in_dim3A_474 = vector.shape_cast %slice3A_473 : vector<1x1xf32> to vector<1x1xf32>
    %broadcast_in_dim3A_475 = vector.broadcast %broadcast_in_dim3A_474 : vector<1x1xf32> to vector<1x128xf32>
    %eq3A_476 = arith.constant 7 : i32
    %eq3A_477 = vector.broadcast %eq3A_476 : i32 to vector<1x128xi32>
    %eq3A_478 = arith.cmpi eq, %select_n3A_421, %eq3A_477 : vector<1x128xi32>
    %select_n3A_479 = arith.select %eq3A_478, %broadcast_in_dim3A_475, %select_n3A_472 : vector<1x128xi1>, vector<1x128xf32>
    %broadcast_in_dim3A_480 = arith.constant 0.000000e+00 : f32
    %broadcast_in_dim3A_481 = vector.broadcast %broadcast_in_dim3A_480 : f32 to vector<1x128xf32>
    %slice3A_482 = vector.extract_strided_slice %add3A_135 {offsets = [0, 0], sizes = [1, 1], strides = [1, 1]} : vector<8x1xf32> to vector<1x1xf32>
    %broadcast_in_dim3A_483 = vector.shape_cast %slice3A_482 : vector<1x1xf32> to vector<1x1xf32>
    %broadcast_in_dim3A_484 = vector.broadcast %broadcast_in_dim3A_483 : vector<1x1xf32> to vector<1x128xf32>
    %ge3A_485 = arith.cmpf oge, %select_n3A_479, %broadcast_in_dim3A_484 : vector<1x128xf32>
    %convert_element_type3A_486 = arith.extui %ge3A_485 : vector<1x128xi1> to vector<1x128xi32>
    %convert_element_type3A_487 = arith.sitofp %convert_element_type3A_486 : vector<1x128xi32> to vector<1x128xf32>
    %add3A_488 = arith.addf %broadcast_in_dim3A_481, %convert_element_type3A_487 : vector<1x128xf32>
    %slice3A_489 = vector.extract_strided_slice %add3A_135 {offsets = [1, 0], sizes = [1, 1], strides = [1, 1]} : vector<8x1xf32> to vector<1x1xf32>
    %broadcast_in_dim3A_490 = vector.shape_cast %slice3A_489 : vector<1x1xf32> to vector<1x1xf32>
    %broadcast_in_dim3A_491 = vector.broadcast %broadcast_in_dim3A_490 : vector<1x1xf32> to vector<1x128xf32>
    %ge3A_492 = arith.cmpf oge, %select_n3A_479, %broadcast_in_dim3A_491 : vector<1x128xf32>
    %convert_element_type3A_493 = arith.extui %ge3A_492 : vector<1x128xi1> to vector<1x128xi32>
    %convert_element_type3A_494 = arith.sitofp %convert_element_type3A_493 : vector<1x128xi32> to vector<1x128xf32>
    %add3A_495 = arith.addf %add3A_488, %convert_element_type3A_494 : vector<1x128xf32>
    %slice3A_496 = vector.extract_strided_slice %add3A_135 {offsets = [2, 0], sizes = [1, 1], strides = [1, 1]} : vector<8x1xf32> to vector<1x1xf32>
    %broadcast_in_dim3A_497 = vector.shape_cast %slice3A_496 : vector<1x1xf32> to vector<1x1xf32>
    %broadcast_in_dim3A_498 = vector.broadcast %broadcast_in_dim3A_497 : vector<1x1xf32> to vector<1x128xf32>
    %ge3A_499 = arith.cmpf oge, %select_n3A_479, %broadcast_in_dim3A_498 : vector<1x128xf32>
    %convert_element_type3A_500 = arith.extui %ge3A_499 : vector<1x128xi1> to vector<1x128xi32>
    %convert_element_type3A_501 = arith.sitofp %convert_element_type3A_500 : vector<1x128xi32> to vector<1x128xf32>
    %add3A_502 = arith.addf %add3A_495, %convert_element_type3A_501 : vector<1x128xf32>
    %slice3A_503 = vector.extract_strided_slice %add3A_135 {offsets = [3, 0], sizes = [1, 1], strides = [1, 1]} : vector<8x1xf32> to vector<1x1xf32>
    %broadcast_in_dim3A_504 = vector.shape_cast %slice3A_503 : vector<1x1xf32> to vector<1x1xf32>
    %broadcast_in_dim3A_505 = vector.broadcast %broadcast_in_dim3A_504 : vector<1x1xf32> to vector<1x128xf32>
    %ge3A_506 = arith.cmpf oge, %select_n3A_479, %broadcast_in_dim3A_505 : vector<1x128xf32>
    %convert_element_type3A_507 = arith.extui %ge3A_506 : vector<1x128xi1> to vector<1x128xi32>
    %convert_element_type3A_508 = arith.sitofp %convert_element_type3A_507 : vector<1x128xi32> to vector<1x128xf32>
    %add3A_509 = arith.addf %add3A_502, %convert_element_type3A_508 : vector<1x128xf32>
    %slice3A_510 = vector.extract_strided_slice %add3A_135 {offsets = [4, 0], sizes = [1, 1], strides = [1, 1]} : vector<8x1xf32> to vector<1x1xf32>
    %broadcast_in_dim3A_511 = vector.shape_cast %slice3A_510 : vector<1x1xf32> to vector<1x1xf32>
    %broadcast_in_dim3A_512 = vector.broadcast %broadcast_in_dim3A_511 : vector<1x1xf32> to vector<1x128xf32>
    %ge3A_513 = arith.cmpf oge, %select_n3A_479, %broadcast_in_dim3A_512 : vector<1x128xf32>
    %convert_element_type3A_514 = arith.extui %ge3A_513 : vector<1x128xi1> to vector<1x128xi32>
    %convert_element_type3A_515 = arith.sitofp %convert_element_type3A_514 : vector<1x128xi32> to vector<1x128xf32>
    %add3A_516 = arith.addf %add3A_509, %convert_element_type3A_515 : vector<1x128xf32>
    %slice3A_517 = vector.extract_strided_slice %add3A_135 {offsets = [5, 0], sizes = [1, 1], strides = [1, 1]} : vector<8x1xf32> to vector<1x1xf32>
    %broadcast_in_dim3A_518 = vector.shape_cast %slice3A_517 : vector<1x1xf32> to vector<1x1xf32>
    %broadcast_in_dim3A_519 = vector.broadcast %broadcast_in_dim3A_518 : vector<1x1xf32> to vector<1x128xf32>
    %ge3A_520 = arith.cmpf oge, %select_n3A_479, %broadcast_in_dim3A_519 : vector<1x128xf32>
    %convert_element_type3A_521 = arith.extui %ge3A_520 : vector<1x128xi1> to vector<1x128xi32>
    %convert_element_type3A_522 = arith.sitofp %convert_element_type3A_521 : vector<1x128xi32> to vector<1x128xf32>
    %add3A_523 = arith.addf %add3A_516, %convert_element_type3A_522 : vector<1x128xf32>
    %slice3A_524 = vector.extract_strided_slice %add3A_135 {offsets = [6, 0], sizes = [1, 1], strides = [1, 1]} : vector<8x1xf32> to vector<1x1xf32>
    %broadcast_in_dim3A_525 = vector.shape_cast %slice3A_524 : vector<1x1xf32> to vector<1x1xf32>
    %broadcast_in_dim3A_526 = vector.broadcast %broadcast_in_dim3A_525 : vector<1x1xf32> to vector<1x128xf32>
    %ge3A_527 = arith.cmpf oge, %select_n3A_479, %broadcast_in_dim3A_526 : vector<1x128xf32>
    %convert_element_type3A_528 = arith.extui %ge3A_527 : vector<1x128xi1> to vector<1x128xi32>
    %convert_element_type3A_529 = arith.sitofp %convert_element_type3A_528 : vector<1x128xi32> to vector<1x128xf32>
    %add3A_530 = arith.addf %add3A_523, %convert_element_type3A_529 : vector<1x128xf32>
    %slice3A_531 = vector.extract_strided_slice %add3A_135 {offsets = [7, 0], sizes = [1, 1], strides = [1, 1]} : vector<8x1xf32> to vector<1x1xf32>
    %broadcast_in_dim3A_532 = vector.shape_cast %slice3A_531 : vector<1x1xf32> to vector<1x1xf32>
    %broadcast_in_dim3A_533 = vector.broadcast %broadcast_in_dim3A_532 : vector<1x1xf32> to vector<1x128xf32>
    %ge3A_534 = arith.cmpf oge, %select_n3A_479, %broadcast_in_dim3A_533 : vector<1x128xf32>
    %convert_element_type3A_535 = arith.extui %ge3A_534 : vector<1x128xi1> to vector<1x128xi32>
    %convert_element_type3A_536 = arith.sitofp %convert_element_type3A_535 : vector<1x128xi32> to vector<1x128xf32>
    %add3A_537 = arith.addf %add3A_530, %convert_element_type3A_536 : vector<1x128xf32>
    %lt3A_538 = arith.cmpf olt, %select_n3A_479, %broadcast_in_dim3A_269 : vector<1x128xf32>
    %ge3A_539 = arith.constant 0 : i32
    %ge3A_540 = vector.broadcast %ge3A_539 : i32 to vector<1x128xi32>
    %ge3A_541 = arith.cmpi sge, %select_n3A_421, %ge3A_540 : vector<1x128xi32>
    %and3A_542 = arith.andi %lt3A_538, %ge3A_541 : vector<1x128xi1>
    %min3A_543 = arith.constant 7.000000e+00 : f32
    %min3A_544 = vector.broadcast %min3A_543 : f32 to vector<1x128xf32>
    %min3A_545 = arith.minimumf %add3A_537, %min3A_544 : vector<1x128xf32>
    %convert_element_type3A_546 = arith.fptosi %min3A_545 : vector<1x128xf32> to vector<1x128xi32>
    %jit3A_547 = arith.constant -1 : i32
    %broadcast_in_dim3A_548 = vector.broadcast %jit3A_547 : i32 to vector<1x128xi32>
    %select_n3A_549 = arith.select %and3A_542, %convert_element_type3A_546, %broadcast_in_dim3A_548 : vector<1x128xi1>, vector<1x128xi32>
    %swap3A_550 = arith.constant 0 : index
    %swap3A_551 = arith.constant 0 : index
    %swap3A_552 = vector.load %arg6[%swap3A_550, %swap3A_551] : memref<1x128xi32, #tpu.memory_space<vmem>>, vector<1x128xi32>
    tpu.vector_store %arg6[%swap3A_550, %swap3A_551], %convert_element_type3A_201 {strides = array<i32>} : memref<1x128xi32, #tpu.memory_space<vmem>>, vector<1x128xi32>,
    %swap3A_553 = arith.constant 0 : index
    %swap3A_554 = arith.constant 0 : index
    %swap3A_555 = vector.load %arg7[%swap3A_553, %swap3A_554] : memref<1x128xi32, #tpu.memory_space<vmem>>, vector<1x128xi32>
    tpu.vector_store %arg7[%swap3A_553, %swap3A_554], %convert_element_type3A_270 {strides = array<i32>} : memref<1x128xi32, #tpu.memory_space<vmem>>, vector<1x128xi32>,
    %swap3A_556 = arith.constant 0 : index
    %swap3A_557 = arith.constant 0 : index
    %swap3A_558 = vector.load %arg8[%swap3A_556, %swap3A_557] : memref<1x128xi32, #tpu.memory_space<vmem>>, vector<1x128xi32>
    tpu.vector_store %arg8[%swap3A_556, %swap3A_557], %select_n3A_279 {strides = array<i32>} : memref<1x128xi32, #tpu.memory_space<vmem>>, vector<1x128xi32>,
    %swap3A_559 = arith.constant 0 : index
    %swap3A_560 = arith.constant 0 : index
    %swap3A_561 = vector.load %arg9[%swap3A_559, %swap3A_560] : memref<1x128xi32, #tpu.memory_space<vmem>>, vector<1x128xi32>
    tpu.vector_store %arg9[%swap3A_559, %swap3A_560], %rem3A_293 {strides = array<i32>} : memref<1x128xi32, #tpu.memory_space<vmem>>, vector<1x128xi32>,
    %swap3A_562 = arith.constant 0 : index
    %swap3A_563 = arith.constant 0 : index
    %swap3A_564 = vector.load %arg10[%swap3A_562, %swap3A_563] : memref<1x128xi32, #tpu.memory_space<vmem>>, vector<1x128xi32>
    tpu.vector_store %arg10[%swap3A_562, %swap3A_563], %select_n3A_421 {strides = array<i32>} : memref<1x128xi32, #tpu.memory_space<vmem>>, vector<1x128xi32>,
    %swap3A_565 = arith.constant 0 : index
    %swap3A_566 = arith.constant 0 : index
    %swap3A_567 = vector.load %arg11[%swap3A_565, %swap3A_566] : memref<1x128xi32, #tpu.memory_space<vmem>>, vector<1x128xi32>
    tpu.vector_store %arg11[%swap3A_565, %swap3A_566], %select_n3A_549 {strides = array<i32>} : memref<1x128xi32, #tpu.memory_space<vmem>>, vector<1x128xi32>,
    return
  }
}

</mosaic_0001>

<sc_bundles>
// kernel: kernel.6.cloned.1.call-start
scs
__scs_entry_jumppad:
0x0: {  	(pc) =	sbr.rel $0x88, $3  }
0x1: {  	(tag) =	ssettag $0x0;
	lr =	simm.s32 $0x1  }
0x2: {  	[smem:$0x3F9C] =	sst lr;
	_ =	strace $0xD0000000  }
0x3: {  	_ = 	snop  }
0x4: {  	_ = 	snop  }
0x5: {  	_ = 	snop  }
0x6: {  	_ = 	snop  }
0x7: {  	_ = 	snop  }
__scs_overlays_trampoline_lowered:
0x8: {  	[smem:$0x3FAB] =	sst s0  }
0x9: {  	[smem:$0x3FAC] =	sst s1  }
0xa: {  	[smem:$0x3FAD] =	sst s2  }
0xb: {  	[smem:$0x3FAE] =	sst s3  }
0xc: {  	[smem:$0x3FAF] =	sst s4  }
0xd: {  	[smem:$0x3FB0] =	sst s5  }
0xe: {  	[smem:$0x3FB1] =	sst s6  }
0xf: {  	[smem:$0x3FB2] =	sst s7  }
0x10: {  	[smem:$0x3FB3] =	sst s8  }
0x11: {  	[smem:$0x3FB4] =	sst s9;
	s0 =	simm.s32 @!p0 $0x0  }
0x12: {  	s1 =	sld [smem:$0x3F9A];
	s0 =	simm.s32 @p0 $0x1  }
0x13: {  	[smem:$0x3FB5] =	sst s0;
	s0 =	simm.s32 @!p1 $0x0  }
0x14: {  	s2 =	sld [smem:$0x3F99];
	s0 =	simm.s32 @p1 $0x1  }
0x15: {  	[smem:$0x3FB6] =	sst s0;
	s0 =	simm.s32 @!p2 $0x0  }
0x16: {  	s3 =	sld [smem:$0x3FDB];
	s0 =	simm.s32 @p2 $0x1  }
0x17: {  	s4 =	simm.s32 $0x1BF5;
	[smem:$0x3FB8] =	sst s0  }
0x18: {  	s0 =	sld [smem:$0x3F9B];
	_ =	swait.ge [sflag:s4], $0x0  }
0x19: {  	s7 =	sld [smem:$0x3F9C]  }
0x1a: {  	s8 =	sadd.s32 $0xFFFFE003, lr  }
0x1b: {  	s9 =	sadd.s32 $0xFFFFFEF7, lr;
	s5 =	simm.s32 $0xFFFFFFFF;
	p2 =	slt.u32 s8, $0xFFFFF086  }
0x1c: {  	p1 =	slt.u32 s9, $0xF7A;
	s5 =	simm.s32 @!p2 $0x0  }
0x1d: {  	s5 =	simm.s32 @p1 $0x1;
	p0 =	seq.s32 s7, s2  }
0x1e: {  	s7 =	smul.u32 @!p0 $0xF7A, s2;
	p2 =	seq.s32 @!p0 s5, $0x0  }
0x1f: {  	s9 =	smul.u32 $0xF7A, s1;
	s8 =	simm.s32 @!p0 $0x1BF5;
	p2 =	por !p2, p0  }
0x20: {  	[sflag:s8] =	ssyncset.s32 @!p0 $0xFFFFF086;
	s6 =	sadd.s32 @!p0 s3, s7;
	s7 =	simm.s32 @!p0 $0x108  }
0x21: {  	s3 =	sadd.s32 s3, s9;
	s6 =	sadd.s32 @!p0 $0x88, s6;
	s7 =	simm.s32 @p2 $0x1082  }
0x22: {  	[simem:s7], [sflag:s8] =	dma.local @!p0 [hbm:s6], $0xF7A  }
0x23: {  	s9 =	sor.u32 $0xD0000000, s2;
	s6 =	simm.s32 $0x108;
	_ =	swait.ge @!p0 [sflag:s8], $0x0  }
0x24: {  	s3 =	sadd.s32 $0x88, s3;
	s6 =	simm.s32 @!p1 $0x1082;
	[sflag:s4] =	ssyncset.s32 $0xFFFFF086  }
0x25: {  	[simem:s6], [sflag:s4] =	dma.local [hbm:s3], $0xF7A  }
0x26: {  	[smem:$0x3F9C] =	sst s1;
	(tag) =	ssettag s2;
	_ =	strace s9  }
0x27: {  	s1 =	sld [smem:$0x3FAC]  }
0x28: {  	s2 =	sld [smem:$0x3FAD]  }
0x29: {  	s4 =	sld [smem:$0x3FAF]  }
0x2a: {  	p0 =	seq.s32 s5, $0x0;
	s5 =	sld [smem:$0x3FB0]  }
0x2b: {  	s6 =	sld [smem:$0x3FB1]  }
0x2c: {  	s7 =	sld [smem:$0x3FB2]  }
0x2d: {  	s3 =	simm.s32 $0x108;
	s8 =	sld [smem:$0x3FB3]  }
0x2e: {  	s3 =	simm.s32 @!p0 $0x1082;
	s9 =	sld [smem:$0x3FB4]  }
0x2f: {  	lr =	sadd.s32 s0, s3;
	s0 =	sld [smem:$0x3FAB]  }
0x30: {  	s3 =	sld [smem:$0x3FAE]  }
0x31: {  	[smem:$0x3FB7] =	sst s10  }
0x32: {  	s10 =	sld [smem:$0x3FB5];
	_ =	sdelay $0x3  }
0x33: {  	p0 =	seq.s32 s10, $0x1;
	s10 =	sld [smem:$0x3FB7];
	_ =	sdelay $0x3  }
0x34: {  	[smem:$0x3FB7] =	sst s10  }
0x35: {  	s10 =	sld [smem:$0x3FB6];
	_ =	sdelay $0x3  }
0x36: {  	p1 =	seq.s32 s10, $0x1;
	s10 =	sld [smem:$0x3FB7];
	_ =	sdelay $0x3  }
0x37: {  	[smem:$0x3FB7] =	sst s10  }
0x38: {  	s10 =	sld [smem:$0x3FB8]  }
0x39: {  	_ = 	snop;
	(pc) =	sbr.ind lr, $3  }
0x3a: {  	_ = 	snop  }
0x3b: {  	_ = 	snop  }
0x3c: {  	p2 =	seq.s32 s10, $0x1;
	s10 =	sld [smem:$0x3FB7]  }
0x3d: {  	_ =	shalt  }
0x3e: {  	_ =	shalt  }
0x3f: {  	_ =	shalt  }
0x40: {  	_ =	shalt  }
0x41: {  	_ =	shalt  }
0x42: {  	_ =	shalt  }
0x43: {  	_ =	shalt  }
0x44: {  	_ =	shalt  }
0x45: {  	_ =	shalt  }
0x46: {  	_ =	shalt  }
0x47: {  	_ =	shalt  }
0x48: {  	_ =	shalt  }
0x49: {  	_ =	shalt  }
0x4a: {  	_ =	shalt  }
0x4b: {  	_ =	shalt  }
0x4c: {  	_ =	shalt  }
0x4d: {  	_ =	shalt  }
0x4e: {  	_ =	shalt  }
0x4f: {  	_ =	shalt  }
0x50: {  	_ =	shalt  }
0x51: {  	_ =	shalt  }
0x52: {  	_ =	shalt  }
0x53: {  	_ =	shalt  }
0x54: {  	_ =	shalt  }
0x55: {  	_ =	shalt  }
0x56: {  	_ =	shalt  }
0x57: {  	_ =	shalt  }
0x58: {  	_ =	shalt  }
0x59: {  	_ =	shalt  }
0x5a: {  	_ =	shalt  }
0x5b: {  	_ =	shalt  }
0x5c: {  	_ =	shalt  }
0x5d: {  	_ =	shalt  }
0x5e: {  	_ =	shalt  }
0x5f: {  	_ =	shalt  }
0x60: {  	_ =	shalt  }
0x61: {  	_ =	shalt  }
0x62: {  	_ =	shalt  }
0x63: {  	_ =	shalt  }
0x64: {  	_ =	shalt  }
0x65: {  	_ =	shalt  }
0x66: {  	_ =	shalt  }
0x67: {  	_ =	shalt  }
0x68: {  	_ =	shalt  }
0x69: {  	_ =	shalt  }
0x6a: {  	_ =	shalt  }
0x6b: {  	_ =	shalt  }
0x6c: {  	_ =	shalt  }
0x6d: {  	_ =	shalt  }
0x6e: {  	_ =	shalt  }
0x6f: {  	_ =	shalt  }
0x70: {  	_ =	shalt  }
0x71: {  	_ =	shalt  }
0x72: {  	_ =	shalt  }
0x73: {  	_ =	shalt  }
0x74: {  	_ =	shalt  }
0x75: {  	_ =	shalt  }
0x76: {  	_ =	shalt  }
0x77: {  	_ =	shalt  }
0x78: {  	_ =	shalt  }
0x79: {  	_ =	shalt  }
0x7a: {  	_ =	shalt  }
0x7b: {  	_ =	shalt  }
0x7c: {  	_ =	shalt  }
0x7d: {  	_ =	shalt  }
0x7e: {  	_ =	shalt  }
0x7f: {  	_ =	shalt  }
0x80: {  	_ =	shalt  }
0x81: {  	_ =	shalt  }
0x82: {  	_ =	shalt  }
0x83: {  	_ =	shalt  }
0x84: {  	_ =	shalt  }
0x85: {  	_ =	shalt  }
0x86: {  	_ =	shalt  }
0x87: {  	_ =	shalt  }
.Lfunc_end0:
.L_simem_size_0:
called_computation_lowered:
.L_overlay_start_0:
0x88: {  	s2 =	sld [smem:$0x3FD9]  }
0x89: {  	s3 =	sld [smem:$0x3FFE];
	_ =	sdelay $0x1  }
0x8a: {  	s1 =	srdreg.scid  }
0x8b: {  	s0 =	sand.u32 $0x1, s1  }
0x8c: {  	s17 =	sshll.u32 s0, $0xA;
	s2 =	sadd.s32 s3, s2  }
0x8d: {  	s2 =	sadd.s32 s2, s17  }
0x8e: {  	[smem:$0x3FC3] =	sst s2  }
0x8f: {  	_ = 	snop  }
0x90: {  	s2 =	sld [smem:$0x3FC9];
	(tm) =	ssettm $0x1  }
0x91: {  	s18 =	sld [smem:$0x3FFB];
	_ =	sdelay $0x3  }
0x92: {  	_ =	strace s18  }
0x93: {  	s3 =	sld [smem:$0x3FFC];
	_ =	sdelay $0x3  }
0x94: {  	_ =	strace s3  }
0x95: {  	s3 =	sld [smem:$0x3FFD];
	_ =	sdelay $0x3  }
0x96: {  	_ =	strace s3  }
0x97: {  	_ =	strace $0x8FFFFFFF  }
0x98: {  	s19 =	sld [smem:$0x3FDB];
	_ =	sdelay $0x1  }
0x99: {  	s4 =	simm.s32 $_scs_section_size  }
0x9a: {  	s5 =	simm.s32 $_size__tile_overlayer_lowered;
	s6 =	simm.s32 $_tile_overlayer_lowered  }
0x9b: {  	s22 =	simm.s32 $0x1BFF;
	s21 =	sshll.u32 s6, $0x1;
	s3 =	sadd.s32 s4, s19  }
0x9c: {  	s7 =	simm.s32 $0x0;
	s20 =	sshll.u32 s5, $0x1;
	s5 =	sadd.s32 s21, s3  }
0x9d: {  	[timem:s7], [sflag:s22] =	dma.local [hbm:s5], s20  }
0x9e: {  	_ =	swait.ge [sflag:s22], s20  }
0x9f: {  	s4 =	ssub.s32 $0x0, s20;
	[sflag:s22] =	ssyncset.done $0x0  }
0xa0: {  	[sflag:s22] =	ssyncadd.s32 s4;
	_ =	sdelay $0x1  }
0xa1: {  	s23 =	simm.s32 $0x1B8B  }
0xa2: {  	_ =	swait.ge [sflag:s23], $0x1  }
0xa3: {  	[sflag:s23] =	ssyncset.done $0x0  }
0xa4: {  	s25 =	simm.s32 $0x1B8E;
	s24 =	sld [smem:$0x3FFE];
	[sflag:s23] =	ssyncadd.s32 $0xFFFFFFFF  }
0xa5: {  	s26 =	simm.s32 $execute0_lowered;
	[smem:$0x3FD2] =	sst s25  }
0xa6: {  	s5 =	sshll.u32 s26, $0x1;
	_ =	strace $0x80000046;
	[dreg:$0x1] =	wrdreg $0xFFFFFFFF  }
0xa7: {  	s28 =	simm.s32 $_size_execute0_lowered;
	s3 =	sadd.s32 s3, s5;
	[dreg:$0x0] =	wrdreg $0x0  }
0xa8: {  	s5 =	sshll.u32 s28, $0x1;
	[dreg:$0x2] =	wrdreg s3  }
0xa9: {  	[dreg:$0x3] =	wrdreg s5  }
0xaa: {  	[dreg:$0x4] =	wrdreg $0xC0  }
0xab: {  	_ =	task [dreg:s7], $0x5FFFF  }
0xac: {  	[dreg:$0x1] =	wrdreg $0xFFFFFFFF  }
0xad: {  	[dreg:$0x0] =	wrdreg $0x60  }
0xae: {  	[dreg:$0x2] =	wrdreg s2  }
0xaf: {  	[dreg:$0x3] =	wrdreg s24  }
0xb0: {  	[dreg:$0x4] =	wrdreg $0x9  }
0xb1: {  	_ =	task.clear_ibuf [dreg:s7], $0x5FFFF;
	_ =	strace $0x90000046  }
0xb2: {  	s29 =	simm.s32 $0x9;
	_ =	strace $0x80000048  }
0xb3: {  	_ =	swait.ge [sflag:s29], $0x1  }
0xb4: {  	[sflag:s29] =	ssyncadd.s32 $0xFFFFFFFF  }
0xb5: {  	_ =	strace $0x90000048  }
0xb6: {  	_ =	sfence  }
0xb7: {  	s30 =	sld [smem:$0x0];
	_ =	sdelay $0x2  }
0xb8: {  	s31 =	sshll.u32 s1, $0xD;
	s1 =	sshrl.u32 s1, $0x2  }
0xb9: {  	s3 =	sand.u32 $0x4000, s31;
	s1 =	sadd.s32 s1, s30  }
0xba: {  	s0 =	sor.u32 s3, s0;
	s1 =	sshll.u32 s1, $0x11  }
0xbb: {  	s0 =	sor.u32 s1, s0  }
0xbc: {  	s0 =	sadd.s32 $0x8F2B, s0  }
0xbd: {  	[sflag:s0] =	ssyncadd.remote.s32 $0x1  }
0xbe: {  	_ =	sfence.sel $0xFFFF  }
0xbf: {  	[dreg:$0x0] =	wrdreg $0xFFFFFFFF;
	(pc) =	sbr.abs _section_cstart, $3  }
0xc0: {  	[dreg:$0x1] =	wrdreg $0xFFFFFFFF  }
0xc1: {  	_ =	task.clear_ibuf [dreg:s7], $0x2FFFF;
	_ =	strace $0x9FFFFFFF  }
0xc2: {  	(tm) =	ssettm $0x7FFFFFFF  }
0xc3: {  	_ =	shalt  }
tec
execute0_lowered:
.L_overlay_start_1:
0x0: {  	(tag) =	ssettag $0x1  }
0x1: {  	s0 =	srdreg.scid  }
0x2: {  	s1 =	rddreg [dreg:$0x0];
	s2 =	stileid.u32  }
0x3: {  	s6 =	rddreg [dreg:$0x1];
	s26 =	simm.s32 $0x80;
	s18 =	simm.s32 $0x100  }
0x4: {  	s22 =	simm.s32 $0x1900;
	s23 =	simm.s32 $0x2100;
	s24 =	simm.s32 $0x2900  }
0x5: {  	s25 =	simm.s32 $0x3100;
	s28 =	simm.s32 $0x4100;
	s29 =	simm.s32 $0x4900  }
0x6: {  	s30 =	simm.s32 $0x5100;
	s31 =	simm.s32 $0x5900;
	s10 =	simm.s32 $0x7100  }
0x7: {  	s11 =	simm.s32 $0x7900;
	s12 =	simm.s32 $0x8100;
	s13 =	simm.s32 $0x8900  }
0x8: {  	s14 =	simm.s32 $0x9100;
	s15 =	simm.s32 $0x9900;
	s16 =	simm.s32 $0xA100  }
0x9: {  	s17 =	simm.s32 $0xA900;
	s9 =	simm.s32 $0xB100;
	s19 =	simm.s32 $0xB900  }
0xa: {  	s0 =	sand.u32 $0x1, s0;
	s3 =	sshll.u32 s2, $0x7;
	s2 =	simm.s32 $0x0  }
0xb: {  	s4 =	sshll.u32 s0, $0x6;
	[smem:$0x7FF] =	sst s2;
	s0 =	ssub.s32 $0x2, s0  }
0xc: {  	s4 =	sor.u32 s4, s3;
	_ =	strace $0x80000047;
	s7 =	sshrl.u32 s0, $0x1  }
0xd: {  	[dreg:$0x6] =	wrdreg s26;
	s3 =	sshrl.u32 s4, $0x3;
	s4 =	sshll.u32 s4, $0x7  }
0xe: {  	s26 =	simm.s32 $0x3900;
	s5 =	sadd.s32 s3, s6;
	s1 =	sadd.s32 s1, s4  }
0xf: {  	s0 =	ssub.s32 s0, s7;
	s8 =	sadd.s32 $0x11E00, s5;
	[dreg:$0x5] =	wrdreg s1  }
0x10: {  	v2 =	vlaneseq.u32;
	s3 =	sadd.s32 $0x12200, s6;
	s5 =	sadd.s32 $0x12000, s5;
	[dreg:$0x3] =	wrdreg s8  }
0x11: {  	vm0 =	vmmov $0xffff;
	v1 =	vshrl.u32 v2, $0x3;
	s4 =	sadd.s32 $0x12300, s6;
	s7 =	smax.u32 s0, $0x1;
	[dreg:$0x4] =	wrdreg s5  }
0x12: {  	v0 =	vand.u32 $0x7, v2;
	v2 =	vor.u32 $0x8, v2;
	v1 =	vmul.u32 $0x8, v1;
	s5 =	sadd.s32 $0x12400, s6;
	s6 =	sadd.s32 $0x12500, s6;
	s8 =	simm.s32 $0x3  }
.LBB2_1:
0x13: {  	s20 =	rddreg [dreg:$0x3]  }
0x14: {  	[tilespmem:s2], [sflag:$0x3] =	stream.linear.gather [hbm4b:s20+s2], $0x40, $0x38;
	[tilespmem:$0x10100] =	vst v63  }
0x15: {  	_ =	swait.ge [sflag:s8], $0x40  }
0x16: {  	s0 =	rddreg [dreg:$0x4];
	[sflag:s8] =	ssyncset.done $0x0  }
0x17: {  	s21 =	rddreg [dreg:$0x6];
	[sflag:s8] =	ssyncadd.s32 $0xFFFFFFC0  }
0x18: {  	[tilespmem:s21], [sflag:$0x3] =	stream.linear.gather [hbm4b:s0+s2], $0x40, $0x38;
	[tilespmem:$0x10100] =	vst v63  }
0x19: {  	_ =	swait.ge [sflag:s8], $0x40  }
0x1a: {  	[sflag:s8] =	ssyncset.done $0x0  }
0x1b: {  	s1 =	rddreg [dreg:$0x5];
	[sflag:s8] =	ssyncadd.s32 $0xFFFFFFC0  }
0x1c: {  	[tilespmem:s18], [sflag:$0x3] =	stream.linear.gather [hbm4b:s1+s2], $0x10000, $0x38;
	[tilespmem:$0x10100] =	vst v63  }
0x1d: {  	_ =	swait.ge [sflag:s8], $0x10000  }
0x1e: {  	[sflag:s8] =	ssyncset.done $0x0  }
0x1f: {  	[sflag:s8] =	ssyncadd.s32 $0xFFFF0000  }
0x20: {  	v3 =	vld [tilespmem:$0x0];
	_ =	sdelay $0x4  }
0x21: {  	v4 =	vshll.u32 v3, $0x3  }
0x22: {  	v3 =	vand.u32 $0x7, v3;
	v4 =	vand.u32 $0xFFFFFFC0, v4  }
0x23: {  	v3 =	vor.u32 v3, v4  }
0x24: {  	v4 =	vperm.xlane v3, v0;
	_ =	sdelay $0x1  }
0x25: {  	v4 =	vadd.s32 v1, v4;
	_ =	sdelay $0x4  }
0x26: {  	[hbm4b:s3+s2] =	stream.indirect_vreg.scatter [tilespmem:s18], [sflag:$0x1], $0x80, v4, vm0, $0xb8;
	[tilespmem:$0x10100] =	vst v63  }
0x27: {  	s20 =	simm.s32 $0x900;
	v3 =	vperm.xlane v3, v2  }
0x28: {  	[hbm4b:s4+s2] =	stream.indirect_vreg.scatter [tilespmem:s20], [sflag:$0x1], $0x80, v4, vm0, $0xb8;
	[tilespmem:$0x10100] =	vst v63  }
0x29: {  	s21 =	simm.s32 $0x1100;
	v3 =	vadd.s32 v1, v3  }
0x2a: {  	[hbm4b:s5+s2] =	stream.indirect_vreg.scatter [tilespmem:s21], [sflag:$0x1], $0x80, v4, vm0, $0xb8;
	[tilespmem:$0x10100] =	vst v63  }
0x2b: {  	_ = 	snop  }
0x2c: {  	[hbm4b:s6+s2] =	stream.indirect_vreg.scatter [tilespmem:s22], [sflag:$0x1], $0x80, v4, vm0, $0xb8;
	[tilespmem:$0x10100] =	vst v63  }
0x2d: {  	_ = 	snop  }
0x2e: {  	[hbm4b:s3+s2] =	stream.indirect_vreg.scatter [tilespmem:s23], [sflag:$0x1], $0x80, v3, vm0, $0xb8;
	[tilespmem:$0x10100] =	vst v63  }
0x2f: {  	_ = 	snop  }
0x30: {  	[hbm4b:s4+s2] =	stream.indirect_vreg.scatter [tilespmem:s24], [sflag:$0x1], $0x80, v3, vm0, $0xb8;
	[tilespmem:$0x10100] =	vst v63  }
0x31: {  	_ = 	snop  }
0x32: {  	[hbm4b:s5+s2] =	stream.indirect_vreg.scatter [tilespmem:s25], [sflag:$0x1], $0x80, v3, vm0, $0xb8;
	[tilespmem:$0x10100] =	vst v63  }
0x33: {  	_ = 	snop  }
0x34: {  	[hbm4b:s6+s2] =	stream.indirect_vreg.scatter [tilespmem:s26], [sflag:$0x1], $0x80, v3, vm0, $0xb8;
	[tilespmem:$0x10100] =	vst v63  }
0x35: {  	v3 =	vld [tilespmem:$0x10];
	_ =	sdelay $0x4  }
0x36: {  	v57 =	vshll.u32 v3, $0x3  }
0x37: {  	v3 =	vand.u32 $0x7, v3;
	v4 =	vand.u32 $0xFFFFFFC0, v57  }
0x38: {  	v3 =	vor.u32 v3, v4  }
0x39: {  	v4 =	vperm.xlane v3, v0;
	_ =	sdelay $0x1  }
0x3a: {  	v4 =	vadd.s32 v1, v4;
	_ =	sdelay $0x4  }
0x3b: {  	[hbm4b:s3+s2] =	stream.indirect_vreg.scatter [tilespmem:s28], [sflag:$0x1], $0x80, v4, vm0, $0xb8;
	[tilespmem:$0x10100] =	vst v63  }
0x3c: {  	v3 =	vperm.xlane v3, v2  }
0x3d: {  	[hbm4b:s4+s2] =	stream.indirect_vreg.scatter [tilespmem:s29], [sflag:$0x1], $0x80, v4, vm0, $0xb8;
	[tilespmem:$0x10100] =	vst v63  }
0x3e: {  	v3 =	vadd.s32 v1, v3  }
0x3f: {  	[hbm4b:s5+s2] =	stream.indirect_vreg.scatter [tilespmem:s30], [sflag:$0x1], $0x80, v4, vm0, $0xb8;
	[tilespmem:$0x10100] =	vst v63  }
0x40: {  	_ = 	snop  }
0x41: {  	[hbm4b:s6+s2] =	stream.indirect_vreg.scatter [tilespmem:s31], [sflag:$0x1], $0x80, v4, vm0, $0xb8;
	[tilespmem:$0x10100] =	vst v63  }
0x42: {  	s1 =	simm.s32 $0x6100  }
0x43: {  	[hbm4b:s3+s2] =	stream.indirect_vreg.scatter [tilespmem:s1], [sflag:$0x1], $0x80, v3, vm0, $0xb8;
	[tilespmem:$0x10100] =	vst v63  }
0x44: {  	s0 =	simm.s32 $0x6900  }
0x45: {  	[hbm4b:s4+s2] =	stream.indirect_vreg.scatter [tilespmem:s0], [sflag:$0x1], $0x80, v3, vm0, $0xb8;
	[tilespmem:$0x10100] =	vst v63  }
0x46: {  	_ = 	snop  }
0x47: {  	[hbm4b:s5+s2] =	stream.indirect_vreg.scatter [tilespmem:s10], [sflag:$0x1], $0x80, v3, vm0, $0xb8;
	[tilespmem:$0x10100] =	vst v63  }
0x48: {  	_ = 	snop  }
0x49: {  	[hbm4b:s6+s2] =	stream.indirect_vreg.scatter [tilespmem:s11], [sflag:$0x1], $0x80, v3, vm0, $0xb8;
	[tilespmem:$0x10100] =	vst v63  }
0x4a: {  	v3 =	vld [tilespmem:$0x20];
	_ =	sdelay $0x4  }
0x4b: {  	v58 =	vshll.u32 v3, $0x3  }
0x4c: {  	v3 =	vand.u32 $0x7, v3;
	v4 =	vand.u32 $0xFFFFFFC0, v58  }
0x4d: {  	v3 =	vor.u32 v3, v4  }
0x4e: {  	v4 =	vperm.xlane v3, v0;
	_ =	sdelay $0x1  }
0x4f: {  	v4 =	vadd.s32 v1, v4;
	_ =	sdelay $0x4  }
0x50: {  	[hbm4b:s3+s2] =	stream.indirect_vreg.scatter [tilespmem:s12], [sflag:$0x1], $0x80, v4, vm0, $0xb8;
	[tilespmem:$0x10100] =	vst v63  }
0x51: {  	v3 =	vperm.xlane v3, v2  }
0x52: {  	[hbm4b:s4+s2] =	stream.indirect_vreg.scatter [tilespmem:s13], [sflag:$0x1], $0x80, v4, vm0, $0xb8;
	[tilespmem:$0x10100] =	vst v63  }
0x53: {  	v3 =	vadd.s32 v1, v3  }
0x54: {  	[hbm4b:s5+s2] =	stream.indirect_vreg.scatter [tilespmem:s14], [sflag:$0x1], $0x80, v4, vm0, $0xb8;
	[tilespmem:$0x10100] =	vst v63  }
0x55: {  	_ = 	snop  }
0x56: {  	[hbm4b:s6+s2] =	stream.indirect_vreg.scatter [tilespmem:s15], [sflag:$0x1], $0x80, v4, vm0, $0xb8;
	[tilespmem:$0x10100] =	vst v63  }
0x57: {  	_ = 	snop  }
0x58: {  	[hbm4b:s3+s2] =	stream.indirect_vreg.scatter [tilespmem:s16], [sflag:$0x1], $0x80, v3, vm0, $0xb8;
	[tilespmem:$0x10100] =	vst v63  }
0x59: {  	_ = 	snop  }
0x5a: {  	[hbm4b:s4+s2] =	stream.indirect_vreg.scatter [tilespmem:s17], [sflag:$0x1], $0x80, v3, vm0, $0xb8;
	[tilespmem:$0x10100] =	vst v63  }
0x5b: {  	_ = 	snop  }
0x5c: {  	[hbm4b:s5+s2] =	stream.indirect_vreg.scatter [tilespmem:s9], [sflag:$0x1], $0x80, v3, vm0, $0xb8;
	[tilespmem:$0x10100] =	vst v63  }
0x5d: {  	_ = 	snop  }
0x5e: {  	[hbm4b:s6+s2] =	stream.indirect_vreg.scatter [tilespmem:s19], [sflag:$0x1], $0x80, v3, vm0, $0xb8;
	[tilespmem:$0x10100] =	vst v63  }
0x5f: {  	v3 =	vld [tilespmem:$0x30];
	_ =	sdelay $0x4  }
0x60: {  	v59 =	vshll.u32 v3, $0x3  }
0x61: {  	v3 =	vand.u32 $0x7, v3;
	v4 =	vand.u32 $0xFFFFFFC0, v59  }
0x62: {  	v3 =	vor.u32 v3, v4  }
0x63: {  	v4 =	vperm.xlane v3, v0;
	_ =	sdelay $0x1  }
0x64: {  	v4 =	vadd.s32 v1, v4;
	_ =	sdelay $0x3  }
0x65: {  	s0 =	simm.s32 $0xC100  }
0x66: {  	[hbm4b:s3+s2] =	stream.indirect_vreg.scatter [tilespmem:s0], [sflag:$0x1], $0x80, v4, vm0, $0xb8;
	[tilespmem:$0x10100] =	vst v63  }
0x67: {  	v3 =	vperm.xlane v3, v2;
	s0 =	simm.s32 $0xC900  }
0x68: {  	[hbm4b:s4+s2] =	stream.indirect_vreg.scatter [tilespmem:s0], [sflag:$0x1], $0x80, v4, vm0, $0xb8;
	[tilespmem:$0x10100] =	vst v63  }
0x69: {  	v3 =	vadd.s32 v1, v3;
	s0 =	simm.s32 $0xD100  }
0x6a: {  	[hbm4b:s5+s2] =	stream.indirect_vreg.scatter [tilespmem:s0], [sflag:$0x1], $0x80, v4, vm0, $0xb8;
	[tilespmem:$0x10100] =	vst v63  }
0x6b: {  	s0 =	simm.s32 $0xD900  }
0x6c: {  	[hbm4b:s6+s2] =	stream.indirect_vreg.scatter [tilespmem:s0], [sflag:$0x1], $0x80, v4, vm0, $0xb8;
	[tilespmem:$0x10100] =	vst v63  }
0x6d: {  	s0 =	simm.s32 $0xE100  }
0x6e: {  	[hbm4b:s3+s2] =	stream.indirect_vreg.scatter [tilespmem:s0], [sflag:$0x1], $0x80, v3, vm0, $0xb8;
	[tilespmem:$0x10100] =	vst v63  }
0x6f: {  	s0 =	simm.s32 $0xE900  }
0x70: {  	[hbm4b:s4+s2] =	stream.indirect_vreg.scatter [tilespmem:s0], [sflag:$0x1], $0x80, v3, vm0, $0xb8;
	[tilespmem:$0x10100] =	vst v63  }
0x71: {  	s0 =	simm.s32 $0xF100  }
0x72: {  	[hbm4b:s5+s2] =	stream.indirect_vreg.scatter [tilespmem:s0], [sflag:$0x1], $0x80, v3, vm0, $0xb8;
	[tilespmem:$0x10100] =	vst v63  }
0x73: {  	s0 =	simm.s32 $0xF900  }
0x74: {  	[hbm4b:s6+s2] =	stream.indirect_vreg.scatter [tilespmem:s0], [sflag:$0x1], $0x80, v3, vm0, $0xb8;
	[tilespmem:$0x10100] =	vst v63  }
0x75: {  	v3 =	vld [tilespmem:$0x80];
	_ =	sdelay $0x4  }
0x76: {  	v60 =	vshll.u32 v3, $0x3  }
0x77: {  	v3 =	vand.u32 $0x7, v3;
	v4 =	vand.u32 $0xFFFFFFC0, v60  }
0x78: {  	v3 =	vor.u32 v3, v4  }
0x79: {  	v4 =	vperm.xlane v3, v0;
	_ =	sdelay $0x1  }
0x7a: {  	v4 =	vadd.s32 v1, v4;
	_ =	sdelay $0x4  }
0x7b: {  	[hbm4b:s3+s2] =	stream.indirect_vreg.scatter [tilespmem:s18], [sflag:$0x2], $0x80, v4, vm0, $0xb8;
	[tilespmem:$0x10100] =	vst v63  }
0x7c: {  	v3 =	vperm.xlane v3, v2  }
0x7d: {  	[hbm4b:s4+s2] =	stream.indirect_vreg.scatter [tilespmem:s20], [sflag:$0x2], $0x80, v4, vm0, $0xb8;
	[tilespmem:$0x10100] =	vst v63  }
0x7e: {  	v3 =	vadd.s32 v1, v3  }
0x7f: {  	[hbm4b:s5+s2] =	stream.indirect_vreg.scatter [tilespmem:s21], [sflag:$0x2], $0x80, v4, vm0, $0xb8;
	[tilespmem:$0x10100] =	vst v63  }
0x80: {  	_ = 	snop  }
0x81: {  	[hbm4b:s6+s2] =	stream.indirect_vreg.scatter [tilespmem:s22], [sflag:$0x2], $0x80, v4, vm0, $0xb8;
	[tilespmem:$0x10100] =	vst v63  }
0x82: {  	_ = 	snop  }
0x83: {  	[hbm4b:s3+s2] =	stream.indirect_vreg.scatter [tilespmem:s23], [sflag:$0x2], $0x80, v3, vm0, $0xb8;
	[tilespmem:$0x10100] =	vst v63  }
0x84: {  	_ = 	snop  }
0x85: {  	[hbm4b:s4+s2] =	stream.indirect_vreg.scatter [tilespmem:s24], [sflag:$0x2], $0x80, v3, vm0, $0xb8;
	[tilespmem:$0x10100] =	vst v63  }
0x86: {  	_ = 	snop  }
0x87: {  	[hbm4b:s5+s2] =	stream.indirect_vreg.scatter [tilespmem:s25], [sflag:$0x2], $0x80, v3, vm0, $0xb8;
	[tilespmem:$0x10100] =	vst v63  }
0x88: {  	_ = 	snop  }
0x89: {  	[hbm4b:s6+s2] =	stream.indirect_vreg.scatter [tilespmem:s26], [sflag:$0x2], $0x80, v3, vm0, $0xb8;
	[tilespmem:$0x10100] =	vst v63  }
0x8a: {  	v3 =	vld [tilespmem:$0x90];
	_ =	sdelay $0x4  }
0x8b: {  	v61 =	vshll.u32 v3, $0x3  }
0x8c: {  	v3 =	vand.u32 $0x7, v3;
	v4 =	vand.u32 $0xFFFFFFC0, v61  }
0x8d: {  	v3 =	vor.u32 v3, v4  }
0x8e: {  	v4 =	vperm.xlane v3, v0;
	_ =	sdelay $0x1  }
0x8f: {  	v4 =	vadd.s32 v1, v4;
	_ =	sdelay $0x4  }
0x90: {  	[hbm4b:s3+s2] =	stream.indirect_vreg.scatter [tilespmem:s28], [sflag:$0x2], $0x80, v4, vm0, $0xb8;
	[tilespmem:$0x10100] =	vst v63  }
0x91: {  	v3 =	vperm.xlane v3, v2  }
0x92: {  	[hbm4b:s4+s2] =	stream.indirect_vreg.scatter [tilespmem:s29], [sflag:$0x2], $0x80, v4, vm0, $0xb8;
	[tilespmem:$0x10100] =	vst v63  }
0x93: {  	v3 =	vadd.s32 v1, v3  }
0x94: {  	[hbm4b:s5+s2] =	stream.indirect_vreg.scatter [tilespmem:s30], [sflag:$0x2], $0x80, v4, vm0, $0xb8;
	[tilespmem:$0x10100] =	vst v63  }
0x95: {  	_ = 	snop  }
0x96: {  	[hbm4b:s6+s2] =	stream.indirect_vreg.scatter [tilespmem:s31], [sflag:$0x2], $0x80, v4, vm0, $0xb8;
	[tilespmem:$0x10100] =	vst v63  }
0x97: {  	_ = 	snop  }
0x98: {  	[hbm4b:s3+s2] =	stream.indirect_vreg.scatter [tilespmem:s1], [sflag:$0x2], $0x80, v3, vm0, $0xb8;
	[tilespmem:$0x10100] =	vst v63  }
0x99: {  	s20 =	simm.s32 $0x6900  }
0x9a: {  	[hbm4b:s4+s2] =	stream.indirect_vreg.scatter [tilespmem:s20], [sflag:$0x2], $0x80, v3, vm0, $0xb8;
	[tilespmem:$0x10100] =	vst v63  }
0x9b: {  	_ = 	snop  }
0x9c: {  	[hbm4b:s5+s2] =	stream.indirect_vreg.scatter [tilespmem:s10], [sflag:$0x2], $0x80, v3, vm0, $0xb8;
	[tilespmem:$0x10100] =	vst v63  }
0x9d: {  	_ = 	snop  }
0x9e: {  	[hbm4b:s6+s2] =	stream.indirect_vreg.scatter [tilespmem:s11], [sflag:$0x2], $0x80, v3, vm0, $0xb8;
	[tilespmem:$0x10100] =	vst v63  }
0x9f: {  	v3 =	vld [tilespmem:$0xA0];
	_ =	sdelay $0x4  }
0xa0: {  	v62 =	vshll.u32 v3, $0x3  }
0xa1: {  	v3 =	vand.u32 $0x7, v3;
	v4 =	vand.u32 $0xFFFFFFC0, v62  }
0xa2: {  	v3 =	vor.u32 v3, v4  }
0xa3: {  	v4 =	vperm.xlane v3, v0;
	_ =	sdelay $0x1  }
0xa4: {  	v4 =	vadd.s32 v1, v4;
	_ =	sdelay $0x4  }
0xa5: {  	[hbm4b:s3+s2] =	stream.indirect_vreg.scatter [tilespmem:s12], [sflag:$0x2], $0x80, v4, vm0, $0xb8;
	[tilespmem:$0x10100] =	vst v63  }
0xa6: {  	v3 =	vperm.xlane v3, v2  }
0xa7: {  	[hbm4b:s4+s2] =	stream.indirect_vreg.scatter [tilespmem:s13], [sflag:$0x2], $0x80, v4, vm0, $0xb8;
	[tilespmem:$0x10100] =	vst v63  }
0xa8: {  	v3 =	vadd.s32 v1, v3  }
0xa9: {  	[hbm4b:s5+s2] =	stream.indirect_vreg.scatter [tilespmem:s14], [sflag:$0x2], $0x80, v4, vm0, $0xb8;
	[tilespmem:$0x10100] =	vst v63  }
0xaa: {  	_ = 	snop  }
0xab: {  	[hbm4b:s6+s2] =	stream.indirect_vreg.scatter [tilespmem:s15], [sflag:$0x2], $0x80, v4, vm0, $0xb8;
	[tilespmem:$0x10100] =	vst v63  }
0xac: {  	_ = 	snop  }
0xad: {  	[hbm4b:s3+s2] =	stream.indirect_vreg.scatter [tilespmem:s16], [sflag:$0x2], $0x80, v3, vm0, $0xb8;
	[tilespmem:$0x10100] =	vst v63  }
0xae: {  	_ = 	snop  }
0xaf: {  	[hbm4b:s4+s2] =	stream.indirect_vreg.scatter [tilespmem:s17], [sflag:$0x2], $0x80, v3, vm0, $0xb8;
	[tilespmem:$0x10100] =	vst v63  }
0xb0: {  	_ = 	snop  }
0xb1: {  	[hbm4b:s5+s2] =	stream.indirect_vreg.scatter [tilespmem:s9], [sflag:$0x2], $0x80, v3, vm0, $0xb8;
	[tilespmem:$0x10100] =	vst v63  }
0xb2: {  	_ = 	snop  }
0xb3: {  	[hbm4b:s6+s2] =	stream.indirect_vreg.scatter [tilespmem:s19], [sflag:$0x2], $0x80, v3, vm0, $0xb8;
	[tilespmem:$0x10100] =	vst v63  }
0xb4: {  	v3 =	vld [tilespmem:$0xB0];
	_ =	sdelay $0x4  }
0xb5: {  	v63 =	vshll.u32 v3, $0x3  }
0xb6: {  	v3 =	vand.u32 $0x7, v3;
	v4 =	vand.u32 $0xFFFFFFC0, v63  }
0xb7: {  	v3 =	vor.u32 v3, v4  }
0xb8: {  	v4 =	vperm.xlane v3, v0;
	_ =	sdelay $0x1  }
0xb9: {  	v4 =	vadd.s32 v1, v4;
	_ =	sdelay $0x3  }
0xba: {  	s21 =	simm.s32 $0xC100  }
0xbb: {  	[hbm4b:s3+s2] =	stream.indirect_vreg.scatter [tilespmem:s21], [sflag:$0x2], $0x80, v4, vm0, $0xb8;
	[tilespmem:$0x10100] =	vst v63  }
0xbc: {  	s20 =	simm.s32 $0xC900;
	v3 =	vperm.xlane v3, v2  }
0xbd: {  	[hbm4b:s4+s2] =	stream.indirect_vreg.scatter [tilespmem:s20], [sflag:$0x2], $0x80, v4, vm0, $0xb8;
	[tilespmem:$0x10100] =	vst v63  }
0xbe: {  	v3 =	vadd.s32 v1, v3;
	s21 =	simm.s32 $0xD100  }
0xbf: {  	[hbm4b:s5+s2] =	stream.indirect_vreg.scatter [tilespmem:s21], [sflag:$0x2], $0x80, v4, vm0, $0xb8;
	[tilespmem:$0x10100] =	vst v63  }
0xc0: {  	s20 =	simm.s32 $0xD900  }
0xc1: {  	[hbm4b:s6+s2] =	stream.indirect_vreg.scatter [tilespmem:s20], [sflag:$0x2], $0x80, v4, vm0, $0xb8;
	[tilespmem:$0x10100] =	vst v63  }
0xc2: {  	s21 =	simm.s32 $0xE100  }
0xc3: {  	[hbm4b:s3+s2] =	stream.indirect_vreg.scatter [tilespmem:s21], [sflag:$0x2], $0x80, v3, vm0, $0xb8;
	[tilespmem:$0x10100] =	vst v63  }
0xc4: {  	s20 =	simm.s32 $0xE900  }
0xc5: {  	[hbm4b:s4+s2] =	stream.indirect_vreg.scatter [tilespmem:s20], [sflag:$0x2], $0x80, v3, vm0, $0xb8;
	[tilespmem:$0x10100] =	vst v63  }
0xc6: {  	s21 =	simm.s32 $0xF100  }
0xc7: {  	[hbm4b:s5+s2] =	stream.indirect_vreg.scatter [tilespmem:s21], [sflag:$0x2], $0x80, v3, vm0, $0xb8;
	[tilespmem:$0x10100] =	vst v63  }
0xc8: {  	s20 =	simm.s32 $0x1  }
0xc9: {  	[hbm4b:s6+s2] =	stream.indirect_vreg.scatter [tilespmem:s0], [sflag:$0x2], $0x80, v3, vm0, $0xb8;
	[tilespmem:$0x10100] =	vst v63  }
0xca: {  	p0 =	sne.s32 s7, $0x1;
	_ =	swait.ge [sflag:s20], $0x10000  }
.Ltmp0:
0xcb: {  	[sflag:s20] =	ssyncset.done $0x0;
	(pc) =	sbr.rel @p0 .LBB2_1-.Ltmp0, $4  }
0xcc: {  	s21 =	simm.s32 $0x2;
	[sflag:s20] =	ssyncadd.s32 $0xFFFF0000  }
0xcd: {  	_ =	swait.ge [sflag:s21], $0x10000  }
0xce: {  	[sflag:s21] =	ssyncset.done $0x0  }
0xcf: {  	s7 =	sadd.s32 $0xFFFFFFFF, s7;
	[sflag:s21] =	ssyncadd.s32 $0xFFFF0000  }
0xd0: {  	_ =	sfence.sel $0x180000  }
0xd1: {  	[bflag:$0x0] =	sbarrier.arrive $0xFFFF  }
0xd2: {  	_ =	strace $0x90000047  }
0xd3: {  	s0 =	stileid.u32;
	[bflag:$0x2] =	sbarrier.arrive $0xFFFF  }
0xd4: {  	p0 =	sne.s32 s0, $0x0;
	s0 =	rddreg [dreg:$0x2]  }
0xd5: {  	s0 =	sadd.s32 @!p0 $0x100000, s0  }
0xd6: {  	[sflag:s0] =	ssyncadd.tile.s32 @!p0 $0x1;
	_ =	shalt  }
.Lfunc_end2:
_tile_overlayer_lowered:
.L_overlay_start_2:
0xd7: {  	(tag) =	ssettag $0x2  }
0xd8: {  	s0 =	rddreg [dreg:$0x0];
	s2 =	stileid.u32  }
0xd9: {  	s1 =	rddreg [dreg:$0x1];
	p0 =	sne.s32 s2, $0x0  }
0xda: {  	s3 =	rddreg [dreg:$0x2];
	[bflag:$0x3] =	sbarrier.arrive $0xFFFF;
	s2 =	simm.s32 @!p0 $0x1C03  }
0xdb: {  	[timem:s3], [sflag:s2] =	dma.local @!p0 [hbm:s0], s1  }
0xdc: {  	s0 =	simm.s32 @!p0 $0x3  }
0xdd: {  	_ =	swait.ge @!p0 [sflag:s0], s1  }
0xde: {  	s1 =	ssub.s32 @!p0 $0x0, s1;
	[sflag:s0] =	ssyncset.done @!p0 $0x0  }
0xdf: {  	[sflag:s0] =	ssyncadd.s32 @!p0 s1  }
0xe0: {  	[bflag:$0x3] =	sbarrier.arrive $0xFFFF  }
0xe1: {  	_ =	shalt  }

// kernel: kernel.9.cloned.1.call-start
scs
__scs_entry_jumppad:
0x0: {  	(pc) =	sbr.rel $0x88, $3  }
0x1: {  	(tag) =	ssettag $0x0;
	lr =	simm.s32 $0x1  }
0x2: {  	[smem:$0x3F9C] =	sst lr;
	_ =	strace $0xD0000000  }
0x3: {  	_ = 	snop  }
0x4: {  	_ = 	snop  }
0x5: {  	_ = 	snop  }
0x6: {  	_ = 	snop  }
0x7: {  	_ = 	snop  }
__scs_overlays_trampoline_lowered:
0x8: {  	[smem:$0x3FAB] =	sst s0  }
0x9: {  	[smem:$0x3FAC] =	sst s1  }
0xa: {  	[smem:$0x3FAD] =	sst s2  }
0xb: {  	[smem:$0x3FAE] =	sst s3  }
0xc: {  	[smem:$0x3FAF] =	sst s4  }
0xd: {  	[smem:$0x3FB0] =	sst s5  }
0xe: {  	[smem:$0x3FB1] =	sst s6  }
0xf: {  	[smem:$0x3FB2] =	sst s7  }
0x10: {  	[smem:$0x3FB3] =	sst s8  }
0x11: {  	[smem:$0x3FB4] =	sst s9;
	s0 =	simm.s32 @!p0 $0x0  }
0x12: {  	s1 =	sld [smem:$0x3F9A];
	s0 =	simm.s32 @p0 $0x1  }
0x13: {  	[smem:$0x3FB5] =	sst s0;
	s0 =	simm.s32 @!p1 $0x0  }
0x14: {  	s2 =	sld [smem:$0x3F99];
	s0 =	simm.s32 @p1 $0x1  }
0x15: {  	[smem:$0x3FB6] =	sst s0;
	s0 =	simm.s32 @!p2 $0x0  }
0x16: {  	s3 =	sld [smem:$0x3FDB];
	s0 =	simm.s32 @p2 $0x1  }
0x17: {  	s4 =	simm.s32 $0x1BF5;
	[smem:$0x3FB8] =	sst s0  }
0x18: {  	s0 =	sld [smem:$0x3F9B];
	_ =	swait.ge [sflag:s4], $0x0  }
0x19: {  	s7 =	sld [smem:$0x3F9C]  }
0x1a: {  	s8 =	sadd.s32 $0xFFFFE003, lr  }
0x1b: {  	s9 =	sadd.s32 $0xFFFFFEF7, lr;
	s5 =	simm.s32 $0xFFFFFFFF;
	p2 =	slt.u32 s8, $0xFFFFF086  }
0x1c: {  	p1 =	slt.u32 s9, $0xF7A;
	s5 =	simm.s32 @!p2 $0x0  }
0x1d: {  	s5 =	simm.s32 @p1 $0x1;
	p0 =	seq.s32 s7, s2  }
0x1e: {  	s7 =	smul.u32 @!p0 $0xF7A, s2;
	p2 =	seq.s32 @!p0 s5, $0x0  }
0x1f: {  	s9 =	smul.u32 $0xF7A, s1;
	s8 =	simm.s32 @!p0 $0x1BF5;
	p2 =	por !p2, p0  }
0x20: {  	[sflag:s8] =	ssyncset.s32 @!p0 $0xFFFFF086;
	s6 =	sadd.s32 @!p0 s3, s7;
	s7 =	simm.s32 @!p0 $0x108  }
0x21: {  	s3 =	sadd.s32 s3, s9;
	s6 =	sadd.s32 @!p0 $0x88, s6;
	s7 =	simm.s32 @p2 $0x1082  }
0x22: {  	[simem:s7], [sflag:s8] =	dma.local @!p0 [hbm:s6], $0xF7A  }
0x23: {  	s9 =	sor.u32 $0xD0000000, s2;
	s6 =	simm.s32 $0x108;
	_ =	swait.ge @!p0 [sflag:s8], $0x0  }
0x24: {  	s3 =	sadd.s32 $0x88, s3;
	s6 =	simm.s32 @!p1 $0x1082;
	[sflag:s4] =	ssyncset.s32 $0xFFFFF086  }
0x25: {  	[simem:s6], [sflag:s4] =	dma.local [hbm:s3], $0xF7A  }
0x26: {  	[smem:$0x3F9C] =	sst s1;
	(tag) =	ssettag s2;
	_ =	strace s9  }
0x27: {  	s1 =	sld [smem:$0x3FAC]  }
0x28: {  	s2 =	sld [smem:$0x3FAD]  }
0x29: {  	s4 =	sld [smem:$0x3FAF]  }
0x2a: {  	p0 =	seq.s32 s5, $0x0;
	s5 =	sld [smem:$0x3FB0]  }
0x2b: {  	s6 =	sld [smem:$0x3FB1]  }
0x2c: {  	s7 =	sld [smem:$0x3FB2]  }
0x2d: {  	s3 =	simm.s32 $0x108;
	s8 =	sld [smem:$0x3FB3]  }
0x2e: {  	s3 =	simm.s32 @!p0 $0x1082;
	s9 =	sld [smem:$0x3FB4]  }
0x2f: {  	lr =	sadd.s32 s0, s3;
	s0 =	sld [smem:$0x3FAB]  }
0x30: {  	s3 =	sld [smem:$0x3FAE]  }
0x31: {  	[smem:$0x3FB7] =	sst s10  }
0x32: {  	s10 =	sld [smem:$0x3FB5];
	_ =	sdelay $0x3  }
0x33: {  	p0 =	seq.s32 s10, $0x1;
	s10 =	sld [smem:$0x3FB7];
	_ =	sdelay $0x3  }
0x34: {  	[smem:$0x3FB7] =	sst s10  }
0x35: {  	s10 =	sld [smem:$0x3FB6];
	_ =	sdelay $0x3  }
0x36: {  	p1 =	seq.s32 s10, $0x1;
	s10 =	sld [smem:$0x3FB7];
	_ =	sdelay $0x3  }
0x37: {  	[smem:$0x3FB7] =	sst s10  }
0x38: {  	s10 =	sld [smem:$0x3FB8]  }
0x39: {  	_ = 	snop;
	(pc) =	sbr.ind lr, $3  }
0x3a: {  	_ = 	snop  }
0x3b: {  	_ = 	snop  }
0x3c: {  	p2 =	seq.s32 s10, $0x1;
	s10 =	sld [smem:$0x3FB7]  }
0x3d: {  	_ =	shalt  }
0x3e: {  	_ =	shalt  }
0x3f: {  	_ =	shalt  }
0x40: {  	_ =	shalt  }
0x41: {  	_ =	shalt  }
0x42: {  	_ =	shalt  }
0x43: {  	_ =	shalt  }
0x44: {  	_ =	shalt  }
0x45: {  	_ =	shalt  }
0x46: {  	_ =	shalt  }
0x47: {  	_ =	shalt  }
0x48: {  	_ =	shalt  }
0x49: {  	_ =	shalt  }
0x4a: {  	_ =	shalt  }
0x4b: {  	_ =	shalt  }
0x4c: {  	_ =	shalt  }
0x4d: {  	_ =	shalt  }
0x4e: {  	_ =	shalt  }
0x4f: {  	_ =	shalt  }
0x50: {  	_ =	shalt  }
0x51: {  	_ =	shalt  }
0x52: {  	_ =	shalt  }
0x53: {  	_ =	shalt  }
0x54: {  	_ =	shalt  }
0x55: {  	_ =	shalt  }
0x56: {  	_ =	shalt  }
0x57: {  	_ =	shalt  }
0x58: {  	_ =	shalt  }
0x59: {  	_ =	shalt  }
0x5a: {  	_ =	shalt  }
0x5b: {  	_ =	shalt  }
0x5c: {  	_ =	shalt  }
0x5d: {  	_ =	shalt  }
0x5e: {  	_ =	shalt  }
0x5f: {  	_ =	shalt  }
0x60: {  	_ =	shalt  }
0x61: {  	_ =	shalt  }
0x62: {  	_ =	shalt  }
0x63: {  	_ =	shalt  }
0x64: {  	_ =	shalt  }
0x65: {  	_ =	shalt  }
0x66: {  	_ =	shalt  }
0x67: {  	_ =	shalt  }
0x68: {  	_ =	shalt  }
0x69: {  	_ =	shalt  }
0x6a: {  	_ =	shalt  }
0x6b: {  	_ =	shalt  }
0x6c: {  	_ =	shalt  }
0x6d: {  	_ =	shalt  }
0x6e: {  	_ =	shalt  }
0x6f: {  	_ =	shalt  }
0x70: {  	_ =	shalt  }
0x71: {  	_ =	shalt  }
0x72: {  	_ =	shalt  }
0x73: {  	_ =	shalt  }
0x74: {  	_ =	shalt  }
0x75: {  	_ =	shalt  }
0x76: {  	_ =	shalt  }
0x77: {  	_ =	shalt  }
0x78: {  	_ =	shalt  }
0x79: {  	_ =	shalt  }
0x7a: {  	_ =	shalt  }
0x7b: {  	_ =	shalt  }
0x7c: {  	_ =	shalt  }
0x7d: {  	_ =	shalt  }
0x7e: {  	_ =	shalt  }
0x7f: {  	_ =	shalt  }
0x80: {  	_ =	shalt  }
0x81: {  	_ =	shalt  }
0x82: {  	_ =	shalt  }
0x83: {  	_ =	shalt  }
0x84: {  	_ =	shalt  }
0x85: {  	_ =	shalt  }
0x86: {  	_ =	shalt  }
0x87: {  	_ =	shalt  }
.Lfunc_end0:
.L_simem_size_0:
called_computation.1_lowered:
.L_overlay_start_0:
0x88: {  	s2 =	sld [smem:$0x3FD9]  }
0x89: {  	s3 =	sld [smem:$0x3FFE];
	_ =	sdelay $0x1  }
0x8a: {  	s1 =	srdreg.scid  }
0x8b: {  	s0 =	sand.u32 $0x1, s1  }
0x8c: {  	s17 =	sshll.u32 s0, $0xA;
	s2 =	sadd.s32 s3, s2  }
0x8d: {  	s2 =	sadd.s32 s2, s17  }
0x8e: {  	[smem:$0x3FC3] =	sst s2  }
0x8f: {  	_ = 	snop  }
0x90: {  	s2 =	sld [smem:$0x3FD0];
	(tm) =	ssettm $0x1  }
0x91: {  	s18 =	sld [smem:$0x3FFB];
	_ =	sdelay $0x3  }
0x92: {  	_ =	strace s18  }
0x93: {  	s3 =	sld [smem:$0x3FFC];
	_ =	sdelay $0x3  }
0x94: {  	_ =	strace s3  }
0x95: {  	s3 =	sld [smem:$0x3FFD];
	_ =	sdelay $0x3  }
0x96: {  	_ =	strace s3  }
0x97: {  	_ =	strace $0x8FFFFFFF  }
0x98: {  	s19 =	sld [smem:$0x3FDB];
	_ =	sdelay $0x1  }
0x99: {  	s4 =	simm.s32 $_scs_section_size  }
0x9a: {  	s5 =	simm.s32 $_size__tile_overlayer_lowered;
	s6 =	simm.s32 $_tile_overlayer_lowered  }
0x9b: {  	s22 =	simm.s32 $0x1BFF;
	s21 =	sshll.u32 s6, $0x1;
	s3 =	sadd.s32 s4, s19  }
0x9c: {  	s7 =	simm.s32 $0x0;
	s20 =	sshll.u32 s5, $0x1;
	s5 =	sadd.s32 s21, s3  }
0x9d: {  	[timem:s7], [sflag:s22] =	dma.local [hbm:s5], s20  }
0x9e: {  	_ =	swait.ge [sflag:s22], s20  }
0x9f: {  	s4 =	ssub.s32 $0x0, s20;
	[sflag:s22] =	ssyncset.done $0x0  }
0xa0: {  	[sflag:s22] =	ssyncadd.s32 s4;
	_ =	sdelay $0x1  }
0xa1: {  	s23 =	simm.s32 $0x1B8B  }
0xa2: {  	_ =	swait.ge [sflag:s23], $0x1  }
0xa3: {  	[sflag:s23] =	ssyncset.done $0x0  }
0xa4: {  	s25 =	simm.s32 $0x1B8E;
	s24 =	sld [smem:$0x3FFE];
	[sflag:s23] =	ssyncadd.s32 $0xFFFFFFFF  }
0xa5: {  	s26 =	simm.s32 $execute0_lowered;
	[smem:$0x3FD2] =	sst s25  }
0xa6: {  	s5 =	sshll.u32 s26, $0x1;
	_ =	strace $0x80000049;
	[dreg:$0x1] =	wrdreg $0xFFFFFFFF  }
0xa7: {  	s28 =	simm.s32 $_size_execute0_lowered;
	s3 =	sadd.s32 s3, s5;
	[dreg:$0x0] =	wrdreg $0x0  }
0xa8: {  	s5 =	sshll.u32 s28, $0x1;
	[dreg:$0x2] =	wrdreg s3  }
0xa9: {  	[dreg:$0x3] =	wrdreg s5  }
0xaa: {  	[dreg:$0x4] =	wrdreg $0xC0  }
0xab: {  	_ =	task [dreg:s7], $0x5FFFF  }
0xac: {  	[dreg:$0x1] =	wrdreg $0xFFFFFFFF  }
0xad: {  	[dreg:$0x0] =	wrdreg $0x60  }
0xae: {  	[dreg:$0x2] =	wrdreg s24  }
0xaf: {  	[dreg:$0x3] =	wrdreg s2  }
0xb0: {  	[dreg:$0x4] =	wrdreg $0x9  }
0xb1: {  	_ =	task.clear_ibuf [dreg:s7], $0x5FFFF;
	_ =	strace $0x90000049  }
0xb2: {  	s29 =	simm.s32 $0x9;
	_ =	strace $0x8000004B  }
0xb3: {  	_ =	swait.ge [sflag:s29], $0x1  }
0xb4: {  	[sflag:s29] =	ssyncadd.s32 $0xFFFFFFFF  }
0xb5: {  	_ =	strace $0x9000004B  }
0xb6: {  	_ =	sfence  }
0xb7: {  	s30 =	sld [smem:$0x0];
	_ =	sdelay $0x2  }
0xb8: {  	s31 =	sshll.u32 s1, $0xD;
	s1 =	sshrl.u32 s1, $0x2  }
0xb9: {  	s3 =	sand.u32 $0x4000, s31;
	s1 =	sadd.s32 s1, s30  }
0xba: {  	s0 =	sor.u32 s3, s0;
	s1 =	sshll.u32 s1, $0x11  }
0xbb: {  	s0 =	sor.u32 s1, s0  }
0xbc: {  	s0 =	sadd.s32 $0x8F2B, s0  }
0xbd: {  	[sflag:s0] =	ssyncadd.remote.s32 $0x1  }
0xbe: {  	_ =	sfence.sel $0xFFFF  }
0xbf: {  	[dreg:$0x0] =	wrdreg $0xFFFFFFFF;
	(pc) =	sbr.abs _section_cstart, $3  }
0xc0: {  	[dreg:$0x1] =	wrdreg $0xFFFFFFFF  }
0xc1: {  	_ =	task.clear_ibuf [dreg:s7], $0x2FFFF;
	_ =	strace $0x9FFFFFFF  }
0xc2: {  	(tm) =	ssettm $0x7FFFFFFF  }
0xc3: {  	_ =	shalt  }
tec
execute0_lowered:
.L_overlay_start_1:
0x0: {  	(tag) =	ssettag $0x1  }
0x1: {  	s0 =	rddreg [dreg:$0x0]  }
0x2: {  	s2 =	rddreg [dreg:$0x1];
	s1 =	simm.s32 $0x0  }
0x3: {  	s5 =	srdreg.scid;
	s8 =	stileid.u32;
	s14 =	simm.s32 $0xA900  }
0x4: {  	s15 =	simm.s32 $0xB900;
	s16 =	simm.s32 $0xD100;
	s17 =	simm.s32 $0xE100  }
0x5: {  	s28 =	simm.s32 $0xF100;
	s29 =	simm.s32 $0xF900;
	s30 =	simm.s32 $0x1  }
0x6: {  	s31 =	simm.s32 $0x2;
	[smem:$0x7FF] =	sst s1;
	s3 =	sadd.s32 $0xCA200, s0  }
0x7: {  	s4 =	sadd.s32 $0x11E00, s0;
	s6 =	sadd.s32 $0x12000, s0;
	s5 =	sand.u32 $0x1, s5  }
0x8: {  	s8 =	sshll.u32 s8, $0x7;
	s11 =	sadd.s32 $0x1400, s0;
	s12 =	sadd.s32 $0x9400, s0  }
0x9: {  	s10 =	sadd.s32 $0xCA500, s0;
	s7 =	ssub.s32 $0x2, s5;
	s5 =	sshll.u32 s5, $0x6  }
0xa: {  	_ =	strace $0x8000004A;
	s9 =	sshrl.u32 s7, $0x1;
	s5 =	sor.u32 s5, s8  }
0xb: {  	s7 =	ssub.s32 s7, s9;
	s8 =	sshrl.u32 s5, $0x3;
	s19 =	sshll.u32 s5, $0x4  }
0xc: {  	s9 =	sadd.s32 $0xCA400, s0;
	s13 =	sshll.u32 s5, $0x7;
	s5 =	sor.u32 $0x20, s5  }
0xd: {  	s18 =	sadd.s32 s4, s8;
	s8 =	sadd.s32 s6, s8;
	s20 =	sadd.s32 s11, s19  }
0xe: {  	s21 =	sadd.s32 s2, s13;
	s22 =	sshrl.u32 s5, $0x3;
	[dreg:$0x3] =	wrdreg s18  }
0xf: {  	s23 =	sshll.u32 s5, $0x4;
	s25 =	sshll.u32 s5, $0x7;
	[dreg:$0x4] =	wrdreg s8  }
0x10: {  	s26 =	smax.u32 s7, $0x1;
	[dreg:$0x5] =	wrdreg s20;
	s8 =	sadd.s32 s12, s19  }
0x11: {  	[dreg:$0x7] =	wrdreg s21;
	s4 =	sadd.s32 s4, s22;
	s24 =	sadd.s32 s11, s23  }
0x12: {  	[dreg:$0xd] =	wrdreg s26;
	s18 =	simm.s32 $0x3;
	s20 =	simm.s32 $0x80  }
0x13: {  	s21 =	simm.s32 $0xA100;
	s26 =	simm.s32 $0xE900;
	[dreg:$0x6] =	wrdreg s8  }
0x14: {  	s8 =	sadd.s32 $0xCA300, s0;
	[dreg:$0x8] =	wrdreg s4;
	s0 =	sadd.s32 s6, s22  }
0x15: {  	[dreg:$0xa] =	wrdreg s24;
	s22 =	simm.s32 $0xB100;
	s24 =	simm.s32 $0xC900  }
0x16: {  	v2 =	vlaneseq.u32;
	[dreg:$0x9] =	wrdreg s0;
	s0 =	sadd.s32 s12, s23;
	s23 =	simm.s32 $0xC100  }
0x17: {  	vm0 =	vmmov $0xffff;
	v1 =	vshrl.u32 v2, $0x3;
	[dreg:$0xb] =	wrdreg s0;
	s0 =	sadd.s32 s2, s25;
	s25 =	simm.s32 $0xD900  }
0x18: {  	v0 =	vand.u32 $0x7, v2;
	v2 =	vor.u32 $0x8, v2;
	v1 =	vmul.u32 $0x8, v1;
	s2 =	simm.s32 $0x0;
	[dreg:$0xc] =	wrdreg s0;
	s0 =	simm.s32 $0x10100  }
.LBB2_1:
0x19: {  	s4 =	rddreg [dreg:$0x3]  }
0x1a: {  	[tilespmem:s1], [sflag:$0x3] =	stream.linear.gather [hbm4b:s4+s1], $0x20, $0x38;
	[tilespmem:$0x1A100] =	vst v63  }
0x1b: {  	_ =	swait.ge [sflag:s18], $0x20  }
0x1c: {  	[sflag:s18] =	ssyncset.done $0x0  }
0x1d: {  	s11 =	rddreg [dreg:$0x4];
	[sflag:s18] =	ssyncadd.s32 $0xFFFFFFE0  }
0x1e: {  	[tilespmem:s20], [sflag:$0x3] =	stream.linear.gather [hbm4b:s11+s1], $0x20, $0x38;
	[tilespmem:$0x1A100] =	vst v63  }
0x1f: {  	_ =	swait.ge [sflag:s18], $0x20  }
0x20: {  	[sflag:s18] =	ssyncset.done $0x0  }
0x21: {  	s5 =	simm.s32 $0x18100;
	s12 =	rddreg [dreg:$0x5];
	[sflag:s18] =	ssyncadd.s32 $0xFFFFFFE0  }
0x22: {  	[tilespmem:s5], [sflag:$0x3] =	stream.linear.gather [hbm4b:s12+s1], $0x1000, $0x38;
	[tilespmem:$0x1A100] =	vst v63  }
0x23: {  	_ =	swait.ge [sflag:s18], $0x1000  }
0x24: {  	[sflag:s18] =	ssyncset.done $0x0  }
0x25: {  	s19 =	simm.s32 $0x19100;
	s13 =	rddreg [dreg:$0x6];
	[sflag:s18] =	ssyncadd.s32 $0xFFFFF000  }
0x26: {  	[tilespmem:s19], [sflag:$0x3] =	stream.linear.gather [hbm4b:s13+s1], $0x1000, $0x38;
	[tilespmem:$0x1A100] =	vst v63  }
0x27: {  	_ =	swait.ge [sflag:s18], $0x1000  }
0x28: {  	[sflag:s18] =	ssyncset.done $0x0  }
0x29: {  	[sflag:s18] =	ssyncadd.s32 $0xFFFFF000  }
0x2a: {  	v3 =	vld [tilespmem:$0x0];
	_ =	sdelay $0x4  }
0x2b: {  	v4 =	vshll.u32 v3, $0x3  }
0x2c: {  	v3 =	vand.u32 $0x7, v3;
	v4 =	vand.u32 $0xFFFFFFC0, v4  }
0x2d: {  	v3 =	vor.u32 v3, v4  }
0x2e: {  	v4 =	vperm.xlane v3, v0;
	_ =	sdelay $0x1  }
0x2f: {  	v4 =	vadd.s32 v1, v4;
	_ =	sdelay $0x3  }
0x30: {  	s6 =	simm.s32 $0x100  }
0x31: {  	[tilespmem:s6], [sflag:$0x1] =	stream.indirect_vreg.gather [hbm4b:s3+s1], $0x80, v4, vm0, $0xb8;
	[tilespmem:$0x1A100] =	vst v63  }
0x32: {  	s7 =	simm.s32 $0x900;
	v3 =	vperm.xlane v3, v2  }
0x33: {  	[tilespmem:s7], [sflag:$0x1] =	stream.indirect_vreg.gather [hbm4b:s8+s1], $0x80, v4, vm0, $0xb8;
	[tilespmem:$0x1A100] =	vst v63  }
0x34: {  	s11 =	simm.s32 $0x1100;
	v3 =	vadd.s32 v1, v3  }
0x35: {  	[tilespmem:s11], [sflag:$0x1] =	stream.indirect_vreg.gather [hbm4b:s9+s1], $0x80, v4, vm0, $0xb8;
	[tilespmem:$0x1A100] =	vst v63  }
0x36: {  	s12 =	simm.s32 $0x1900  }
0x37: {  	[tilespmem:s12], [sflag:$0x1] =	stream.indirect_vreg.gather [hbm4b:s10+s1], $0x80, v4, vm0, $0xb8;
	[tilespmem:$0x1A100] =	vst v63  }
0x38: {  	s13 =	simm.s32 $0x2100  }
0x39: {  	[tilespmem:s13], [sflag:$0x1] =	stream.indirect_vreg.gather [hbm4b:s3+s1], $0x80, v3, vm0, $0xb8;
	[tilespmem:$0x1A100] =	vst v63  }
0x3a: {  	s19 =	simm.s32 $0x2900  }
0x3b: {  	[tilespmem:s19], [sflag:$0x1] =	stream.indirect_vreg.gather [hbm4b:s8+s1], $0x80, v3, vm0, $0xb8;
	[tilespmem:$0x1A100] =	vst v63  }
0x3c: {  	s5 =	simm.s32 $0x3100  }
0x3d: {  	[tilespmem:s5], [sflag:$0x1] =	stream.indirect_vreg.gather [hbm4b:s9+s1], $0x80, v3, vm0, $0xb8;
	[tilespmem:$0x1A100] =	vst v63  }
0x3e: {  	s6 =	simm.s32 $0x3900  }
0x3f: {  	[tilespmem:s6], [sflag:$0x1] =	stream.indirect_vreg.gather [hbm4b:s10+s1], $0x80, v3, vm0, $0xb8;
	[tilespmem:$0x1A100] =	vst v63  }
0x40: {  	v3 =	vld [tilespmem:$0x10];
	_ =	sdelay $0x4  }
0x41: {  	v61 =	vshll.u32 v3, $0x3  }
0x42: {  	v3 =	vand.u32 $0x7, v3;
	v4 =	vand.u32 $0xFFFFFFC0, v61  }
0x43: {  	v3 =	vor.u32 v3, v4  }
0x44: {  	v4 =	vperm.xlane v3, v0;
	_ =	sdelay $0x1  }
0x45: {  	v4 =	vadd.s32 v1, v4;
	_ =	sdelay $0x3  }
0x46: {  	s7 =	simm.s32 $0x4100  }
0x47: {  	[tilespmem:s7], [sflag:$0x1] =	stream.indirect_vreg.gather [hbm4b:s3+s1], $0x80, v4, vm0, $0xb8;
	[tilespmem:$0x1A100] =	vst v63  }
0x48: {  	s11 =	simm.s32 $0x4900;
	v3 =	vperm.xlane v3, v2  }
0x49: {  	[tilespmem:s11], [sflag:$0x1] =	stream.indirect_vreg.gather [hbm4b:s8+s1], $0x80, v4, vm0, $0xb8;
	[tilespmem:$0x1A100] =	vst v63  }
0x4a: {  	s12 =	simm.s32 $0x5100;
	v3 =	vadd.s32 v1, v3  }
0x4b: {  	[tilespmem:s12], [sflag:$0x1] =	stream.indirect_vreg.gather [hbm4b:s9+s1], $0x80, v4, vm0, $0xb8;
	[tilespmem:$0x1A100] =	vst v63  }
0x4c: {  	s13 =	simm.s32 $0x5900  }
0x4d: {  	[tilespmem:s13], [sflag:$0x1] =	stream.indirect_vreg.gather [hbm4b:s10+s1], $0x80, v4, vm0, $0xb8;
	[tilespmem:$0x1A100] =	vst v63  }
0x4e: {  	s19 =	simm.s32 $0x6100  }
0x4f: {  	[tilespmem:s19], [sflag:$0x1] =	stream.indirect_vreg.gather [hbm4b:s3+s1], $0x80, v3, vm0, $0xb8;
	[tilespmem:$0x1A100] =	vst v63  }
0x50: {  	s5 =	simm.s32 $0x6900  }
0x51: {  	[tilespmem:s5], [sflag:$0x1] =	stream.indirect_vreg.gather [hbm4b:s8+s1], $0x80, v3, vm0, $0xb8;
	[tilespmem:$0x1A100] =	vst v63  }
0x52: {  	s6 =	simm.s32 $0x7100  }
0x53: {  	[tilespmem:s6], [sflag:$0x1] =	stream.indirect_vreg.gather [hbm4b:s9+s1], $0x80, v3, vm0, $0xb8;
	[tilespmem:$0x1A100] =	vst v63  }
0x54: {  	s7 =	simm.s32 $0x7900  }
0x55: {  	[tilespmem:s7], [sflag:$0x1] =	stream.indirect_vreg.gather [hbm4b:s10+s1], $0x80, v3, vm0, $0xb8;
	[tilespmem:$0x1A100] =	vst v63  }
0x56: {  	v3 =	vld [tilespmem:$0x80];
	_ =	sdelay $0x4  }
0x57: {  	v62 =	vshll.u32 v3, $0x3  }
0x58: {  	v3 =	vand.u32 $0x7, v3;
	v4 =	vand.u32 $0xFFFFFFC0, v62  }
0x59: {  	v3 =	vor.u32 v3, v4  }
0x5a: {  	v4 =	vperm.xlane v3, v0;
	_ =	sdelay $0x1  }
0x5b: {  	v4 =	vadd.s32 v1, v4;
	_ =	sdelay $0x3  }
0x5c: {  	s11 =	simm.s32 $0x8100  }
0x5d: {  	[tilespmem:s11], [sflag:$0x2] =	stream.indirect_vreg.gather [hbm4b:s3+s1], $0x80, v4, vm0, $0xb8;
	[tilespmem:$0x1A100] =	vst v63  }
0x5e: {  	s12 =	simm.s32 $0x8900;
	v3 =	vperm.xlane v3, v2  }
0x5f: {  	[tilespmem:s12], [sflag:$0x2] =	stream.indirect_vreg.gather [hbm4b:s8+s1], $0x80, v4, vm0, $0xb8;
	[tilespmem:$0x1A100] =	vst v63  }
0x60: {  	s13 =	simm.s32 $0x9100;
	v3 =	vadd.s32 v1, v3  }
0x61: {  	[tilespmem:s13], [sflag:$0x2] =	stream.indirect_vreg.gather [hbm4b:s9+s1], $0x80, v4, vm0, $0xb8;
	[tilespmem:$0x1A100] =	vst v63  }
0x62: {  	s19 =	simm.s32 $0x9900  }
0x63: {  	[tilespmem:s19], [sflag:$0x2] =	stream.indirect_vreg.gather [hbm4b:s10+s1], $0x80, v4, vm0, $0xb8;
	[tilespmem:$0x1A100] =	vst v63  }
0x64: {  	_ = 	snop  }
0x65: {  	[tilespmem:s21], [sflag:$0x2] =	stream.indirect_vreg.gather [hbm4b:s3+s1], $0x80, v3, vm0, $0xb8;
	[tilespmem:$0x1A100] =	vst v63  }
0x66: {  	_ = 	snop  }
0x67: {  	[tilespmem:s14], [sflag:$0x2] =	stream.indirect_vreg.gather [hbm4b:s8+s1], $0x80, v3, vm0, $0xb8;
	[tilespmem:$0x1A100] =	vst v63  }
0x68: {  	_ = 	snop  }
0x69: {  	[tilespmem:s22], [sflag:$0x2] =	stream.indirect_vreg.gather [hbm4b:s9+s1], $0x80, v3, vm0, $0xb8;
	[tilespmem:$0x1A100] =	vst v63  }
0x6a: {  	_ = 	snop  }
0x6b: {  	[tilespmem:s15], [sflag:$0x2] =	stream.indirect_vreg.gather [hbm4b:s10+s1], $0x80, v3, vm0, $0xb8;
	[tilespmem:$0x1A100] =	vst v63  }
0x6c: {  	v3 =	vld [tilespmem:$0x90];
	_ =	sdelay $0x4  }
0x6d: {  	v63 =	vshll.u32 v3, $0x3  }
0x6e: {  	v3 =	vand.u32 $0x7, v3;
	v4 =	vand.u32 $0xFFFFFFC0, v63  }
0x6f: {  	v3 =	vor.u32 v3, v4  }
0x70: {  	v4 =	vperm.xlane v3, v0;
	_ =	sdelay $0x1  }
0x71: {  	v4 =	vadd.s32 v1, v4;
	_ =	sdelay $0x4  }
0x72: {  	[tilespmem:s23], [sflag:$0x2] =	stream.indirect_vreg.gather [hbm4b:s3+s1], $0x80, v4, vm0, $0xb8;
	[tilespmem:$0x1A100] =	vst v63  }
0x73: {  	v3 =	vperm.xlane v3, v2  }
0x74: {  	[tilespmem:s24], [sflag:$0x2] =	stream.indirect_vreg.gather [hbm4b:s8+s1], $0x80, v4, vm0, $0xb8;
	[tilespmem:$0x1A100] =	vst v63  }
0x75: {  	v3 =	vadd.s32 v1, v3  }
0x76: {  	[tilespmem:s16], [sflag:$0x2] =	stream.indirect_vreg.gather [hbm4b:s9+s1], $0x80, v4, vm0, $0xb8;
	[tilespmem:$0x1A100] =	vst v63  }
0x77: {  	_ = 	snop  }
0x78: {  	[tilespmem:s25], [sflag:$0x2] =	stream.indirect_vreg.gather [hbm4b:s10+s1], $0x80, v4, vm0, $0xb8;
	[tilespmem:$0x1A100] =	vst v63  }
0x79: {  	_ = 	snop  }
0x7a: {  	[tilespmem:s17], [sflag:$0x2] =	stream.indirect_vreg.gather [hbm4b:s3+s1], $0x80, v3, vm0, $0xb8;
	[tilespmem:$0x1A100] =	vst v63  }
0x7b: {  	_ = 	snop  }
0x7c: {  	[tilespmem:s26], [sflag:$0x2] =	stream.indirect_vreg.gather [hbm4b:s8+s1], $0x80, v3, vm0, $0xb8;
	[tilespmem:$0x1A100] =	vst v63  }
0x7d: {  	_ = 	snop  }
0x7e: {  	[tilespmem:s28], [sflag:$0x2] =	stream.indirect_vreg.gather [hbm4b:s9+s1], $0x80, v3, vm0, $0xb8;
	[tilespmem:$0x1A100] =	vst v63  }
0x7f: {  	_ = 	snop  }
0x80: {  	[tilespmem:s29], [sflag:$0x2] =	stream.indirect_vreg.gather [hbm4b:s10+s1], $0x80, v3, vm0, $0xb8;
	[tilespmem:$0x1A100] =	vst v63  }
0x81: {  	_ =	swait.ge [sflag:s30], $0x8000  }
0x82: {  	[sflag:s30] =	ssyncset.done $0x0  }
0x83: {  	[sflag:s30] =	ssyncadd.s32 $0xFFFF8000  }
0x84: {  	_ =	swait.ge [sflag:s31], $0x8000  }
0x85: {  	[sflag:s31] =	ssyncset.done $0x0  }
0x86: {  	s4 =	simm.s32 $0x0;
	[sflag:s31] =	ssyncadd.s32 $0xFFFF8000  }
.LBB2_2:
0x87: {  	s5 =	sshll.u32 s4, $0x7;
	s6 =	sshll.u32 s4, $0xA  }
0x88: {  	s11 =	simm.s32 $0x0;
	s6 =	sand.u32 $0x6000, s6;
	s7 =	sand.u32 $0x380, s5  }
0x89: {  	s19 =	sand.u32 $0x40, s11;
	s6 =	sor.u32 s6, s7  }
0x8a: {  	v3 =	vld [tilespmem:s5+$0x18100];
	s11 =	sand.u32 $0x1C00, s11;
	s7 =	sor.u32 s19, s6  }
0x8b: {  	v4 =	vld [tilespmem:s5+$0x19100];
	s7 =	sor.u32 s11, s7  }
0x8c: {  	v5 =	vld [tilespmem:s7+$0x130]  }
0x8d: {  	v6 =	vld [tilespmem:s7+$0x8130]  }
0x8e: {  	v7 =	vld [tilespmem:s7+$0x100]  }
0x8f: {  	v8 =	vld [tilespmem:s7+$0x8100]  }
0x90: {  	s12 =	simm.s32 $0x40;
	v9 =	vld [tilespmem:s7+$0x110]  }
0x91: {  	s13 =	simm.s32 $0x200;
	s5 =	sand.u32 $0x40, s12;
	v10 =	vld [tilespmem:s7+$0x8110]  }
0x92: {  	s5 =	sor.u32 s5, s6;
	s11 =	sand.u32 $0x1C00, s13;
	v11 =	vld [tilespmem:s7+$0x120];
	v5 =	vmul.f32 v5, v3;
	v6 =	vmul.f32 v6, v4  }
0x93: {  	s5 =	sor.u32 s11, s5;
	v12 =	vld [tilespmem:s7+$0x8120]  }
0x94: {  	v13 =	vld [tilespmem:s5+$0x130];
	v7 =	vmul.f32 v7, v3;
	v8 =	vmul.f32 v8, v4;
	v5 =	vadd.f32 v6, v5  }
0x95: {  	v14 =	vld [tilespmem:s5+$0x8130]  }
0x96: {  	v9 =	vmul.f32 v9, v3;
	v10 =	vmul.f32 v10, v4;
	v6 =	vld [tilespmem:s5+$0x100];
	v7 =	vadd.f32 v8, v7;
	[tilespmem:s7+$0x10130] =	vst v5  }
0x97: {  	v8 =	vld [tilespmem:s5+$0x8100]  }
0x98: {  	s19 =	simm.s32 $0x80;
	v15 =	vmul.f32 v11, v3;
	v12 =	vmul.f32 v12, v4;
	v16 =	vadd.f32 v10, v9;
	v5 =	vld [tilespmem:s5+$0x110];
	[tilespmem:s7+$0x10100] =	vst v7  }
0x99: {  	s12 =	sand.u32 $0x40, s19;
	s11 =	simm.s32 $0x400;
	v9 =	vld [tilespmem:s5+$0x8110]  }
0x9a: {  	s13 =	sor.u32 s12, s6;
	s12 =	simm.s32 $0xC0;
	s19 =	sand.u32 $0x1C00, s11;
	v11 =	vmul.f32 v14, v4;
	v10 =	vmul.f32 v13, v3;
	v12 =	vadd.f32 v12, v15;
	v7 =	vld [tilespmem:s5+$0x120];
	[tilespmem:s7+$0x10110] =	vst v16  }
.LBB2_3:
0x9b: {  	p0 =	sne.s32 s12, $0x3C0;
	s13 =	sor.u32 s19, s13;
	v13 =	vmul.f32 v6, v3;
	v14 =	vld [tilespmem:s5+$0x8120]  }
0x9c: {  	v15 =	vld [tilespmem:s13+$0x130];
	v8 =	vmul.f32 v8, v4;
	v10 =	vadd.f32 v11, v10;
	[tilespmem:s7+$0x10120] =	vst v12;
	s7 =	smov.u32 s5;
	s5 =	smov.u32 s13  }
0x9d: {  	v11 =	vld [tilespmem:s5+$0x8130];
	v12 =	vmul.f32 v5, v3  }
.Ltmp0:
0x9e: {  	v6 =	vld [tilespmem:s5+$0x100];
	v13 =	vadd.f32 v8, v13;
	v9 =	vmul.f32 v9, v4;
	[tilespmem:s7+$0x10130] =	vst v10;
	(pc) =	sbr.rel @p0 .LBB2_3-.Ltmp0, $4  }
0x9f: {  	v8 =	vld [tilespmem:s5+$0x8100];
	v16 =	vmul.f32 v7, v3  }
0xa0: {  	v5 =	vld [tilespmem:s5+$0x110];
	[tilespmem:s7+$0x10100] =	vst v13;
	v12 =	vadd.f32 v9, v12;
	v13 =	vmul.f32 v14, v4  }
0xa1: {  	s11 =	sadd.s32 $0x200, s11;
	s13 =	sand.u32 $0x40, s12;
	v9 =	vld [tilespmem:s5+$0x8110]  }
0xa2: {  	s19 =	sand.u32 $0x1C00, s11;
	s12 =	sadd.s32 $0x40, s12;
	s13 =	sor.u32 s13, s6;
	v10 =	vmul.f32 v15, v3;
	v7 =	vld [tilespmem:s5+$0x120];
	v11 =	vmul.f32 v11, v4;
	[tilespmem:s7+$0x10110] =	vst v12;
	v12 =	vadd.f32 v13, v16  }
0xa3: {  	s6 =	sor.u32 s19, s13;
	v13 =	vld [tilespmem:s5+$0x8120]  }
0xa4: {  	v6 =	vmul.f32 v6, v3;
	v14 =	vld [tilespmem:s6+$0x130];
	[tilespmem:s7+$0x10120] =	vst v12;
	v10 =	vadd.f32 v11, v10;
	v8 =	vmul.f32 v8, v4  }
0xa5: {  	v58 =	vld [tilespmem:s6+$0x8130]  }
0xa6: {  	v12 =	vld [tilespmem:s6+$0x100];
	v5 =	vmul.f32 v5, v3;
	[tilespmem:s5+$0x10130] =	vst v10;
	v6 =	vadd.f32 v8, v6;
	v9 =	vmul.f32 v9, v4  }
0xa7: {  	v59 =	vld [tilespmem:s6+$0x8100]  }
0xa8: {  	v10 =	vld [tilespmem:s6+$0x110];
	[tilespmem:s5+$0x10100] =	vst v6;
	v5 =	vadd.f32 v9, v5  }
0xa9: {  	v6 =	vld [tilespmem:s6+$0x8110]  }
0xaa: {  	v60 =	vld [tilespmem:s6+$0x120];
	[tilespmem:s5+$0x10110] =	vst v5  }
0xab: {  	v5 =	vld [tilespmem:s6+$0x8120]  }
0xac: {  	v7 =	vmul.f32 v7, v3;
	v13 =	vmul.f32 v13, v4  }
0xad: {  	v14 =	vmul.f32 v14, v3;
	v11 =	vmul.f32 v58, v4  }
0xae: {  	s4 =	sadd.s32 $0x1, s4;
	v7 =	vadd.f32 v13, v7;
	v12 =	vmul.f32 v12, v3;
	v8 =	vmul.f32 v59, v4  }
0xaf: {  	p0 =	sne.s32 s4, $0x20;
	v11 =	vadd.f32 v11, v14;
	v10 =	vmul.f32 v10, v3;
	v6 =	vmul.f32 v6, v4  }
.Ltmp1:
0xb0: {  	[tilespmem:s5+$0x10120] =	vst v7;
	v61 =	vadd.f32 v8, v12;
	v3 =	vmul.f32 v60, v3;
	v62 =	vmul.f32 v5, v4;
	(pc) =	sbr.rel @p0 .LBB2_2-.Ltmp1, $4  }
0xb1: {  	[tilespmem:s6+$0x10130] =	vst v11;
	v63 =	vadd.f32 v6, v10  }
0xb2: {  	[tilespmem:s6+$0x10100] =	vst v61;
	v3 =	vadd.f32 v62, v3  }
0xb3: {  	[tilespmem:s6+$0x10110] =	vst v63  }
0xb4: {  	[tilespmem:s6+$0x10120] =	vst v3  }
0xb5: {  	s4 =	simm.s32 $0x0;
	s5 =	rddreg [dreg:$0x7]  }
0xb6: {  	[hbm4b:s5+s4] =	stream.linear.scatter [tilespmem:s0], [sflag:$0x3], $0x8000, $0x38;
	[tilespmem:$0x1A100] =	vst v63  }
0xb7: {  	_ =	swait.ge [sflag:s18], $0x8000  }
0xb8: {  	[sflag:s18] =	ssyncset.done $0x0  }
0xb9: {  	s11 =	rddreg [dreg:$0x8];
	[sflag:s18] =	ssyncadd.s32 $0xFFFF8000  }
0xba: {  	[tilespmem:s4], [sflag:$0x3] =	stream.linear.gather [hbm4b:s11+s4], $0x20, $0x38;
	[tilespmem:$0x1A100] =	vst v63  }
0xbb: {  	_ =	swait.ge [sflag:s18], $0x20  }
0xbc: {  	[sflag:s18] =	ssyncset.done $0x0  }
0xbd: {  	s12 =	rddreg [dreg:$0x9];
	[sflag:s18] =	ssyncadd.s32 $0xFFFFFFE0  }
0xbe: {  	[tilespmem:s20], [sflag:$0x3] =	stream.linear.gather [hbm4b:s12+s4], $0x20, $0x38;
	[tilespmem:$0x1A100] =	vst v63  }
0xbf: {  	_ =	swait.ge [sflag:s18], $0x20  }
0xc0: {  	[sflag:s18] =	ssyncset.done $0x0  }
0xc1: {  	s6 =	simm.s32 $0x18100;
	s13 =	rddreg [dreg:$0xa];
	[sflag:s18] =	ssyncadd.s32 $0xFFFFFFE0  }
0xc2: {  	[tilespmem:s6], [sflag:$0x3] =	stream.linear.gather [hbm4b:s13+s4], $0x1000, $0x38;
	[tilespmem:$0x1A100] =	vst v63  }
0xc3: {  	_ =	swait.ge [sflag:s18], $0x1000  }
0xc4: {  	[sflag:s18] =	ssyncset.done $0x0  }
0xc5: {  	s20 =	simm.s32 $0x19100;
	s19 =	rddreg [dreg:$0xb];
	[sflag:s18] =	ssyncadd.s32 $0xFFFFF000  }
0xc6: {  	[tilespmem:s20], [sflag:$0x3] =	stream.linear.gather [hbm4b:s19+s4], $0x1000, $0x38;
	[tilespmem:$0x1A100] =	vst v63  }
0xc7: {  	_ =	swait.ge [sflag:s18], $0x1000  }
0xc8: {  	[sflag:s18] =	ssyncset.done $0x0  }
0xc9: {  	[sflag:s18] =	ssyncadd.s32 $0xFFFFF000  }
0xca: {  	v3 =	vld [tilespmem:$0x0];
	_ =	sdelay $0x4  }
0xcb: {  	v4 =	vshll.u32 v3, $0x3  }
0xcc: {  	v3 =	vand.u32 $0x7, v3;
	v4 =	vand.u32 $0xFFFFFFC0, v4  }
0xcd: {  	v3 =	vor.u32 v3, v4  }
0xce: {  	v4 =	vperm.xlane v3, v0;
	_ =	sdelay $0x1  }
0xcf: {  	v4 =	vadd.s32 v1, v4;
	_ =	sdelay $0x3  }
0xd0: {  	s7 =	simm.s32 $0x100  }
0xd1: {  	[tilespmem:s7], [sflag:$0x1] =	stream.indirect_vreg.gather [hbm4b:s3+s4], $0x80, v4, vm0, $0xb8;
	[tilespmem:$0x1A100] =	vst v63  }
0xd2: {  	s11 =	simm.s32 $0x900;
	v3 =	vperm.xlane v3, v2  }
0xd3: {  	[tilespmem:s11], [sflag:$0x1] =	stream.indirect_vreg.gather [hbm4b:s8+s4], $0x80, v4, vm0, $0xb8;
	[tilespmem:$0x1A100] =	vst v63  }
0xd4: {  	s12 =	simm.s32 $0x1100;
	v3 =	vadd.s32 v1, v3  }
0xd5: {  	[tilespmem:s12], [sflag:$0x1] =	stream.indirect_vreg.gather [hbm4b:s9+s4], $0x80, v4, vm0, $0xb8;
	[tilespmem:$0x1A100] =	vst v63  }
0xd6: {  	s13 =	simm.s32 $0x1900  }
0xd7: {  	[tilespmem:s13], [sflag:$0x1] =	stream.indirect_vreg.gather [hbm4b:s10+s4], $0x80, v4, vm0, $0xb8;
	[tilespmem:$0x1A100] =	vst v63  }
0xd8: {  	s19 =	simm.s32 $0x2100  }
0xd9: {  	[tilespmem:s19], [sflag:$0x1] =	stream.indirect_vreg.gather [hbm4b:s3+s4], $0x80, v3, vm0, $0xb8;
	[tilespmem:$0x1A100] =	vst v63  }
0xda: {  	s20 =	simm.s32 $0x2900  }
0xdb: {  	[tilespmem:s20], [sflag:$0x1] =	stream.indirect_vreg.gather [hbm4b:s8+s4], $0x80, v3, vm0, $0xb8;
	[tilespmem:$0x1A100] =	vst v63  }
0xdc: {  	s6 =	simm.s32 $0x3100  }
0xdd: {  	[tilespmem:s6], [sflag:$0x1] =	stream.indirect_vreg.gather [hbm4b:s9+s4], $0x80, v3, vm0, $0xb8;
	[tilespmem:$0x1A100] =	vst v63  }
0xde: {  	s7 =	simm.s32 $0x3900  }
0xdf: {  	[tilespmem:s7], [sflag:$0x1] =	stream.indirect_vreg.gather [hbm4b:s10+s4], $0x80, v3, vm0, $0xb8;
	[tilespmem:$0x1A100] =	vst v63  }
0xe0: {  	v3 =	vld [tilespmem:$0x10];
	_ =	sdelay $0x4  }
0xe1: {  	v61 =	vshll.u32 v3, $0x3  }
0xe2: {  	v3 =	vand.u32 $0x7, v3;
	v4 =	vand.u32 $0xFFFFFFC0, v61  }
0xe3: {  	v3 =	vor.u32 v3, v4  }
0xe4: {  	v4 =	vperm.xlane v3, v0;
	_ =	sdelay $0x1  }
0xe5: {  	v4 =	vadd.s32 v1, v4;
	_ =	sdelay $0x3  }
0xe6: {  	s11 =	simm.s32 $0x4100  }
0xe7: {  	[tilespmem:s11], [sflag:$0x1] =	stream.indirect_vreg.gather [hbm4b:s3+s4], $0x80, v4, vm0, $0xb8;
	[tilespmem:$0x1A100] =	vst v63  }
0xe8: {  	s12 =	simm.s32 $0x4900;
	v3 =	vperm.xlane v3, v2  }
0xe9: {  	[tilespmem:s12], [sflag:$0x1] =	stream.indirect_vreg.gather [hbm4b:s8+s4], $0x80, v4, vm0, $0xb8;
	[tilespmem:$0x1A100] =	vst v63  }
0xea: {  	s13 =	simm.s32 $0x5100;
	v3 =	vadd.s32 v1, v3  }
0xeb: {  	[tilespmem:s13], [sflag:$0x1] =	stream.indirect_vreg.gather [hbm4b:s9+s4], $0x80, v4, vm0, $0xb8;
	[tilespmem:$0x1A100] =	vst v63  }
0xec: {  	s19 =	simm.s32 $0x5900  }
0xed: {  	[tilespmem:s19], [sflag:$0x1] =	stream.indirect_vreg.gather [hbm4b:s10+s4], $0x80, v4, vm0, $0xb8;
	[tilespmem:$0x1A100] =	vst v63  }
0xee: {  	s20 =	simm.s32 $0x6100  }
0xef: {  	[tilespmem:s20], [sflag:$0x1] =	stream.indirect_vreg.gather [hbm4b:s3+s4], $0x80, v3, vm0, $0xb8;
	[tilespmem:$0x1A100] =	vst v63  }
0xf0: {  	s6 =	simm.s32 $0x6900  }
0xf1: {  	[tilespmem:s6], [sflag:$0x1] =	stream.indirect_vreg.gather [hbm4b:s8+s4], $0x80, v3, vm0, $0xb8;
	[tilespmem:$0x1A100] =	vst v63  }
0xf2: {  	s7 =	simm.s32 $0x7100  }
0xf3: {  	[tilespmem:s7], [sflag:$0x1] =	stream.indirect_vreg.gather [hbm4b:s9+s4], $0x80, v3, vm0, $0xb8;
	[tilespmem:$0x1A100] =	vst v63  }
0xf4: {  	s11 =	simm.s32 $0x7900  }
0xf5: {  	[tilespmem:s11], [sflag:$0x1] =	stream.indirect_vreg.gather [hbm4b:s10+s4], $0x80, v3, vm0, $0xb8;
	[tilespmem:$0x1A100] =	vst v63  }
0xf6: {  	v3 =	vld [tilespmem:$0x80];
	_ =	sdelay $0x4  }
0xf7: {  	v62 =	vshll.u32 v3, $0x3  }
0xf8: {  	v3 =	vand.u32 $0x7, v3;
	v4 =	vand.u32 $0xFFFFFFC0, v62  }
0xf9: {  	v3 =	vor.u32 v3, v4  }
0xfa: {  	v4 =	vperm.xlane v3, v0;
	_ =	sdelay $0x1  }
0xfb: {  	v4 =	vadd.s32 v1, v4;
	_ =	sdelay $0x3  }
0xfc: {  	s12 =	simm.s32 $0x8100  }
0xfd: {  	[tilespmem:s12], [sflag:$0x2] =	stream.indirect_vreg.gather [hbm4b:s3+s4], $0x80, v4, vm0, $0xb8;
	[tilespmem:$0x1A100] =	vst v63  }
0xfe: {  	s13 =	simm.s32 $0x8900;
	v3 =	vperm.xlane v3, v2  }
0xff: {  	[tilespmem:s13], [sflag:$0x2] =	stream.indirect_vreg.gather [hbm4b:s8+s4], $0x80, v4, vm0, $0xb8;
	[tilespmem:$0x1A100] =	vst v63  }
0x100: {  	s19 =	simm.s32 $0x9100;
	v3 =	vadd.s32 v1, v3  }
0x101: {  	[tilespmem:s19], [sflag:$0x2] =	stream.indirect_vreg.gather [hbm4b:s9+s4], $0x80, v4, vm0, $0xb8;
	[tilespmem:$0x1A100] =	vst v63  }
0x102: {  	s20 =	simm.s32 $0x9900  }
0x103: {  	[tilespmem:s20], [sflag:$0x2] =	stream.indirect_vreg.gather [hbm4b:s10+s4], $0x80, v4, vm0, $0xb8;
	[tilespmem:$0x1A100] =	vst v63  }
0x104: {  	_ = 	snop  }
0x105: {  	[tilespmem:s21], [sflag:$0x2] =	stream.indirect_vreg.gather [hbm4b:s3+s4], $0x80, v3, vm0, $0xb8;
	[tilespmem:$0x1A100] =	vst v63  }
0x106: {  	_ = 	snop  }
0x107: {  	[tilespmem:s14], [sflag:$0x2] =	stream.indirect_vreg.gather [hbm4b:s8+s4], $0x80, v3, vm0, $0xb8;
	[tilespmem:$0x1A100] =	vst v63  }
0x108: {  	_ = 	snop  }
0x109: {  	[tilespmem:s22], [sflag:$0x2] =	stream.indirect_vreg.gather [hbm4b:s9+s4], $0x80, v3, vm0, $0xb8;
	[tilespmem:$0x1A100] =	vst v63  }
0x10a: {  	_ = 	snop  }
0x10b: {  	[tilespmem:s15], [sflag:$0x2] =	stream.indirect_vreg.gather [hbm4b:s10+s4], $0x80, v3, vm0, $0xb8;
	[tilespmem:$0x1A100] =	vst v63  }
0x10c: {  	v3 =	vld [tilespmem:$0x90];
	_ =	sdelay $0x4  }
0x10d: {  	v63 =	vshll.u32 v3, $0x3  }
0x10e: {  	v3 =	vand.u32 $0x7, v3;
	v4 =	vand.u32 $0xFFFFFFC0, v63  }
0x10f: {  	v3 =	vor.u32 v3, v4  }
0x110: {  	v4 =	vperm.xlane v3, v0;
	_ =	sdelay $0x1  }
0x111: {  	v4 =	vadd.s32 v1, v4;
	_ =	sdelay $0x4  }
0x112: {  	[tilespmem:s23], [sflag:$0x2] =	stream.indirect_vreg.gather [hbm4b:s3+s4], $0x80, v4, vm0, $0xb8;
	[tilespmem:$0x1A100] =	vst v63  }
0x113: {  	v3 =	vperm.xlane v3, v2  }
0x114: {  	[tilespmem:s24], [sflag:$0x2] =	stream.indirect_vreg.gather [hbm4b:s8+s4], $0x80, v4, vm0, $0xb8;
	[tilespmem:$0x1A100] =	vst v63  }
0x115: {  	v3 =	vadd.s32 v1, v3  }
0x116: {  	[tilespmem:s16], [sflag:$0x2] =	stream.indirect_vreg.gather [hbm4b:s9+s4], $0x80, v4, vm0, $0xb8;
	[tilespmem:$0x1A100] =	vst v63  }
0x117: {  	_ = 	snop  }
0x118: {  	[tilespmem:s25], [sflag:$0x2] =	stream.indirect_vreg.gather [hbm4b:s10+s4], $0x80, v4, vm0, $0xb8;
	[tilespmem:$0x1A100] =	vst v63  }
0x119: {  	_ = 	snop  }
0x11a: {  	[tilespmem:s17], [sflag:$0x2] =	stream.indirect_vreg.gather [hbm4b:s3+s4], $0x80, v3, vm0, $0xb8;
	[tilespmem:$0x1A100] =	vst v63  }
0x11b: {  	_ = 	snop  }
0x11c: {  	[tilespmem:s26], [sflag:$0x2] =	stream.indirect_vreg.gather [hbm4b:s8+s4], $0x80, v3, vm0, $0xb8;
	[tilespmem:$0x1A100] =	vst v63  }
0x11d: {  	_ = 	snop  }
0x11e: {  	[tilespmem:s28], [sflag:$0x2] =	stream.indirect_vreg.gather [hbm4b:s9+s4], $0x80, v3, vm0, $0xb8;
	[tilespmem:$0x1A100] =	vst v63  }
0x11f: {  	_ = 	snop  }
0x120: {  	[tilespmem:s29], [sflag:$0x2] =	stream.indirect_vreg.gather [hbm4b:s10+s4], $0x80, v3, vm0, $0xb8;
	[tilespmem:$0x1A100] =	vst v63  }
0x121: {  	_ =	swait.ge [sflag:s30], $0x8000  }
0x122: {  	[sflag:s30] =	ssyncset.done $0x0  }
0x123: {  	[sflag:s30] =	ssyncadd.s32 $0xFFFF8000  }
0x124: {  	_ =	swait.ge [sflag:s31], $0x8000  }
0x125: {  	[sflag:s31] =	ssyncset.done $0x0  }
0x126: {  	s5 =	simm.s32 $0x0;
	[sflag:s31] =	ssyncadd.s32 $0xFFFF8000  }
.LBB2_6:
0x127: {  	s6 =	sshll.u32 s5, $0x7;
	s7 =	sshll.u32 s5, $0xA  }
0x128: {  	s7 =	sand.u32 $0x6000, s7;
	s11 =	sand.u32 $0x380, s6  }
0x129: {  	s20 =	sand.u32 $0x40, s4;
	s7 =	sor.u32 s7, s11  }
0x12a: {  	s12 =	sand.u32 $0x1C00, s4;
	v3 =	vld [tilespmem:s6+$0x18100];
	s11 =	sor.u32 s20, s7  }
0x12b: {  	v4 =	vld [tilespmem:s6+$0x19100];
	s11 =	sor.u32 s12, s11  }
0x12c: {  	v5 =	vld [tilespmem:s11+$0x130]  }
0x12d: {  	v6 =	vld [tilespmem:s11+$0x8130]  }
0x12e: {  	v7 =	vld [tilespmem:s11+$0x100]  }
0x12f: {  	v8 =	vld [tilespmem:s11+$0x8100]  }
0x130: {  	s13 =	simm.s32 $0x40;
	v9 =	vld [tilespmem:s11+$0x110]  }
0x131: {  	s19 =	simm.s32 $0x200;
	s6 =	sand.u32 $0x40, s13;
	v10 =	vld [tilespmem:s11+$0x8110]  }
0x132: {  	s6 =	sor.u32 s6, s7;
	s12 =	sand.u32 $0x1C00, s19;
	v11 =	vld [tilespmem:s11+$0x120];
	v5 =	vmul.f32 v5, v3;
	v6 =	vmul.f32 v6, v4  }
0x133: {  	s6 =	sor.u32 s12, s6;
	v12 =	vld [tilespmem:s11+$0x8120]  }
0x134: {  	v13 =	vld [tilespmem:s6+$0x130];
	v7 =	vmul.f32 v7, v3;
	v8 =	vmul.f32 v8, v4;
	v5 =	vadd.f32 v6, v5  }
0x135: {  	v14 =	vld [tilespmem:s6+$0x8130]  }
0x136: {  	v9 =	vmul.f32 v9, v3;
	v10 =	vmul.f32 v10, v4;
	v6 =	vld [tilespmem:s6+$0x100];
	v7 =	vadd.f32 v8, v7;
	[tilespmem:s11+$0x10130] =	vst v5  }
0x137: {  	v8 =	vld [tilespmem:s6+$0x8100]  }
0x138: {  	s20 =	simm.s32 $0x80;
	v15 =	vmul.f32 v11, v3;
	v12 =	vmul.f32 v12, v4;
	v16 =	vadd.f32 v10, v9;
	v5 =	vld [tilespmem:s6+$0x110];
	[tilespmem:s11+$0x10100] =	vst v7  }
0x139: {  	s19 =	sand.u32 $0x40, s20;
	s12 =	simm.s32 $0x400;
	v9 =	vld [tilespmem:s6+$0x8110]  }
0x13a: {  	s20 =	sor.u32 s19, s7;
	s19 =	simm.s32 $0xC0;
	s13 =	sand.u32 $0x1C00, s12;
	v11 =	vmul.f32 v14, v4;
	v10 =	vmul.f32 v13, v3;
	v12 =	vadd.f32 v12, v15;
	v7 =	vld [tilespmem:s6+$0x120];
	[tilespmem:s11+$0x10110] =	vst v16  }
.LBB2_7:
0x13b: {  	p0 =	sne.s32 s19, $0x3C0;
	s13 =	sor.u32 s13, s20;
	v13 =	vmul.f32 v6, v3;
	v14 =	vld [tilespmem:s6+$0x8120]  }
0x13c: {  	v15 =	vld [tilespmem:s13+$0x130];
	v8 =	vmul.f32 v8, v4;
	v10 =	vadd.f32 v11, v10;
	[tilespmem:s11+$0x10120] =	vst v12;
	s11 =	smov.u32 s6;
	s6 =	smov.u32 s13  }
0x13d: {  	v11 =	vld [tilespmem:s6+$0x8130];
	v12 =	vmul.f32 v5, v3  }
.Ltmp2:
0x13e: {  	v6 =	vld [tilespmem:s6+$0x100];
	v13 =	vadd.f32 v8, v13;
	v9 =	vmul.f32 v9, v4;
	[tilespmem:s11+$0x10130] =	vst v10;
	(pc) =	sbr.rel @p0 .LBB2_7-.Ltmp2, $4  }
0x13f: {  	v8 =	vld [tilespmem:s6+$0x8100];
	v16 =	vmul.f32 v7, v3  }
0x140: {  	v5 =	vld [tilespmem:s6+$0x110];
	[tilespmem:s11+$0x10100] =	vst v13;
	v12 =	vadd.f32 v9, v12;
	v13 =	vmul.f32 v14, v4  }
0x141: {  	s20 =	sand.u32 $0x40, s19;
	s12 =	sadd.s32 $0x200, s12;
	v9 =	vld [tilespmem:s6+$0x8110]  }
0x142: {  	s19 =	sadd.s32 $0x40, s19;
	s13 =	sand.u32 $0x1C00, s12;
	s20 =	sor.u32 s20, s7;
	v10 =	vmul.f32 v15, v3;
	v7 =	vld [tilespmem:s6+$0x120];
	v11 =	vmul.f32 v11, v4;
	[tilespmem:s11+$0x10110] =	vst v12;
	v12 =	vadd.f32 v13, v16  }
0x143: {  	s7 =	sor.u32 s13, s20;
	v13 =	vld [tilespmem:s6+$0x8120]  }
0x144: {  	v6 =	vmul.f32 v6, v3;
	v14 =	vld [tilespmem:s7+$0x130];
	[tilespmem:s11+$0x10120] =	vst v12;
	v10 =	vadd.f32 v11, v10;
	v8 =	vmul.f32 v8, v4  }
0x145: {  	v58 =	vld [tilespmem:s7+$0x8130]  }
0x146: {  	v12 =	vld [tilespmem:s7+$0x100];
	v5 =	vmul.f32 v5, v3;
	[tilespmem:s6+$0x10130] =	vst v10;
	v6 =	vadd.f32 v8, v6;
	v9 =	vmul.f32 v9, v4  }
0x147: {  	v59 =	vld [tilespmem:s7+$0x8100]  }
0x148: {  	v10 =	vld [tilespmem:s7+$0x110];
	[tilespmem:s6+$0x10100] =	vst v6;
	v5 =	vadd.f32 v9, v5  }
0x149: {  	v6 =	vld [tilespmem:s7+$0x8110]  }
0x14a: {  	v60 =	vld [tilespmem:s7+$0x120];
	[tilespmem:s6+$0x10110] =	vst v5  }
0x14b: {  	v5 =	vld [tilespmem:s7+$0x8120]  }
0x14c: {  	v7 =	vmul.f32 v7, v3;
	v13 =	vmul.f32 v13, v4  }
0x14d: {  	v14 =	vmul.f32 v14, v3;
	v11 =	vmul.f32 v58, v4  }
0x14e: {  	s5 =	sadd.s32 $0x1, s5;
	v7 =	vadd.f32 v13, v7;
	v12 =	vmul.f32 v12, v3;
	v8 =	vmul.f32 v59, v4  }
0x14f: {  	p0 =	sne.s32 s5, $0x20;
	v11 =	vadd.f32 v11, v14;
	v10 =	vmul.f32 v10, v3;
	v6 =	vmul.f32 v6, v4  }
.Ltmp3:
0x150: {  	[tilespmem:s6+$0x10120] =	vst v7;
	v61 =	vadd.f32 v8, v12;
	v3 =	vmul.f32 v60, v3;
	v62 =	vmul.f32 v5, v4;
	(pc) =	sbr.rel @p0 .LBB2_6-.Ltmp3, $4  }
0x151: {  	[tilespmem:s7+$0x10130] =	vst v11;
	v63 =	vadd.f32 v6, v10  }
0x152: {  	[tilespmem:s7+$0x10100] =	vst v61;
	v3 =	vadd.f32 v62, v3  }
0x153: {  	[tilespmem:s7+$0x10110] =	vst v63  }
0x154: {  	[tilespmem:s7+$0x10120] =	vst v3  }
0x155: {  	s4 =	rddreg [dreg:$0xc]  }
0x156: {  	[hbm4b:s4+s1] =	stream.linear.scatter [tilespmem:s0], [sflag:$0x3], $0x8000, $0x38;
	[tilespmem:$0x1A100] =	vst v63  }
0x157: {  	_ =	swait.ge [sflag:s18], $0x8000  }
0x158: {  	s2 =	sadd.s32 $0x1, s2;
	s20 =	rddreg [dreg:$0xd]  }
0x159: {  	p0 =	sne.s32 s2, s20  }
.Ltmp4:
0x15a: {  	_ = 	snop;
	(pc) =	sbr.rel @p0 .LBB2_1-.Ltmp4, $3  }
0x15b: {  	_ =	sdelay $0x1  }
0x15c: {  	[sflag:s18] =	ssyncset.done $0x0  }
0x15d: {  	[sflag:s18] =	ssyncadd.s32 $0xFFFF8000;
	s20 =	simm.s32 $0x80  }
0x15e: {  	_ =	sfence.sel $0x180000  }
0x15f: {  	[bflag:$0x0] =	sbarrier.arrive $0xFFFF  }
0x160: {  	_ =	strace $0x9000004A  }
0x161: {  	s0 =	stileid.u32;
	[bflag:$0x2] =	sbarrier.arrive $0xFFFF  }
0x162: {  	p0 =	sne.s32 s0, $0x0;
	s0 =	rddreg [dreg:$0x2]  }
0x163: {  	s0 =	sadd.s32 @!p0 $0x100000, s0  }
0x164: {  	[sflag:s0] =	ssyncadd.tile.s32 @!p0 $0x1;
	_ =	shalt  }
.Lfunc_end2:
_tile_overlayer_lowered:
.L_overlay_start_2:
0x165: {  	(tag) =	ssettag $0x2  }
0x166: {  	s0 =	rddreg [dreg:$0x0];
	s2 =	stileid.u32  }
0x167: {  	s1 =	rddreg [dreg:$0x1];
	p0 =	sne.s32 s2, $0x0  }
0x168: {  	s3 =	rddreg [dreg:$0x2];
	[bflag:$0x3] =	sbarrier.arrive $0xFFFF;
	s2 =	simm.s32 @!p0 $0x1C03  }
0x169: {  	[timem:s3], [sflag:s2] =	dma.local @!p0 [hbm:s0], s1  }
0x16a: {  	s0 =	simm.s32 @!p0 $0x3  }
0x16b: {  	_ =	swait.ge @!p0 [sflag:s0], s1  }
0x16c: {  	s1 =	ssub.s32 @!p0 $0x0, s1;
	[sflag:s0] =	ssyncset.done @!p0 $0x0  }
0x16d: {  	[sflag:s0] =	ssyncadd.s32 @!p0 s1  }
0x16e: {  	[bflag:$0x3] =	sbarrier.arrive $0xFFFF  }
0x16f: {  	_ =	shalt  }

</sc_bundles>
